<compile_context>
chip_gen: v7x
topology: tpu7x:2x2x1
jax: 0.10.2.dev20260603
libtpu: 0.0.44.dev20260713+nightly
codegen_flags: <defaults>
</compile_context>

<pallas_src>
import functools

import jax
import jax.numpy as jnp
from jax import lax
from jax.experimental import pallas as pl
from jax.experimental.pallas import tpu as pltpu
from jax.experimental.pallas import tpu_sc as plsc

BATCH = 16384
D = 32
LANES = 16
NUM_CORES = 2
NUM_SUBCORES = 16
NUM_WORKERS = NUM_CORES * NUM_SUBCORES
B_PER_W = BATCH // NUM_WORKERS
TILE = 128
NBUF = 4
CHUNK = 128
N_CHUNKS = B_PER_W // CHUNK
STEPS = CHUNK // NBUF


def _vad_body(ids_hbm, epsT_hbm, muT_hbm, lvT_hbm,
              latT_out, muT_out, lvT_out,
              idx_v, eps_v, mus_v, lvs_v, lats_v,
              tmu0, tmu1, tmu2, tmu3, tlv0, tlv1, tlv2, tlv3,
              musem, lvsem, esem, osem):
    wid = lax.axis_index("s") * NUM_CORES + lax.axis_index("c")
    base = wid * B_PER_W

    pltpu.sync_copy(ids_hbm.at[pl.ds(base, B_PER_W)],
                    idx_v.at[pl.ds(0, B_PER_W)])
    eps_cp = pltpu.async_copy(epsT_hbm.at[:, pl.ds(base, B_PER_W)],
                              eps_v, esem)

    tmu = (tmu0, tmu1, tmu2, tmu3)
    tlv = (tlv0, tlv1, tlv2, tlv3)

    def issue(i, b):
        off = pl.multiple_of(lax.shift_right_logical(i, 7) * TILE, TILE)
        pltpu.async_copy(muT_hbm.at[:, pl.ds(off, TILE)], tmu[b], musem)
        pltpu.async_copy(lvT_hbm.at[:, pl.ds(off, TILE)], tlv[b], lvsem)

    ids0 = idx_v[pl.ds(0, LANES)]
    for b in range(NBUF):
        issue(ids0[b], b)

    eps_cp.wait()
    iota = lax.iota(jnp.int32, LANES)
    rows_hi = iota + LANES

    for c in range(N_CHUNKS):

        def blk(g, carry, c=c):
            for b in range(NBUF):
                p = c * CHUNK + g * NBUF + b
                pltpu.make_async_copy(
                    muT_hbm.at[:, pl.ds(0, TILE)], tmu[b], musem).wait()
                pltpu.make_async_copy(
                    lvT_hbm.at[:, pl.ds(0, TILE)], tlv[b], lvsem).wait()

                i = idx_v[pl.ds(p, LANES)][0]
                lane = jnp.full((LANES,), i & (TILE - 1), jnp.int32)
                colp = jnp.full((LANES,), g * NBUF + b, jnp.int32)
                pcol = jnp.full((LANES,), p, jnp.int32)

                m_lo = plsc.load_gather(tmu[b], [iota, lane])
                m_hi = plsc.load_gather(tmu[b], [rows_hi, lane])
                v_lo = plsc.load_gather(tlv[b], [iota, lane])
                v_hi = plsc.load_gather(tlv[b], [rows_hi, lane])
                e_lo = plsc.load_gather(eps_v, [iota, pcol])
                e_hi = plsc.load_gather(eps_v, [rows_hi, pcol])
                l_lo = m_lo + e_lo * jnp.exp(v_lo * 0.5)
                l_hi = m_hi + e_hi * jnp.exp(v_hi * 0.5)

                plsc.store_scatter(mus_v, [iota, colp], m_lo)
                plsc.store_scatter(mus_v, [rows_hi, colp], m_hi)
                plsc.store_scatter(lvs_v, [iota, colp], v_lo)
                plsc.store_scatter(lvs_v, [rows_hi, colp], v_hi)
                plsc.store_scatter(lats_v, [iota, colp], l_lo)
                plsc.store_scatter(lats_v, [rows_hi, colp], l_hi)

                @pl.when(p + NBUF < B_PER_W)
                def _():
                    iq = idx_v[pl.ds(p + NBUF, LANES)][0]
                    issue(iq, b)

            return carry

        lax.fori_loop(0, STEPS, blk, 0)

        dst = pl.ds(base + c * CHUNK, CHUNK)
        cps = (
            pltpu.async_copy(mus_v, muT_out.at[:, dst], osem),
            pltpu.async_copy(lvs_v, lvT_out.at[:, dst], osem),
            pltpu.async_copy(lats_v, latT_out.at[:, dst], osem),
        )
        for cp in cps:
            cp.wait()


@functools.partial(
    pl.kernel,
    out_type=(
        jax.ShapeDtypeStruct((D, BATCH), jnp.float32),
        jax.ShapeDtypeStruct((D, BATCH), jnp.float32),
        jax.ShapeDtypeStruct((D, BATCH), jnp.float32),
    ),
    mesh=plsc.VectorSubcoreMesh(core_axis_name="c", subcore_axis_name="s"),
    compiler_params=pltpu.CompilerParams(needs_layout_passes=False),
    scratch_types=[
        pltpu.VMEM((B_PER_W + 2 * LANES,), jnp.int32),
        pltpu.VMEM((D, B_PER_W), jnp.float32),
        pltpu.VMEM((D, CHUNK), jnp.float32),
        pltpu.VMEM((D, CHUNK), jnp.float32),
        pltpu.VMEM((D, CHUNK), jnp.float32),
        pltpu.VMEM((D, TILE), jnp.float32),
        pltpu.VMEM((D, TILE), jnp.float32),
        pltpu.VMEM((D, TILE), jnp.float32),
        pltpu.VMEM((D, TILE), jnp.float32),
        pltpu.VMEM((D, TILE), jnp.float32),
        pltpu.VMEM((D, TILE), jnp.float32),
        pltpu.VMEM((D, TILE), jnp.float32),
        pltpu.VMEM((D, TILE), jnp.float32),
        pltpu.SemaphoreType.DMA,
        pltpu.SemaphoreType.DMA,
        pltpu.SemaphoreType.DMA,
        pltpu.SemaphoreType.DMA,
    ],
)
def _vad_kernel(ids_hbm, epsT_hbm, muT_hbm, lvT_hbm,
                latT_out, muT_out, lvT_out,
                idx_v, eps_v, mus_v, lvs_v, lats_v,
                tmu0, tmu1, tmu2, tmu3, tlv0, tlv1, tlv2, tlv3,
                musem, lvsem, esem, osem):
    _vad_body(ids_hbm, epsT_hbm, muT_hbm, lvT_hbm,
              latT_out, muT_out, lvT_out,
              idx_v, eps_v, mus_v, lvs_v, lats_v,
              tmu0, tmu1, tmu2, tmu3, tlv0, tlv1, tlv2, tlv3,
              musem, lvsem, esem, osem)


@jax.jit
def kernel(instance_ids, eps, weight_mu, weight_logvar):
    latT, muT, lvT = _vad_kernel(
        instance_ids, eps.T, weight_mu.T, weight_logvar.T)
    return (latT.T, muT.T, lvT.T)

# --- scband reference (transcript-rebuilt; emitter-appended) ---
"""Pipeline reference for scband-code-library-vanilla-vad-11269994185183 (READ-ONLY COPY).

The authoritative reference and input builder live on the scoring server;
editing this copy changes nothing except your own understanding.
"""

import jax, jax.numpy as jnp
import numpy as np

N_MAX_OBJS = 1000000
CODE_LEN = 32
BATCH = 16384

def setup_inputs(seed: int = 0):
    key = jax.random.key(seed)
    k1, k2, k3, k4 = jax.random.split(key, 4)
    init_std = 1.0 / np.sqrt(CODE_LEN)
    weight_mu = jax.random.normal(k1, (N_MAX_OBJS, CODE_LEN), dtype=jnp.float32) * init_std
    weight_logvar = jax.random.normal(k2, (N_MAX_OBJS, CODE_LEN), dtype=jnp.float32) * init_std
    instance_ids = jax.random.randint(k3, (BATCH,), 0, N_MAX_OBJS, dtype=jnp.int32)
    eps = jax.random.normal(k4, (BATCH, CODE_LEN), dtype=jnp.float32)
    return {"instance_ids": instance_ids, "eps": eps, "weight_mu": weight_mu, "weight_logvar": weight_logvar}

def reference(instance_ids, eps, weight_mu, weight_logvar):
    # mu = self.weight_mu[instance_ids]; logvar = self.weight_logvar[instance_ids]
    mu = jnp.take(weight_mu, instance_ids, axis=0)
    logvar = jnp.take(weight_logvar, instance_ids, axis=0)
    # reparametrize: std = exp(0.5*logvar); batch_latent = mu + eps * std
    # (eps = randn_like(std) is materialized in setup_inputs for determinism)
    std = jnp.exp(0.5 * logvar)
    batch_latent = mu + eps * std
    # ret_dict: embedding_instance, mu, logvar
    return (batch_latent, mu, logvar)

if __name__ == "__main__":
    import jax
    _d = setup_inputs()
    print(jax.jit(kernel)(*tuple(_d.values())))

</pallas_src>

<mosaic_0001>
#map = affine_map<(d0, d1) -> (0)>
#map1 = affine_map<(d0, d1) -> (0, 0)>
module attributes {stable_mosaic.version = 14 : i64} {
  func.func @_vad_kernel(%arg0: i32, %arg1: i32, %arg2: memref<16384xi32, #tpu.memory_space<hbm>>, %arg3: memref<32x16384xf32, #tpu.memory_space<hbm>>, %arg4: memref<32x1000000xf32, #tpu.memory_space<hbm>>, %arg5: memref<32x1000000xf32, #tpu.memory_space<hbm>>, %arg6: memref<32x16384xf32, #tpu.memory_space<hbm>>, %arg7: memref<32x16384xf32, #tpu.memory_space<hbm>>, %arg8: memref<32x16384xf32, #tpu.memory_space<hbm>>, %arg9: memref<544xi32, #tpu.memory_space<vmem>>, %arg10: memref<32x512xf32, #tpu.memory_space<vmem>>, %arg11: memref<32x128xf32, #tpu.memory_space<vmem>>, %arg12: memref<32x128xf32, #tpu.memory_space<vmem>>, %arg13: memref<32x128xf32, #tpu.memory_space<vmem>>, %arg14: memref<32x128xf32, #tpu.memory_space<vmem>>, %arg15: memref<32x128xf32, #tpu.memory_space<vmem>>, %arg16: memref<32x128xf32, #tpu.memory_space<vmem>>, %arg17: memref<32x128xf32, #tpu.memory_space<vmem>>, %arg18: memref<32x128xf32, #tpu.memory_space<vmem>>, %arg19: memref<32x128xf32, #tpu.memory_space<vmem>>, %arg20: memref<32x128xf32, #tpu.memory_space<vmem>>, %arg21: memref<32x128xf32, #tpu.memory_space<vmem>>, %arg22: memref<!tpu.dma_semaphore, #tpu.memory_space<semaphore_mem>>, %arg23: memref<!tpu.dma_semaphore, #tpu.memory_space<semaphore_mem>>, %arg24: memref<!tpu.dma_semaphore, #tpu.memory_space<semaphore_mem>>, %arg25: memref<!tpu.dma_semaphore, #tpu.memory_space<semaphore_mem>>) attributes {dimension_semantics = [#tpu.dimension_semantics<core_parallel>, #tpu.dimension_semantics<subcore_parallel>], iteration_bounds = array<i64: 2, 16>, scalar_prefetch = 0 : i64, scratch_operands = 17 : i64, tpu.core_type = #tpu.core_type<sc_vector_subcore>, window_params = [{transform_indices = #map}, {transform_indices = #map1}, {transform_indices = #map1}, {transform_indices = #map1}, {transform_indices = #map1}, {transform_indices = #map1}, {transform_indices = #map1}]} {
    %mul3A = arith.constant 2 : i32
    %mul3A_0 = arith.muli %arg1, %mul3A : i32
    %add3A = arith.addi %mul3A_0, %arg0 : i32
    %mul3A_1 = arith.constant 512 : i32
    %mul3A_2 = arith.muli %add3A, %mul3A_1 : i32
    "tpu.region"() ({
      %run_scoped3A = tpu.sem_alloc : memref<!tpu.dma_semaphore, #tpu.memory_space<semaphore_mem>>
      %dma_start3A_196 = arith.constant 0 : i32
      %dma_start3A_197 = tpu.memref_slice %arg9[%dma_start3A_196] : memref<544xi32, #tpu.memory_space<vmem>> -> memref<512xi32, #tpu.memory_space<vmem>>
      %dma_start3A_198 = tpu.memref_slice %arg2[%mul3A_2] : memref<16384xi32, #tpu.memory_space<hbm>> -> memref<512xi32, #tpu.memory_space<hbm>>
      %dma_start3A_199 = arith.constant 0 : i32
      %dma_start3A_200 = tpu.memref_slice %arg9[%dma_start3A_199] : memref<544xi32, #tpu.memory_space<vmem>> -> memref<512xi32, #tpu.memory_space<vmem>>
      %dma_start3A_201 = tpu.memref_slice %arg2[%mul3A_2] : memref<16384xi32, #tpu.memory_space<hbm>> -> memref<512xi32, #tpu.memory_space<hbm>>
      tpu.enqueue_dma source(%dma_start3A_201 : memref<512xi32, #tpu.memory_space<hbm>>) target(%dma_start3A_200 : memref<512xi32, #tpu.memory_space<vmem>>) target_semaphore(%run_scoped3A : memref<!tpu.dma_semaphore, #tpu.memory_space<semaphore_mem>>)
      %dma_wait3A_202 = arith.constant 0 : i32
      %dma_wait3A_203 = tpu.memref_slice %arg9[%dma_wait3A_202] : memref<544xi32, #tpu.memory_space<vmem>> -> memref<512xi32, #tpu.memory_space<vmem>>
      %dma_wait3A_204 = tpu.memref_slice %arg2[%mul3A_2] : memref<16384xi32, #tpu.memory_space<hbm>> -> memref<512xi32, #tpu.memory_space<hbm>>
      %dma_wait3A_205 = arith.constant 0 : i32
      %dma_wait3A_206 = tpu.memref_slice %arg9[%dma_wait3A_205] : memref<544xi32, #tpu.memory_space<vmem>> -> memref<512xi32, #tpu.memory_space<vmem>>
      %dma_wait3A_207 = tpu.memref_slice %arg2[%mul3A_2] : memref<16384xi32, #tpu.memory_space<hbm>> -> memref<512xi32, #tpu.memory_space<hbm>>
      tpu.wait_dma2 semaphore(%run_scoped3A : memref<!tpu.dma_semaphore, #tpu.memory_space<semaphore_mem>>) src(%dma_wait3A_207 : memref<512xi32, #tpu.memory_space<hbm>>) dst(%dma_wait3A_206 : memref<512xi32, #tpu.memory_space<vmem>>)
      tpu.yield
    }) : () -> ()
    %dma_start3A = arith.constant 0 : i32
    %dma_start3A_3 = tpu.memref_slice %arg3[%dma_start3A, %mul3A_2] : memref<32x16384xf32, #tpu.memory_space<hbm>> -> memref<32x512xf32, #tpu.memory_space<hbm>>
    %dma_start3A_4 = arith.constant 0 : i32
    %dma_start3A_5 = tpu.memref_slice %arg3[%dma_start3A_4, %mul3A_2] : memref<32x16384xf32, #tpu.memory_space<hbm>> -> memref<32x512xf32, #tpu.memory_space<hbm>>
    tpu.enqueue_dma source(%dma_start3A_5 : memref<32x512xf32, #tpu.memory_space<hbm>>) target(%arg10 : memref<32x512xf32, #tpu.memory_space<vmem>>) target_semaphore(%arg24 : memref<!tpu.dma_semaphore, #tpu.memory_space<semaphore_mem>>)
    %get3A = arith.constant 0 : index
    %get3A_6 = tpu.vector_load %arg9[%get3A] {strides = array<i32>} : memref<544xi32, #tpu.memory_space<vmem>>, vector<16xi32>,
    %slice3A = vector.extract_strided_slice %get3A_6 {offsets = [0], sizes = [1], strides = [1]} : vector<16xi32> to vector<1xi32>
    %squeeze3A = vector.extract %slice3A[0] : i32 from vector<1xi32>
    %shift_right_logical3A = arith.constant 7 : i32
    %shift_right_logical3A_7 = arith.shrui %squeeze3A, %shift_right_logical3A : i32
    %mul3A_8 = arith.constant 128 : i32
    %mul3A_9 = arith.muli %shift_right_logical3A_7, %mul3A_8 : i32
    %multiple_of3A = tpu.assume_multiple %mul3A_9, 128 : i32
    %dma_start3A_10 = arith.constant 0 : i32
    %dma_start3A_11 = tpu.memref_slice %arg4[%dma_start3A_10, %multiple_of3A] : memref<32x1000000xf32, #tpu.memory_space<hbm>> -> memref<32x128xf32, #tpu.memory_space<hbm>>
    %dma_start3A_12 = arith.constant 0 : i32
    %dma_start3A_13 = tpu.memref_slice %arg4[%dma_start3A_12, %multiple_of3A] : memref<32x1000000xf32, #tpu.memory_space<hbm>> -> memref<32x128xf32, #tpu.memory_space<hbm>>
    tpu.enqueue_dma source(%dma_start3A_13 : memref<32x128xf32, #tpu.memory_space<hbm>>) target(%arg14 : memref<32x128xf32, #tpu.memory_space<vmem>>) target_semaphore(%arg22 : memref<!tpu.dma_semaphore, #tpu.memory_space<semaphore_mem>>)
    %dma_start3A_14 = arith.constant 0 : i32
    %dma_start3A_15 = tpu.memref_slice %arg5[%dma_start3A_14, %multiple_of3A] : memref<32x1000000xf32, #tpu.memory_space<hbm>> -> memref<32x128xf32, #tpu.memory_space<hbm>>
    %dma_start3A_16 = arith.constant 0 : i32
    %dma_start3A_17 = tpu.memref_slice %arg5[%dma_start3A_16, %multiple_of3A] : memref<32x1000000xf32, #tpu.memory_space<hbm>> -> memref<32x128xf32, #tpu.memory_space<hbm>>
    tpu.enqueue_dma source(%dma_start3A_17 : memref<32x128xf32, #tpu.memory_space<hbm>>) target(%arg18 : memref<32x128xf32, #tpu.memory_space<vmem>>) target_semaphore(%arg23 : memref<!tpu.dma_semaphore, #tpu.memory_space<semaphore_mem>>)
    %slice3A_18 = vector.extract_strided_slice %get3A_6 {offsets = [1], sizes = [1], strides = [1]} : vector<16xi32> to vector<1xi32>
    %squeeze3A_19 = vector.extract %slice3A_18[0] : i32 from vector<1xi32>
    %shift_right_logical3A_20 = arith.constant 7 : i32
    %shift_right_logical3A_21 = arith.shrui %squeeze3A_19, %shift_right_logical3A_20 : i32
    %mul3A_22 = arith.constant 128 : i32
    %mul3A_23 = arith.muli %shift_right_logical3A_21, %mul3A_22 : i32
    %multiple_of3A_24 = tpu.assume_multiple %mul3A_23, 128 : i32
    %dma_start3A_25 = arith.constant 0 : i32
    %dma_start3A_26 = tpu.memref_slice %arg4[%dma_start3A_25, %multiple_of3A_24] : memref<32x1000000xf32, #tpu.memory_space<hbm>> -> memref<32x128xf32, #tpu.memory_space<hbm>>
    %dma_start3A_27 = arith.constant 0 : i32
    %dma_start3A_28 = tpu.memref_slice %arg4[%dma_start3A_27, %multiple_of3A_24] : memref<32x1000000xf32, #tpu.memory_space<hbm>> -> memref<32x128xf32, #tpu.memory_space<hbm>>
    tpu.enqueue_dma source(%dma_start3A_28 : memref<32x128xf32, #tpu.memory_space<hbm>>) target(%arg15 : memref<32x128xf32, #tpu.memory_space<vmem>>) target_semaphore(%arg22 : memref<!tpu.dma_semaphore, #tpu.memory_space<semaphore_mem>>)
    %dma_start3A_29 = arith.constant 0 : i32
    %dma_start3A_30 = tpu.memref_slice %arg5[%dma_start3A_29, %multiple_of3A_24] : memref<32x1000000xf32, #tpu.memory_space<hbm>> -> memref<32x128xf32, #tpu.memory_space<hbm>>
    %dma_start3A_31 = arith.constant 0 : i32
    %dma_start3A_32 = tpu.memref_slice %arg5[%dma_start3A_31, %multiple_of3A_24] : memref<32x1000000xf32, #tpu.memory_space<hbm>> -> memref<32x128xf32, #tpu.memory_space<hbm>>
    tpu.enqueue_dma source(%dma_start3A_32 : memref<32x128xf32, #tpu.memory_space<hbm>>) target(%arg19 : memref<32x128xf32, #tpu.memory_space<vmem>>) target_semaphore(%arg23 : memref<!tpu.dma_semaphore, #tpu.memory_space<semaphore_mem>>)
    %slice3A_33 = vector.extract_strided_slice %get3A_6 {offsets = [2], sizes = [1], strides = [1]} : vector<16xi32> to vector<1xi32>
    %squeeze3A_34 = vector.extract %slice3A_33[0] : i32 from vector<1xi32>
    %shift_right_logical3A_35 = arith.constant 7 : i32
    %shift_right_logical3A_36 = arith.shrui %squeeze3A_34, %shift_right_logical3A_35 : i32
    %mul3A_37 = arith.constant 128 : i32
    %mul3A_38 = arith.muli %shift_right_logical3A_36, %mul3A_37 : i32
    %multiple_of3A_39 = tpu.assume_multiple %mul3A_38, 128 : i32
    %dma_start3A_40 = arith.constant 0 : i32
    %dma_start3A_41 = tpu.memref_slice %arg4[%dma_start3A_40, %multiple_of3A_39] : memref<32x1000000xf32, #tpu.memory_space<hbm>> -> memref<32x128xf32, #tpu.memory_space<hbm>>
    %dma_start3A_42 = arith.constant 0 : i32
    %dma_start3A_43 = tpu.memref_slice %arg4[%dma_start3A_42, %multiple_of3A_39] : memref<32x1000000xf32, #tpu.memory_space<hbm>> -> memref<32x128xf32, #tpu.memory_space<hbm>>
    tpu.enqueue_dma source(%dma_start3A_43 : memref<32x128xf32, #tpu.memory_space<hbm>>) target(%arg16 : memref<32x128xf32, #tpu.memory_space<vmem>>) target_semaphore(%arg22 : memref<!tpu.dma_semaphore, #tpu.memory_space<semaphore_mem>>)
    %dma_start3A_44 = arith.constant 0 : i32
    %dma_start3A_45 = tpu.memref_slice %arg5[%dma_start3A_44, %multiple_of3A_39] : memref<32x1000000xf32, #tpu.memory_space<hbm>> -> memref<32x128xf32, #tpu.memory_space<hbm>>
    %dma_start3A_46 = arith.constant 0 : i32
    %dma_start3A_47 = tpu.memref_slice %arg5[%dma_start3A_46, %multiple_of3A_39] : memref<32x1000000xf32, #tpu.memory_space<hbm>> -> memref<32x128xf32, #tpu.memory_space<hbm>>
    tpu.enqueue_dma source(%dma_start3A_47 : memref<32x128xf32, #tpu.memory_space<hbm>>) target(%arg20 : memref<32x128xf32, #tpu.memory_space<vmem>>) target_semaphore(%arg23 : memref<!tpu.dma_semaphore, #tpu.memory_space<semaphore_mem>>)
    %slice3A_48 = vector.extract_strided_slice %get3A_6 {offsets = [3], sizes = [1], strides = [1]} : vector<16xi32> to vector<1xi32>
    %squeeze3A_49 = vector.extract %slice3A_48[0] : i32 from vector<1xi32>
    %shift_right_logical3A_50 = arith.constant 7 : i32
    %shift_right_logical3A_51 = arith.shrui %squeeze3A_49, %shift_right_logical3A_50 : i32
    %mul3A_52 = arith.constant 128 : i32
    %mul3A_53 = arith.muli %shift_right_logical3A_51, %mul3A_52 : i32
    %multiple_of3A_54 = tpu.assume_multiple %mul3A_53, 128 : i32
    %dma_start3A_55 = arith.constant 0 : i32
    %dma_start3A_56 = tpu.memref_slice %arg4[%dma_start3A_55, %multiple_of3A_54] : memref<32x1000000xf32, #tpu.memory_space<hbm>> -> memref<32x128xf32, #tpu.memory_space<hbm>>
    %dma_start3A_57 = arith.constant 0 : i32
    %dma_start3A_58 = tpu.memref_slice %arg4[%dma_start3A_57, %multiple_of3A_54] : memref<32x1000000xf32, #tpu.memory_space<hbm>> -> memref<32x128xf32, #tpu.memory_space<hbm>>
    tpu.enqueue_dma source(%dma_start3A_58 : memref<32x128xf32, #tpu.memory_space<hbm>>) target(%arg17 : memref<32x128xf32, #tpu.memory_space<vmem>>) target_semaphore(%arg22 : memref<!tpu.dma_semaphore, #tpu.memory_space<semaphore_mem>>)
    %dma_start3A_59 = arith.constant 0 : i32
    %dma_start3A_60 = tpu.memref_slice %arg5[%dma_start3A_59, %multiple_of3A_54] : memref<32x1000000xf32, #tpu.memory_space<hbm>> -> memref<32x128xf32, #tpu.memory_space<hbm>>
    %dma_start3A_61 = arith.constant 0 : i32
    %dma_start3A_62 = tpu.memref_slice %arg5[%dma_start3A_61, %multiple_of3A_54] : memref<32x1000000xf32, #tpu.memory_space<hbm>> -> memref<32x128xf32, #tpu.memory_space<hbm>>
    tpu.enqueue_dma source(%dma_start3A_62 : memref<32x128xf32, #tpu.memory_space<hbm>>) target(%arg21 : memref<32x128xf32, #tpu.memory_space<vmem>>) target_semaphore(%arg23 : memref<!tpu.dma_semaphore, #tpu.memory_space<semaphore_mem>>)
    %dma_wait3A = arith.constant 0 : i32
    %dma_wait3A_63 = tpu.memref_slice %arg3[%dma_wait3A, %mul3A_2] : memref<32x16384xf32, #tpu.memory_space<hbm>> -> memref<32x512xf32, #tpu.memory_space<hbm>>
    %dma_wait3A_64 = arith.constant 0 : i32
    %dma_wait3A_65 = tpu.memref_slice %arg3[%dma_wait3A_64, %mul3A_2] : memref<32x16384xf32, #tpu.memory_space<hbm>> -> memref<32x512xf32, #tpu.memory_space<hbm>>
    tpu.wait_dma2 semaphore(%arg24 : memref<!tpu.dma_semaphore, #tpu.memory_space<semaphore_mem>>) src(%dma_wait3A_65 : memref<32x512xf32, #tpu.memory_space<hbm>>) dst(%arg10 : memref<32x512xf32, #tpu.memory_space<vmem>>)
    %iota3A = tpu.iota {dimensions = array<i32: 0>} : vector<16xi32>
    %add3A_66 = arith.constant 16 : i32
    %add3A_67 = vector.broadcast %add3A_66 : i32 to vector<16xi32>
    %add3A_68 = arith.addi %iota3A, %add3A_67 : vector<16xi32>
    %scan3A = arith.constant 0 : i32
    %scan3A_69 = arith.constant 0 : i32
    %scan3A_70 = arith.constant 32 : i32
    %scan3A_71 = arith.addi %scan3A_69, %scan3A_70 : i32
    %scan3A_72 = arith.constant 1 : i32
    scf.for %scan3A_196 = %scan3A_69 to %scan3A_71 step %scan3A_72  : i32 {
      %mul3A_197 = arith.constant 4 : i32
      %mul3A_198 = arith.muli %scan3A_196, %mul3A_197 : i32
      %add3A_199 = arith.constant 0 : i32
      %add3A_200 = arith.addi %add3A_199, %mul3A_198 : i32
      %add3A_201 = arith.constant 0 : i32
      %add3A_202 = arith.addi %add3A_200, %add3A_201 : i32
      %dma_wait3A_203 = arith.constant 0 : i32
      %dma_wait3A_204 = arith.constant 0 : i32
      %dma_wait3A_205 = tpu.memref_slice %arg4[%dma_wait3A_203, %dma_wait3A_204] : memref<32x1000000xf32, #tpu.memory_space<hbm>> -> memref<32x128xf32, #tpu.memory_space<hbm>>
      %dma_wait3A_206 = arith.constant 0 : i32
      %dma_wait3A_207 = arith.constant 0 : i32
      %dma_wait3A_208 = tpu.memref_slice %arg4[%dma_wait3A_206, %dma_wait3A_207] : memref<32x1000000xf32, #tpu.memory_space<hbm>> -> memref<32x128xf32, #tpu.memory_space<hbm>>
      tpu.wait_dma2 semaphore(%arg22 : memref<!tpu.dma_semaphore, #tpu.memory_space<semaphore_mem>>) src(%dma_wait3A_208 : memref<32x128xf32, #tpu.memory_space<hbm>>) dst(%arg14 : memref<32x128xf32, #tpu.memory_space<vmem>>)
      %dma_wait3A_209 = arith.constant 0 : i32
      %dma_wait3A_210 = arith.constant 0 : i32
      %dma_wait3A_211 = tpu.memref_slice %arg5[%dma_wait3A_209, %dma_wait3A_210] : memref<32x1000000xf32, #tpu.memory_space<hbm>> -> memref<32x128xf32, #tpu.memory_space<hbm>>
      %dma_wait3A_212 = arith.constant 0 : i32
      %dma_wait3A_213 = arith.constant 0 : i32
      %dma_wait3A_214 = tpu.memref_slice %arg5[%dma_wait3A_212, %dma_wait3A_213] : memref<32x1000000xf32, #tpu.memory_space<hbm>> -> memref<32x128xf32, #tpu.memory_space<hbm>>
      tpu.wait_dma2 semaphore(%arg23 : memref<!tpu.dma_semaphore, #tpu.memory_space<semaphore_mem>>) src(%dma_wait3A_214 : memref<32x128xf32, #tpu.memory_space<hbm>>) dst(%arg18 : memref<32x128xf32, #tpu.memory_space<vmem>>)
      %get3A_215 = arith.index_cast %add3A_202 : i32 to index
      %get3A_216 = tpu.vector_load %arg9[%get3A_215] {strides = array<i32>} : memref<544xi32, #tpu.memory_space<vmem>>, vector<16xi32>,
      %slice3A_217 = vector.extract_strided_slice %get3A_216 {offsets = [0], sizes = [1], strides = [1]} : vector<16xi32> to vector<1xi32>
      %squeeze3A_218 = vector.extract %slice3A_217[0] : i32 from vector<1xi32>
      %and3A = arith.constant 127 : i32
      %and3A_219 = arith.andi %squeeze3A_218, %and3A : i32
      %broadcast_in_dim3A = vector.broadcast %and3A_219 : i32 to vector<16xi32>
      %mul3A_220 = arith.constant 4 : i32
      %mul3A_221 = arith.muli %scan3A_196, %mul3A_220 : i32
      %add3A_222 = arith.constant 0 : i32
      %add3A_223 = arith.addi %mul3A_221, %add3A_222 : i32
      %broadcast_in_dim3A_224 = vector.broadcast %add3A_223 : i32 to vector<16xi32>
      %broadcast_in_dim3A_225 = vector.broadcast %add3A_202 : i32 to vector<16xi32>
      %gather3A = tpu.vector_load_idx %arg14[%iota3A, %broadcast_in_dim3A] : memref<32x128xf32, #tpu.memory_space<vmem>>[vector<16xi32>, vector<16xi32>], vector<16xf32>,
      %gather3A_226 = tpu.vector_load_idx %arg14[%add3A_68, %broadcast_in_dim3A] : memref<32x128xf32, #tpu.memory_space<vmem>>[vector<16xi32>, vector<16xi32>], vector<16xf32>,
      %gather3A_227 = tpu.vector_load_idx %arg18[%iota3A, %broadcast_in_dim3A] : memref<32x128xf32, #tpu.memory_space<vmem>>[vector<16xi32>, vector<16xi32>], vector<16xf32>,
      %gather3A_228 = tpu.vector_load_idx %arg18[%add3A_68, %broadcast_in_dim3A] : memref<32x128xf32, #tpu.memory_space<vmem>>[vector<16xi32>, vector<16xi32>], vector<16xf32>,
      %gather3A_229 = tpu.vector_load_idx %arg10[%iota3A, %broadcast_in_dim3A_225] : memref<32x512xf32, #tpu.memory_space<vmem>>[vector<16xi32>, vector<16xi32>], vector<16xf32>,
      %gather3A_230 = tpu.vector_load_idx %arg10[%add3A_68, %broadcast_in_dim3A_225] : memref<32x512xf32, #tpu.memory_space<vmem>>[vector<16xi32>, vector<16xi32>], vector<16xf32>,
      %mul3A_231 = arith.constant 5.000000e-01 : f32
      %mul3A_232 = vector.broadcast %mul3A_231 : f32 to vector<16xf32>
      %mul3A_233 = arith.mulf %gather3A_227, %mul3A_232 : vector<16xf32>
      %exp3A = math.exp %mul3A_233 : vector<16xf32>
      %mul3A_234 = arith.mulf %gather3A_229, %exp3A : vector<16xf32>
      %add3A_235 = arith.addf %gather3A, %mul3A_234 : vector<16xf32>
      %mul3A_236 = arith.constant 5.000000e-01 : f32
      %mul3A_237 = vector.broadcast %mul3A_236 : f32 to vector<16xf32>
      %mul3A_238 = arith.mulf %gather3A_228, %mul3A_237 : vector<16xf32>
      %exp3A_239 = math.exp %mul3A_238 : vector<16xf32>
      %mul3A_240 = arith.mulf %gather3A_230, %exp3A_239 : vector<16xf32>
      %add3A_241 = arith.addf %gather3A_226, %mul3A_240 : vector<16xf32>
      tpu.vector_store_idx %arg11[%iota3A, %broadcast_in_dim3A_224], %gather3A : memref<32x128xf32, #tpu.memory_space<vmem>>[vector<16xi32>, vector<16xi32>], vector<16xf32>,
      tpu.vector_store_idx %arg11[%add3A_68, %broadcast_in_dim3A_224], %gather3A_226 : memref<32x128xf32, #tpu.memory_space<vmem>>[vector<16xi32>, vector<16xi32>], vector<16xf32>,
      tpu.vector_store_idx %arg12[%iota3A, %broadcast_in_dim3A_224], %gather3A_227 : memref<32x128xf32, #tpu.memory_space<vmem>>[vector<16xi32>, vector<16xi32>], vector<16xf32>,
      tpu.vector_store_idx %arg12[%add3A_68, %broadcast_in_dim3A_224], %gather3A_228 : memref<32x128xf32, #tpu.memory_space<vmem>>[vector<16xi32>, vector<16xi32>], vector<16xf32>,
      tpu.vector_store_idx %arg13[%iota3A, %broadcast_in_dim3A_224], %add3A_235 : memref<32x128xf32, #tpu.memory_space<vmem>>[vector<16xi32>, vector<16xi32>], vector<16xf32>,
      tpu.vector_store_idx %arg13[%add3A_68, %broadcast_in_dim3A_224], %add3A_241 : memref<32x128xf32, #tpu.memory_space<vmem>>[vector<16xi32>, vector<16xi32>], vector<16xf32>,
      %add3A_242 = arith.constant 4 : i32
      %add3A_243 = arith.addi %add3A_202, %add3A_242 : i32
      %lt3A = arith.constant 512 : i32
      %lt3A_244 = arith.cmpi slt, %add3A_243, %lt3A : i32
      %convert_element_type3A = arith.extui %lt3A_244 : i1 to i32
      %cond3A = arith.constant 0 : i32
      %cond3A_245 = arith.cmpi ne, %convert_element_type3A, %cond3A : i32
      scf.if %cond3A_245 {
        %add3A_414 = arith.constant 4 : i32
        %add3A_415 = arith.addi %add3A_202, %add3A_414 : i32
        %get3A_416 = arith.index_cast %add3A_415 : i32 to index
        %get3A_417 = tpu.vector_load %arg9[%get3A_416] {strides = array<i32>} : memref<544xi32, #tpu.memory_space<vmem>>, vector<16xi32>,
        %slice3A_418 = vector.extract_strided_slice %get3A_417 {offsets = [0], sizes = [1], strides = [1]} : vector<16xi32> to vector<1xi32>
        %squeeze3A_419 = vector.extract %slice3A_418[0] : i32 from vector<1xi32>
        %shift_right_logical3A_420 = arith.constant 7 : i32
        %shift_right_logical3A_421 = arith.shrui %squeeze3A_419, %shift_right_logical3A_420 : i32
        %mul3A_422 = arith.constant 128 : i32
        %mul3A_423 = arith.muli %shift_right_logical3A_421, %mul3A_422 : i32
        %multiple_of3A_424 = tpu.assume_multiple %mul3A_423, 128 : i32
        %dma_start3A_425 = arith.constant 0 : i32
        %dma_start3A_426 = tpu.memref_slice %arg4[%dma_start3A_425, %multiple_of3A_424] : memref<32x1000000xf32, #tpu.memory_space<hbm>> -> memref<32x128xf32, #tpu.memory_space<hbm>>
        %dma_start3A_427 = arith.constant 0 : i32
        %dma_start3A_428 = tpu.memref_slice %arg4[%dma_start3A_427, %multiple_of3A_424] : memref<32x1000000xf32, #tpu.memory_space<hbm>> -> memref<32x128xf32, #tpu.memory_space<hbm>>
        tpu.enqueue_dma source(%dma_start3A_428 : memref<32x128xf32, #tpu.memory_space<hbm>>) target(%arg14 : memref<32x128xf32, #tpu.memory_space<vmem>>) target_semaphore(%arg22 : memref<!tpu.dma_semaphore, #tpu.memory_space<semaphore_mem>>)
        %dma_start3A_429 = arith.constant 0 : i32
        %dma_start3A_430 = tpu.memref_slice %arg5[%dma_start3A_429, %multiple_of3A_424] : memref<32x1000000xf32, #tpu.memory_space<hbm>> -> memref<32x128xf32, #tpu.memory_space<hbm>>
        %dma_start3A_431 = arith.constant 0 : i32
        %dma_start3A_432 = tpu.memref_slice %arg5[%dma_start3A_431, %multiple_of3A_424] : memref<32x1000000xf32, #tpu.memory_space<hbm>> -> memref<32x128xf32, #tpu.memory_space<hbm>>
        tpu.enqueue_dma source(%dma_start3A_432 : memref<32x128xf32, #tpu.memory_space<hbm>>) target(%arg18 : memref<32x128xf32, #tpu.memory_space<vmem>>) target_semaphore(%arg23 : memref<!tpu.dma_semaphore, #tpu.memory_space<semaphore_mem>>)
      } else {
      }
      %mul3A_246 = arith.constant 4 : i32
      %mul3A_247 = arith.muli %scan3A_196, %mul3A_246 : i32
      %add3A_248 = arith.constant 0 : i32
      %add3A_249 = arith.addi %add3A_248, %mul3A_247 : i32
      %add3A_250 = arith.constant 1 : i32
      %add3A_251 = arith.addi %add3A_249, %add3A_250 : i32
      %dma_wait3A_252 = arith.constant 0 : i32
      %dma_wait3A_253 = arith.constant 0 : i32
      %dma_wait3A_254 = tpu.memref_slice %arg4[%dma_wait3A_252, %dma_wait3A_253] : memref<32x1000000xf32, #tpu.memory_space<hbm>> -> memref<32x128xf32, #tpu.memory_space<hbm>>
      %dma_wait3A_255 = arith.constant 0 : i32
      %dma_wait3A_256 = arith.constant 0 : i32
      %dma_wait3A_257 = tpu.memref_slice %arg4[%dma_wait3A_255, %dma_wait3A_256] : memref<32x1000000xf32, #tpu.memory_space<hbm>> -> memref<32x128xf32, #tpu.memory_space<hbm>>
      tpu.wait_dma2 semaphore(%arg22 : memref<!tpu.dma_semaphore, #tpu.memory_space<semaphore_mem>>) src(%dma_wait3A_257 : memref<32x128xf32, #tpu.memory_space<hbm>>) dst(%arg15 : memref<32x128xf32, #tpu.memory_space<vmem>>)
      %dma_wait3A_258 = arith.constant 0 : i32
      %dma_wait3A_259 = arith.constant 0 : i32
      %dma_wait3A_260 = tpu.memref_slice %arg5[%dma_wait3A_258, %dma_wait3A_259] : memref<32x1000000xf32, #tpu.memory_space<hbm>> -> memref<32x128xf32, #tpu.memory_space<hbm>>
      %dma_wait3A_261 = arith.constant 0 : i32
      %dma_wait3A_262 = arith.constant 0 : i32
      %dma_wait3A_263 = tpu.memref_slice %arg5[%dma_wait3A_261, %dma_wait3A_262] : memref<32x1000000xf32, #tpu.memory_space<hbm>> -> memref<32x128xf32, #tpu.memory_space<hbm>>
      tpu.wait_dma2 semaphore(%arg23 : memref<!tpu.dma_semaphore, #tpu.memory_space<semaphore_mem>>) src(%dma_wait3A_263 : memref<32x128xf32, #tpu.memory_space<hbm>>) dst(%arg19 : memref<32x128xf32, #tpu.memory_space<vmem>>)
      %get3A_264 = arith.index_cast %add3A_251 : i32 to index
      %get3A_265 = tpu.vector_load %arg9[%get3A_264] {strides = array<i32>} : memref<544xi32, #tpu.memory_space<vmem>>, vector<16xi32>,
      %slice3A_266 = vector.extract_strided_slice %get3A_265 {offsets = [0], sizes = [1], strides = [1]} : vector<16xi32> to vector<1xi32>
      %squeeze3A_267 = vector.extract %slice3A_266[0] : i32 from vector<1xi32>
      %and3A_268 = arith.constant 127 : i32
      %and3A_269 = arith.andi %squeeze3A_267, %and3A_268 : i32
      %broadcast_in_dim3A_270 = vector.broadcast %and3A_269 : i32 to vector<16xi32>
      %mul3A_271 = arith.constant 4 : i32
      %mul3A_272 = arith.muli %scan3A_196, %mul3A_271 : i32
      %add3A_273 = arith.constant 1 : i32
      %add3A_274 = arith.addi %mul3A_272, %add3A_273 : i32
      %broadcast_in_dim3A_275 = vector.broadcast %add3A_274 : i32 to vector<16xi32>
      %broadcast_in_dim3A_276 = vector.broadcast %add3A_251 : i32 to vector<16xi32>
      %gather3A_277 = tpu.vector_load_idx %arg15[%iota3A, %broadcast_in_dim3A_270] : memref<32x128xf32, #tpu.memory_space<vmem>>[vector<16xi32>, vector<16xi32>], vector<16xf32>,
      %gather3A_278 = tpu.vector_load_idx %arg15[%add3A_68, %broadcast_in_dim3A_270] : memref<32x128xf32, #tpu.memory_space<vmem>>[vector<16xi32>, vector<16xi32>], vector<16xf32>,
      %gather3A_279 = tpu.vector_load_idx %arg19[%iota3A, %broadcast_in_dim3A_270] : memref<32x128xf32, #tpu.memory_space<vmem>>[vector<16xi32>, vector<16xi32>], vector<16xf32>,
      %gather3A_280 = tpu.vector_load_idx %arg19[%add3A_68, %broadcast_in_dim3A_270] : memref<32x128xf32, #tpu.memory_space<vmem>>[vector<16xi32>, vector<16xi32>], vector<16xf32>,
      %gather3A_281 = tpu.vector_load_idx %arg10[%iota3A, %broadcast_in_dim3A_276] : memref<32x512xf32, #tpu.memory_space<vmem>>[vector<16xi32>, vector<16xi32>], vector<16xf32>,
      %gather3A_282 = tpu.vector_load_idx %arg10[%add3A_68, %broadcast_in_dim3A_276] : memref<32x512xf32, #tpu.memory_space<vmem>>[vector<16xi32>, vector<16xi32>], vector<16xf32>,
      %mul3A_283 = arith.constant 5.000000e-01 : f32
      %mul3A_284 = vector.broadcast %mul3A_283 : f32 to vector<16xf32>
      %mul3A_285 = arith.mulf %gather3A_279, %mul3A_284 : vector<16xf32>
      %exp3A_286 = math.exp %mul3A_285 : vector<16xf32>
      %mul3A_287 = arith.mulf %gather3A_281, %exp3A_286 : vector<16xf32>
      %add3A_288 = arith.addf %gather3A_277, %mul3A_287 : vector<16xf32>
      %mul3A_289 = arith.constant 5.000000e-01 : f32
      %mul3A_290 = vector.broadcast %mul3A_289 : f32 to vector<16xf32>
      %mul3A_291 = arith.mulf %gather3A_280, %mul3A_290 : vector<16xf32>
      %exp3A_292 = math.exp %mul3A_291 : vector<16xf32>
      %mul3A_293 = arith.mulf %gather3A_282, %exp3A_292 : vector<16xf32>
      %add3A_294 = arith.addf %gather3A_278, %mul3A_293 : vector<16xf32>
      tpu.vector_store_idx %arg11[%iota3A, %broadcast_in_dim3A_275], %gather3A_277 : memref<32x128xf32, #tpu.memory_space<vmem>>[vector<16xi32>, vector<16xi32>], vector<16xf32>,
      tpu.vector_store_idx %arg11[%add3A_68, %broadcast_in_dim3A_275], %gather3A_278 : memref<32x128xf32, #tpu.memory_space<vmem>>[vector<16xi32>, vector<16xi32>], vector<16xf32>,
      tpu.vector_store_idx %arg12[%iota3A, %broadcast_in_dim3A_275], %gather3A_279 : memref<32x128xf32, #tpu.memory_space<vmem>>[vector<16xi32>, vector<16xi32>], vector<16xf32>,
      tpu.vector_store_idx %arg12[%add3A_68, %broadcast_in_dim3A_275], %gather3A_280 : memref<32x128xf32, #tpu.memory_space<vmem>>[vector<16xi32>, vector<16xi32>], vector<16xf32>,
      tpu.vector_store_idx %arg13[%iota3A, %broadcast_in_dim3A_275], %add3A_288 : memref<32x128xf32, #tpu.memory_space<vmem>>[vector<16xi32>, vector<16xi32>], vector<16xf32>,
      tpu.vector_store_idx %arg13[%add3A_68, %broadcast_in_dim3A_275], %add3A_294 : memref<32x128xf32, #tpu.memory_space<vmem>>[vector<16xi32>, vector<16xi32>], vector<16xf32>,
      %add3A_295 = arith.constant 4 : i32
      %add3A_296 = arith.addi %add3A_251, %add3A_295 : i32
      %lt3A_297 = arith.constant 512 : i32
      %lt3A_298 = arith.cmpi slt, %add3A_296, %lt3A_297 : i32
      %convert_element_type3A_299 = arith.extui %lt3A_298 : i1 to i32
      %cond3A_300 = arith.constant 0 : i32
      %cond3A_301 = arith.cmpi ne, %convert_element_type3A_299, %cond3A_300 : i32
      scf.if %cond3A_301 {
        %add3A_414 = arith.constant 4 : i32
        %add3A_415 = arith.addi %add3A_251, %add3A_414 : i32
        %get3A_416 = arith.index_cast %add3A_415 : i32 to index
        %get3A_417 = tpu.vector_load %arg9[%get3A_416] {strides = array<i32>} : memref<544xi32, #tpu.memory_space<vmem>>, vector<16xi32>,
        %slice3A_418 = vector.extract_strided_slice %get3A_417 {offsets = [0], sizes = [1], strides = [1]} : vector<16xi32> to vector<1xi32>
        %squeeze3A_419 = vector.extract %slice3A_418[0] : i32 from vector<1xi32>
        %shift_right_logical3A_420 = arith.constant 7 : i32
        %shift_right_logical3A_421 = arith.shrui %squeeze3A_419, %shift_right_logical3A_420 : i32
        %mul3A_422 = arith.constant 128 : i32
        %mul3A_423 = arith.muli %shift_right_logical3A_421, %mul3A_422 : i32
        %multiple_of3A_424 = tpu.assume_multiple %mul3A_423, 128 : i32
        %dma_start3A_425 = arith.constant 0 : i32
        %dma_start3A_426 = tpu.memref_slice %arg4[%dma_start3A_425, %multiple_of3A_424] : memref<32x1000000xf32, #tpu.memory_space<hbm>> -> memref<32x128xf32, #tpu.memory_space<hbm>>
        %dma_start3A_427 = arith.constant 0 : i32
        %dma_start3A_428 = tpu.memref_slice %arg4[%dma_start3A_427, %multiple_of3A_424] : memref<32x1000000xf32, #tpu.memory_space<hbm>> -> memref<32x128xf32, #tpu.memory_space<hbm>>
        tpu.enqueue_dma source(%dma_start3A_428 : memref<32x128xf32, #tpu.memory_space<hbm>>) target(%arg15 : memref<32x128xf32, #tpu.memory_space<vmem>>) target_semaphore(%arg22 : memref<!tpu.dma_semaphore, #tpu.memory_space<semaphore_mem>>)
        %dma_start3A_429 = arith.constant 0 : i32
        %dma_start3A_430 = tpu.memref_slice %arg5[%dma_start3A_429, %multiple_of3A_424] : memref<32x1000000xf32, #tpu.memory_space<hbm>> -> memref<32x128xf32, #tpu.memory_space<hbm>>
        %dma_start3A_431 = arith.constant 0 : i32
        %dma_start3A_432 = tpu.memref_slice %arg5[%dma_start3A_431, %multiple_of3A_424] : memref<32x1000000xf32, #tpu.memory_space<hbm>> -> memref<32x128xf32, #tpu.memory_space<hbm>>
        tpu.enqueue_dma source(%dma_start3A_432 : memref<32x128xf32, #tpu.memory_space<hbm>>) target(%arg19 : memref<32x128xf32, #tpu.memory_space<vmem>>) target_semaphore(%arg23 : memref<!tpu.dma_semaphore, #tpu.memory_space<semaphore_mem>>)
      } else {
      }
      %mul3A_302 = arith.constant 4 : i32
      %mul3A_303 = arith.muli %scan3A_196, %mul3A_302 : i32
      %add3A_304 = arith.constant 0 : i32
      %add3A_305 = arith.addi %add3A_304, %mul3A_303 : i32
      %add3A_306 = arith.constant 2 : i32
      %add3A_307 = arith.addi %add3A_305, %add3A_306 : i32
      %dma_wait3A_308 = arith.constant 0 : i32
      %dma_wait3A_309 = arith.constant 0 : i32
      %dma_wait3A_310 = tpu.memref_slice %arg4[%dma_wait3A_308, %dma_wait3A_309] : memref<32x1000000xf32, #tpu.memory_space<hbm>> -> memref<32x128xf32, #tpu.memory_space<hbm>>
      %dma_wait3A_311 = arith.constant 0 : i32
      %dma_wait3A_312 = arith.constant 0 : i32
      %dma_wait3A_313 = tpu.memref_slice %arg4[%dma_wait3A_311, %dma_wait3A_312] : memref<32x1000000xf32, #tpu.memory_space<hbm>> -> memref<32x128xf32, #tpu.memory_space<hbm>>
      tpu.wait_dma2 semaphore(%arg22 : memref<!tpu.dma_semaphore, #tpu.memory_space<semaphore_mem>>) src(%dma_wait3A_313 : memref<32x128xf32, #tpu.memory_space<hbm>>) dst(%arg16 : memref<32x128xf32, #tpu.memory_space<vmem>>)
      %dma_wait3A_314 = arith.constant 0 : i32
      %dma_wait3A_315 = arith.constant 0 : i32
      %dma_wait3A_316 = tpu.memref_slice %arg5[%dma_wait3A_314, %dma_wait3A_315] : memref<32x1000000xf32, #tpu.memory_space<hbm>> -> memref<32x128xf32, #tpu.memory_space<hbm>>
      %dma_wait3A_317 = arith.constant 0 : i32
      %dma_wait3A_318 = arith.constant 0 : i32
      %dma_wait3A_319 = tpu.memref_slice %arg5[%dma_wait3A_317, %dma_wait3A_318] : memref<32x1000000xf32, #tpu.memory_space<hbm>> -> memref<32x128xf32, #tpu.memory_space<hbm>>
      tpu.wait_dma2 semaphore(%arg23 : memref<!tpu.dma_semaphore, #tpu.memory_space<semaphore_mem>>) src(%dma_wait3A_319 : memref<32x128xf32, #tpu.memory_space<hbm>>) dst(%arg20 : memref<32x128xf32, #tpu.memory_space<vmem>>)
      %get3A_320 = arith.index_cast %add3A_307 : i32 to index
      %get3A_321 = tpu.vector_load %arg9[%get3A_320] {strides = array<i32>} : memref<544xi32, #tpu.memory_space<vmem>>, vector<16xi32>,
      %slice3A_322 = vector.extract_strided_slice %get3A_321 {offsets = [0], sizes = [1], strides = [1]} : vector<16xi32> to vector<1xi32>
      %squeeze3A_323 = vector.extract %slice3A_322[0] : i32 from vector<1xi32>
      %and3A_324 = arith.constant 127 : i32
      %and3A_325 = arith.andi %squeeze3A_323, %and3A_324 : i32
      %broadcast_in_dim3A_326 = vector.broadcast %and3A_325 : i32 to vector<16xi32>
      %mul3A_327 = arith.constant 4 : i32
      %mul3A_328 = arith.muli %scan3A_196, %mul3A_327 : i32
      %add3A_329 = arith.constant 2 : i32
      %add3A_330 = arith.addi %mul3A_328, %add3A_329 : i32
      %broadcast_in_dim3A_331 = vector.broadcast %add3A_330 : i32 to vector<16xi32>
      %broadcast_in_dim3A_332 = vector.broadcast %add3A_307 : i32 to vector<16xi32>
      %gather3A_333 = tpu.vector_load_idx %arg16[%iota3A, %broadcast_in_dim3A_326] : memref<32x128xf32, #tpu.memory_space<vmem>>[vector<16xi32>, vector<16xi32>], vector<16xf32>,
      %gather3A_334 = tpu.vector_load_idx %arg16[%add3A_68, %broadcast_in_dim3A_326] : memref<32x128xf32, #tpu.memory_space<vmem>>[vector<16xi32>, vector<16xi32>], vector<16xf32>,
      %gather3A_335 = tpu.vector_load_idx %arg20[%iota3A, %broadcast_in_dim3A_326] : memref<32x128xf32, #tpu.memory_space<vmem>>[vector<16xi32>, vector<16xi32>], vector<16xf32>,
      %gather3A_336 = tpu.vector_load_idx %arg20[%add3A_68, %broadcast_in_dim3A_326] : memref<32x128xf32, #tpu.memory_space<vmem>>[vector<16xi32>, vector<16xi32>], vector<16xf32>,
      %gather3A_337 = tpu.vector_load_idx %arg10[%iota3A, %broadcast_in_dim3A_332] : memref<32x512xf32, #tpu.memory_space<vmem>>[vector<16xi32>, vector<16xi32>], vector<16xf32>,
      %gather3A_338 = tpu.vector_load_idx %arg10[%add3A_68, %broadcast_in_dim3A_332] : memref<32x512xf32, #tpu.memory_space<vmem>>[vector<16xi32>, vector<16xi32>], vector<16xf32>,
      %mul3A_339 = arith.constant 5.000000e-01 : f32
      %mul3A_340 = vector.broadcast %mul3A_339 : f32 to vector<16xf32>
      %mul3A_341 = arith.mulf %gather3A_335, %mul3A_340 : vector<16xf32>
      %exp3A_342 = math.exp %mul3A_341 : vector<16xf32>
      %mul3A_343 = arith.mulf %gather3A_337, %exp3A_342 : vector<16xf32>
      %add3A_344 = arith.addf %gather3A_333, %mul3A_343 : vector<16xf32>
      %mul3A_345 = arith.constant 5.000000e-01 : f32
      %mul3A_346 = vector.broadcast %mul3A_345 : f32 to vector<16xf32>
      %mul3A_347 = arith.mulf %gather3A_336, %mul3A_346 : vector<16xf32>
      %exp3A_348 = math.exp %mul3A_347 : vector<16xf32>
      %mul3A_349 = arith.mulf %gather3A_338, %exp3A_348 : vector<16xf32>
      %add3A_350 = arith.addf %gather3A_334, %mul3A_349 : vector<16xf32>
      tpu.vector_store_idx %arg11[%iota3A, %broadcast_in_dim3A_331], %gather3A_333 : memref<32x128xf32, #tpu.memory_space<vmem>>[vector<16xi32>, vector<16xi32>], vector<16xf32>,
      tpu.vector_store_idx %arg11[%add3A_68, %broadcast_in_dim3A_331], %gather3A_334 : memref<32x128xf32, #tpu.memory_space<vmem>>[vector<16xi32>, vector<16xi32>], vector<16xf32>,
      tpu.vector_store_idx %arg12[%iota3A, %broadcast_in_dim3A_331], %gather3A_335 : memref<32x128xf32, #tpu.memory_space<vmem>>[vector<16xi32>, vector<16xi32>], vector<16xf32>,
      tpu.vector_store_idx %arg12[%add3A_68, %broadcast_in_dim3A_331], %gather3A_336 : memref<32x128xf32, #tpu.memory_space<vmem>>[vector<16xi32>, vector<16xi32>], vector<16xf32>,
      tpu.vector_store_idx %arg13[%iota3A, %broadcast_in_dim3A_331], %add3A_344 : memref<32x128xf32, #tpu.memory_space<vmem>>[vector<16xi32>, vector<16xi32>], vector<16xf32>,
      tpu.vector_store_idx %arg13[%add3A_68, %broadcast_in_dim3A_331], %add3A_350 : memref<32x128xf32, #tpu.memory_space<vmem>>[vector<16xi32>, vector<16xi32>], vector<16xf32>,
      %add3A_351 = arith.constant 4 : i32
      %add3A_352 = arith.addi %add3A_307, %add3A_351 : i32
      %lt3A_353 = arith.constant 512 : i32
      %lt3A_354 = arith.cmpi slt, %add3A_352, %lt3A_353 : i32
      %convert_element_type3A_355 = arith.extui %lt3A_354 : i1 to i32
      %cond3A_356 = arith.constant 0 : i32
      %cond3A_357 = arith.cmpi ne, %convert_element_type3A_355, %cond3A_356 : i32
      scf.if %cond3A_357 {
        %add3A_414 = arith.constant 4 : i32
        %add3A_415 = arith.addi %add3A_307, %add3A_414 : i32
        %get3A_416 = arith.index_cast %add3A_415 : i32 to index
        %get3A_417 = tpu.vector_load %arg9[%get3A_416] {strides = array<i32>} : memref<544xi32, #tpu.memory_space<vmem>>, vector<16xi32>,
        %slice3A_418 = vector.extract_strided_slice %get3A_417 {offsets = [0], sizes = [1], strides = [1]} : vector<16xi32> to vector<1xi32>
        %squeeze3A_419 = vector.extract %slice3A_418[0] : i32 from vector<1xi32>
        %shift_right_logical3A_420 = arith.constant 7 : i32
        %shift_right_logical3A_421 = arith.shrui %squeeze3A_419, %shift_right_logical3A_420 : i32
        %mul3A_422 = arith.constant 128 : i32
        %mul3A_423 = arith.muli %shift_right_logical3A_421, %mul3A_422 : i32
        %multiple_of3A_424 = tpu.assume_multiple %mul3A_423, 128 : i32
        %dma_start3A_425 = arith.constant 0 : i32
        %dma_start3A_426 = tpu.memref_slice %arg4[%dma_start3A_425, %multiple_of3A_424] : memref<32x1000000xf32, #tpu.memory_space<hbm>> -> memref<32x128xf32, #tpu.memory_space<hbm>>
        %dma_start3A_427 = arith.constant 0 : i32
        %dma_start3A_428 = tpu.memref_slice %arg4[%dma_start3A_427, %multiple_of3A_424] : memref<32x1000000xf32, #tpu.memory_space<hbm>> -> memref<32x128xf32, #tpu.memory_space<hbm>>
        tpu.enqueue_dma source(%dma_start3A_428 : memref<32x128xf32, #tpu.memory_space<hbm>>) target(%arg16 : memref<32x128xf32, #tpu.memory_space<vmem>>) target_semaphore(%arg22 : memref<!tpu.dma_semaphore, #tpu.memory_space<semaphore_mem>>)
        %dma_start3A_429 = arith.constant 0 : i32
        %dma_start3A_430 = tpu.memref_slice %arg5[%dma_start3A_429, %multiple_of3A_424] : memref<32x1000000xf32, #tpu.memory_space<hbm>> -> memref<32x128xf32, #tpu.memory_space<hbm>>
        %dma_start3A_431 = arith.constant 0 : i32
        %dma_start3A_432 = tpu.memref_slice %arg5[%dma_start3A_431, %multiple_of3A_424] : memref<32x1000000xf32, #tpu.memory_space<hbm>> -> memref<32x128xf32, #tpu.memory_space<hbm>>
        tpu.enqueue_dma source(%dma_start3A_432 : memref<32x128xf32, #tpu.memory_space<hbm>>) target(%arg20 : memref<32x128xf32, #tpu.memory_space<vmem>>) target_semaphore(%arg23 : memref<!tpu.dma_semaphore, #tpu.memory_space<semaphore_mem>>)
      } else {
      }
      %mul3A_358 = arith.constant 4 : i32
      %mul3A_359 = arith.muli %scan3A_196, %mul3A_358 : i32
      %add3A_360 = arith.constant 0 : i32
      %add3A_361 = arith.addi %add3A_360, %mul3A_359 : i32
      %add3A_362 = arith.constant 3 : i32
      %add3A_363 = arith.addi %add3A_361, %add3A_362 : i32
      %dma_wait3A_364 = arith.constant 0 : i32
      %dma_wait3A_365 = arith.constant 0 : i32
      %dma_wait3A_366 = tpu.memref_slice %arg4[%dma_wait3A_364, %dma_wait3A_365] : memref<32x1000000xf32, #tpu.memory_space<hbm>> -> memref<32x128xf32, #tpu.memory_space<hbm>>
      %dma_wait3A_367 = arith.constant 0 : i32
      %dma_wait3A_368 = arith.constant 0 : i32
      %dma_wait3A_369 = tpu.memref_slice %arg4[%dma_wait3A_367, %dma_wait3A_368] : memref<32x1000000xf32, #tpu.memory_space<hbm>> -> memref<32x128xf32, #tpu.memory_space<hbm>>
      tpu.wait_dma2 semaphore(%arg22 : memref<!tpu.dma_semaphore, #tpu.memory_space<semaphore_mem>>) src(%dma_wait3A_369 : memref<32x128xf32, #tpu.memory_space<hbm>>) dst(%arg17 : memref<32x128xf32, #tpu.memory_space<vmem>>)
      %dma_wait3A_370 = arith.constant 0 : i32
      %dma_wait3A_371 = arith.constant 0 : i32
      %dma_wait3A_372 = tpu.memref_slice %arg5[%dma_wait3A_370, %dma_wait3A_371] : memref<32x1000000xf32, #tpu.memory_space<hbm>> -> memref<32x128xf32, #tpu.memory_space<hbm>>
      %dma_wait3A_373 = arith.constant 0 : i32
      %dma_wait3A_374 = arith.constant 0 : i32
      %dma_wait3A_375 = tpu.memref_slice %arg5[%dma_wait3A_373, %dma_wait3A_374] : memref<32x1000000xf32, #tpu.memory_space<hbm>> -> memref<32x128xf32, #tpu.memory_space<hbm>>
      tpu.wait_dma2 semaphore(%arg23 : memref<!tpu.dma_semaphore, #tpu.memory_space<semaphore_mem>>) src(%dma_wait3A_375 : memref<32x128xf32, #tpu.memory_space<hbm>>) dst(%arg21 : memref<32x128xf32, #tpu.memory_space<vmem>>)
      %get3A_376 = arith.index_cast %add3A_363 : i32 to index
      %get3A_377 = tpu.vector_load %arg9[%get3A_376] {strides = array<i32>} : memref<544xi32, #tpu.memory_space<vmem>>, vector<16xi32>,
      %slice3A_378 = vector.extract_strided_slice %get3A_377 {offsets = [0], sizes = [1], strides = [1]} : vector<16xi32> to vector<1xi32>
      %squeeze3A_379 = vector.extract %slice3A_378[0] : i32 from vector<1xi32>
      %and3A_380 = arith.constant 127 : i32
      %and3A_381 = arith.andi %squeeze3A_379, %and3A_380 : i32
      %broadcast_in_dim3A_382 = vector.broadcast %and3A_381 : i32 to vector<16xi32>
      %mul3A_383 = arith.constant 4 : i32
      %mul3A_384 = arith.muli %scan3A_196, %mul3A_383 : i32
      %add3A_385 = arith.constant 3 : i32
      %add3A_386 = arith.addi %mul3A_384, %add3A_385 : i32
      %broadcast_in_dim3A_387 = vector.broadcast %add3A_386 : i32 to vector<16xi32>
      %broadcast_in_dim3A_388 = vector.broadcast %add3A_363 : i32 to vector<16xi32>
      %gather3A_389 = tpu.vector_load_idx %arg17[%iota3A, %broadcast_in_dim3A_382] : memref<32x128xf32, #tpu.memory_space<vmem>>[vector<16xi32>, vector<16xi32>], vector<16xf32>,
      %gather3A_390 = tpu.vector_load_idx %arg17[%add3A_68, %broadcast_in_dim3A_382] : memref<32x128xf32, #tpu.memory_space<vmem>>[vector<16xi32>, vector<16xi32>], vector<16xf32>,
      %gather3A_391 = tpu.vector_load_idx %arg21[%iota3A, %broadcast_in_dim3A_382] : memref<32x128xf32, #tpu.memory_space<vmem>>[vector<16xi32>, vector<16xi32>], vector<16xf32>,
      %gather3A_392 = tpu.vector_load_idx %arg21[%add3A_68, %broadcast_in_dim3A_382] : memref<32x128xf32, #tpu.memory_space<vmem>>[vector<16xi32>, vector<16xi32>], vector<16xf32>,
      %gather3A_393 = tpu.vector_load_idx %arg10[%iota3A, %broadcast_in_dim3A_388] : memref<32x512xf32, #tpu.memory_space<vmem>>[vector<16xi32>, vector<16xi32>], vector<16xf32>,
      %gather3A_394 = tpu.vector_load_idx %arg10[%add3A_68, %broadcast_in_dim3A_388] : memref<32x512xf32, #tpu.memory_space<vmem>>[vector<16xi32>, vector<16xi32>], vector<16xf32>,
      %mul3A_395 = arith.constant 5.000000e-01 : f32
      %mul3A_396 = vector.broadcast %mul3A_395 : f32 to vector<16xf32>
      %mul3A_397 = arith.mulf %gather3A_391, %mul3A_396 : vector<16xf32>
      %exp3A_398 = math.exp %mul3A_397 : vector<16xf32>
      %mul3A_399 = arith.mulf %gather3A_393, %exp3A_398 : vector<16xf32>
      %add3A_400 = arith.addf %gather3A_389, %mul3A_399 : vector<16xf32>
      %mul3A_401 = arith.constant 5.000000e-01 : f32
      %mul3A_402 = vector.broadcast %mul3A_401 : f32 to vector<16xf32>
      %mul3A_403 = arith.mulf %gather3A_392, %mul3A_402 : vector<16xf32>
      %exp3A_404 = math.exp %mul3A_403 : vector<16xf32>
      %mul3A_405 = arith.mulf %gather3A_394, %exp3A_404 : vector<16xf32>
      %add3A_406 = arith.addf %gather3A_390, %mul3A_405 : vector<16xf32>
      tpu.vector_store_idx %arg11[%iota3A, %broadcast_in_dim3A_387], %gather3A_389 : memref<32x128xf32, #tpu.memory_space<vmem>>[vector<16xi32>, vector<16xi32>], vector<16xf32>,
      tpu.vector_store_idx %arg11[%add3A_68, %broadcast_in_dim3A_387], %gather3A_390 : memref<32x128xf32, #tpu.memory_space<vmem>>[vector<16xi32>, vector<16xi32>], vector<16xf32>,
      tpu.vector_store_idx %arg12[%iota3A, %broadcast_in_dim3A_387], %gather3A_391 : memref<32x128xf32, #tpu.memory_space<vmem>>[vector<16xi32>, vector<16xi32>], vector<16xf32>,
      tpu.vector_store_idx %arg12[%add3A_68, %broadcast_in_dim3A_387], %gather3A_392 : memref<32x128xf32, #tpu.memory_space<vmem>>[vector<16xi32>, vector<16xi32>], vector<16xf32>,
      tpu.vector_store_idx %arg13[%iota3A, %broadcast_in_dim3A_387], %add3A_400 : memref<32x128xf32, #tpu.memory_space<vmem>>[vector<16xi32>, vector<16xi32>], vector<16xf32>,
      tpu.vector_store_idx %arg13[%add3A_68, %broadcast_in_dim3A_387], %add3A_406 : memref<32x128xf32, #tpu.memory_space<vmem>>[vector<16xi32>, vector<16xi32>], vector<16xf32>,
      %add3A_407 = arith.constant 4 : i32
      %add3A_408 = arith.addi %add3A_363, %add3A_407 : i32
      %lt3A_409 = arith.constant 512 : i32
      %lt3A_410 = arith.cmpi slt, %add3A_408, %lt3A_409 : i32
      %convert_element_type3A_411 = arith.extui %lt3A_410 : i1 to i32
      %cond3A_412 = arith.constant 0 : i32
      %cond3A_413 = arith.cmpi ne, %convert_element_type3A_411, %cond3A_412 : i32
      scf.if %cond3A_413 {
        %add3A_414 = arith.constant 4 : i32
        %add3A_415 = arith.addi %add3A_363, %add3A_414 : i32
        %get3A_416 = arith.index_cast %add3A_415 : i32 to index
        %get3A_417 = tpu.vector_load %arg9[%get3A_416] {strides = array<i32>} : memref<544xi32, #tpu.memory_space<vmem>>, vector<16xi32>,
        %slice3A_418 = vector.extract_strided_slice %get3A_417 {offsets = [0], sizes = [1], strides = [1]} : vector<16xi32> to vector<1xi32>
        %squeeze3A_419 = vector.extract %slice3A_418[0] : i32 from vector<1xi32>
        %shift_right_logical3A_420 = arith.constant 7 : i32
        %shift_right_logical3A_421 = arith.shrui %squeeze3A_419, %shift_right_logical3A_420 : i32
        %mul3A_422 = arith.constant 128 : i32
        %mul3A_423 = arith.muli %shift_right_logical3A_421, %mul3A_422 : i32
        %multiple_of3A_424 = tpu.assume_multiple %mul3A_423, 128 : i32
        %dma_start3A_425 = arith.constant 0 : i32
        %dma_start3A_426 = tpu.memref_slice %arg4[%dma_start3A_425, %multiple_of3A_424] : memref<32x1000000xf32, #tpu.memory_space<hbm>> -> memref<32x128xf32, #tpu.memory_space<hbm>>
        %dma_start3A_427 = arith.constant 0 : i32
        %dma_start3A_428 = tpu.memref_slice %arg4[%dma_start3A_427, %multiple_of3A_424] : memref<32x1000000xf32, #tpu.memory_space<hbm>> -> memref<32x128xf32, #tpu.memory_space<hbm>>
        tpu.enqueue_dma source(%dma_start3A_428 : memref<32x128xf32, #tpu.memory_space<hbm>>) target(%arg17 : memref<32x128xf32, #tpu.memory_space<vmem>>) target_semaphore(%arg22 : memref<!tpu.dma_semaphore, #tpu.memory_space<semaphore_mem>>)
        %dma_start3A_429 = arith.constant 0 : i32
        %dma_start3A_430 = tpu.memref_slice %arg5[%dma_start3A_429, %multiple_of3A_424] : memref<32x1000000xf32, #tpu.memory_space<hbm>> -> memref<32x128xf32, #tpu.memory_space<hbm>>
        %dma_start3A_431 = arith.constant 0 : i32
        %dma_start3A_432 = tpu.memref_slice %arg5[%dma_start3A_431, %multiple_of3A_424] : memref<32x1000000xf32, #tpu.memory_space<hbm>> -> memref<32x128xf32, #tpu.memory_space<hbm>>
        tpu.enqueue_dma source(%dma_start3A_432 : memref<32x128xf32, #tpu.memory_space<hbm>>) target(%arg21 : memref<32x128xf32, #tpu.memory_space<vmem>>) target_semaphore(%arg23 : memref<!tpu.dma_semaphore, #tpu.memory_space<semaphore_mem>>)
      } else {
      }
    }
    %scan3A_73 = arith.constant 32 : i32
    %add3A_74 = arith.constant 0 : i32
    %add3A_75 = arith.addi %mul3A_2, %add3A_74 : i32
    %dma_start3A_76 = arith.constant 0 : i32
    %dma_start3A_77 = tpu.memref_slice %arg7[%dma_start3A_76, %add3A_75] : memref<32x16384xf32, #tpu.memory_space<hbm>> -> memref<32x128xf32, #tpu.memory_space<hbm>>
    %dma_start3A_78 = arith.constant 0 : i32
    %dma_start3A_79 = tpu.memref_slice %arg7[%dma_start3A_78, %add3A_75] : memref<32x16384xf32, #tpu.memory_space<hbm>> -> memref<32x128xf32, #tpu.memory_space<hbm>>
    tpu.enqueue_dma source(%arg11 : memref<32x128xf32, #tpu.memory_space<vmem>>) target(%dma_start3A_79 : memref<32x128xf32, #tpu.memory_space<hbm>>) target_semaphore(%arg25 : memref<!tpu.dma_semaphore, #tpu.memory_space<semaphore_mem>>)
    %dma_start3A_80 = arith.constant 0 : i32
    %dma_start3A_81 = tpu.memref_slice %arg8[%dma_start3A_80, %add3A_75] : memref<32x16384xf32, #tpu.memory_space<hbm>> -> memref<32x128xf32, #tpu.memory_space<hbm>>
    %dma_start3A_82 = arith.constant 0 : i32
    %dma_start3A_83 = tpu.memref_slice %arg8[%dma_start3A_82, %add3A_75] : memref<32x16384xf32, #tpu.memory_space<hbm>> -> memref<32x128xf32, #tpu.memory_space<hbm>>
    tpu.enqueue_dma source(%arg12 : memref<32x128xf32, #tpu.memory_space<vmem>>) target(%dma_start3A_83 : memref<32x128xf32, #tpu.memory_space<hbm>>) target_semaphore(%arg25 : memref<!tpu.dma_semaphore, #tpu.memory_space<semaphore_mem>>)
    %dma_start3A_84 = arith.constant 0 : i32
    %dma_start3A_85 = tpu.memref_slice %arg6[%dma_start3A_84, %add3A_75] : memref<32x16384xf32, #tpu.memory_space<hbm>> -> memref<32x128xf32, #tpu.memory_space<hbm>>
    %dma_start3A_86 = arith.constant 0 : i32
    %dma_start3A_87 = tpu.memref_slice %arg6[%dma_start3A_86, %add3A_75] : memref<32x16384xf32, #tpu.memory_space<hbm>> -> memref<32x128xf32, #tpu.memory_space<hbm>>
    tpu.enqueue_dma source(%arg13 : memref<32x128xf32, #tpu.memory_space<vmem>>) target(%dma_start3A_87 : memref<32x128xf32, #tpu.memory_space<hbm>>) target_semaphore(%arg25 : memref<!tpu.dma_semaphore, #tpu.memory_space<semaphore_mem>>)
    %dma_wait3A_88 = arith.constant 0 : i32
    %dma_wait3A_89 = tpu.memref_slice %arg7[%dma_wait3A_88, %add3A_75] : memref<32x16384xf32, #tpu.memory_space<hbm>> -> memref<32x128xf32, #tpu.memory_space<hbm>>
    %dma_wait3A_90 = arith.constant 0 : i32
    %dma_wait3A_91 = tpu.memref_slice %arg7[%dma_wait3A_90, %add3A_75] : memref<32x16384xf32, #tpu.memory_space<hbm>> -> memref<32x128xf32, #tpu.memory_space<hbm>>
    tpu.wait_dma2 semaphore(%arg25 : memref<!tpu.dma_semaphore, #tpu.memory_space<semaphore_mem>>) src(%arg11 : memref<32x128xf32, #tpu.memory_space<vmem>>) dst(%dma_wait3A_91 : memref<32x128xf32, #tpu.memory_space<hbm>>)
    %dma_wait3A_92 = arith.constant 0 : i32
    %dma_wait3A_93 = tpu.memref_slice %arg8[%dma_wait3A_92, %add3A_75] : memref<32x16384xf32, #tpu.memory_space<hbm>> -> memref<32x128xf32, #tpu.memory_space<hbm>>
    %dma_wait3A_94 = arith.constant 0 : i32
    %dma_wait3A_95 = tpu.memref_slice %arg8[%dma_wait3A_94, %add3A_75] : memref<32x16384xf32, #tpu.memory_space<hbm>> -> memref<32x128xf32, #tpu.memory_space<hbm>>
    tpu.wait_dma2 semaphore(%arg25 : memref<!tpu.dma_semaphore, #tpu.memory_space<semaphore_mem>>) src(%arg12 : memref<32x128xf32, #tpu.memory_space<vmem>>) dst(%dma_wait3A_95 : memref<32x128xf32, #tpu.memory_space<hbm>>)
    %dma_wait3A_96 = arith.constant 0 : i32
    %dma_wait3A_97 = tpu.memref_slice %arg6[%dma_wait3A_96, %add3A_75] : memref<32x16384xf32, #tpu.memory_space<hbm>> -> memref<32x128xf32, #tpu.memory_space<hbm>>
    %dma_wait3A_98 = arith.constant 0 : i32
    %dma_wait3A_99 = tpu.memref_slice %arg6[%dma_wait3A_98, %add3A_75] : memref<32x16384xf32, #tpu.memory_space<hbm>> -> memref<32x128xf32, #tpu.memory_space<hbm>>
    tpu.wait_dma2 semaphore(%arg25 : memref<!tpu.dma_semaphore, #tpu.memory_space<semaphore_mem>>) src(%arg13 : memref<32x128xf32, #tpu.memory_space<vmem>>) dst(%dma_wait3A_99 : memref<32x128xf32, #tpu.memory_space<hbm>>)
    %scan3A_100 = arith.constant 0 : i32
    %scan3A_101 = arith.constant 0 : i32
    %scan3A_102 = arith.constant 32 : i32
    %scan3A_103 = arith.addi %scan3A_101, %scan3A_102 : i32
    %scan3A_104 = arith.constant 1 : i32
    scf.for %scan3A_196 = %scan3A_101 to %scan3A_103 step %scan3A_104  : i32 {
      %mul3A_197 = arith.constant 4 : i32
      %mul3A_198 = arith.muli %scan3A_196, %mul3A_197 : i32
      %add3A_199 = arith.constant 128 : i32
      %add3A_200 = arith.addi %add3A_199, %mul3A_198 : i32
      %add3A_201 = arith.constant 0 : i32
      %add3A_202 = arith.addi %add3A_200, %add3A_201 : i32
      %dma_wait3A_203 = arith.constant 0 : i32
      %dma_wait3A_204 = arith.constant 0 : i32
      %dma_wait3A_205 = tpu.memref_slice %arg4[%dma_wait3A_203, %dma_wait3A_204] : memref<32x1000000xf32, #tpu.memory_space<hbm>> -> memref<32x128xf32, #tpu.memory_space<hbm>>
      %dma_wait3A_206 = arith.constant 0 : i32
      %dma_wait3A_207 = arith.constant 0 : i32
      %dma_wait3A_208 = tpu.memref_slice %arg4[%dma_wait3A_206, %dma_wait3A_207] : memref<32x1000000xf32, #tpu.memory_space<hbm>> -> memref<32x128xf32, #tpu.memory_space<hbm>>
      tpu.wait_dma2 semaphore(%arg22 : memref<!tpu.dma_semaphore, #tpu.memory_space<semaphore_mem>>) src(%dma_wait3A_208 : memref<32x128xf32, #tpu.memory_space<hbm>>) dst(%arg14 : memref<32x128xf32, #tpu.memory_space<vmem>>)
      %dma_wait3A_209 = arith.constant 0 : i32
      %dma_wait3A_210 = arith.constant 0 : i32
      %dma_wait3A_211 = tpu.memref_slice %arg5[%dma_wait3A_209, %dma_wait3A_210] : memref<32x1000000xf32, #tpu.memory_space<hbm>> -> memref<32x128xf32, #tpu.memory_space<hbm>>
      %dma_wait3A_212 = arith.constant 0 : i32
      %dma_wait3A_213 = arith.constant 0 : i32
      %dma_wait3A_214 = tpu.memref_slice %arg5[%dma_wait3A_212, %dma_wait3A_213] : memref<32x1000000xf32, #tpu.memory_space<hbm>> -> memref<32x128xf32, #tpu.memory_space<hbm>>
      tpu.wait_dma2 semaphore(%arg23 : memref<!tpu.dma_semaphore, #tpu.memory_space<semaphore_mem>>) src(%dma_wait3A_214 : memref<32x128xf32, #tpu.memory_space<hbm>>) dst(%arg18 : memref<32x128xf32, #tpu.memory_space<vmem>>)
      %get3A_215 = arith.index_cast %add3A_202 : i32 to index
      %get3A_216 = tpu.vector_load %arg9[%get3A_215] {strides = array<i32>} : memref<544xi32, #tpu.memory_space<vmem>>, vector<16xi32>,
      %slice3A_217 = vector.extract_strided_slice %get3A_216 {offsets = [0], sizes = [1], strides = [1]} : vector<16xi32> to vector<1xi32>
      %squeeze3A_218 = vector.extract %slice3A_217[0] : i32 from vector<1xi32>
      %and3A = arith.constant 127 : i32
      %and3A_219 = arith.andi %squeeze3A_218, %and3A : i32
      %broadcast_in_dim3A = vector.broadcast %and3A_219 : i32 to vector<16xi32>
      %mul3A_220 = arith.constant 4 : i32
      %mul3A_221 = arith.muli %scan3A_196, %mul3A_220 : i32
      %add3A_222 = arith.constant 0 : i32
      %add3A_223 = arith.addi %mul3A_221, %add3A_222 : i32
      %broadcast_in_dim3A_224 = vector.broadcast %add3A_223 : i32 to vector<16xi32>
      %broadcast_in_dim3A_225 = vector.broadcast %add3A_202 : i32 to vector<16xi32>
      %gather3A = tpu.vector_load_idx %arg14[%iota3A, %broadcast_in_dim3A] : memref<32x128xf32, #tpu.memory_space<vmem>>[vector<16xi32>, vector<16xi32>], vector<16xf32>,
      %gather3A_226 = tpu.vector_load_idx %arg14[%add3A_68, %broadcast_in_dim3A] : memref<32x128xf32, #tpu.memory_space<vmem>>[vector<16xi32>, vector<16xi32>], vector<16xf32>,
      %gather3A_227 = tpu.vector_load_idx %arg18[%iota3A, %broadcast_in_dim3A] : memref<32x128xf32, #tpu.memory_space<vmem>>[vector<16xi32>, vector<16xi32>], vector<16xf32>,
      %gather3A_228 = tpu.vector_load_idx %arg18[%add3A_68, %broadcast_in_dim3A] : memref<32x128xf32, #tpu.memory_space<vmem>>[vector<16xi32>, vector<16xi32>], vector<16xf32>,
      %gather3A_229 = tpu.vector_load_idx %arg10[%iota3A, %broadcast_in_dim3A_225] : memref<32x512xf32, #tpu.memory_space<vmem>>[vector<16xi32>, vector<16xi32>], vector<16xf32>,
      %gather3A_230 = tpu.vector_load_idx %arg10[%add3A_68, %broadcast_in_dim3A_225] : memref<32x512xf32, #tpu.memory_space<vmem>>[vector<16xi32>, vector<16xi32>], vector<16xf32>,
      %mul3A_231 = arith.constant 5.000000e-01 : f32
      %mul3A_232 = vector.broadcast %mul3A_231 : f32 to vector<16xf32>
      %mul3A_233 = arith.mulf %gather3A_227, %mul3A_232 : vector<16xf32>
      %exp3A = math.exp %mul3A_233 : vector<16xf32>
      %mul3A_234 = arith.mulf %gather3A_229, %exp3A : vector<16xf32>
      %add3A_235 = arith.addf %gather3A, %mul3A_234 : vector<16xf32>
      %mul3A_236 = arith.constant 5.000000e-01 : f32
      %mul3A_237 = vector.broadcast %mul3A_236 : f32 to vector<16xf32>
      %mul3A_238 = arith.mulf %gather3A_228, %mul3A_237 : vector<16xf32>
      %exp3A_239 = math.exp %mul3A_238 : vector<16xf32>
      %mul3A_240 = arith.mulf %gather3A_230, %exp3A_239 : vector<16xf32>
      %add3A_241 = arith.addf %gather3A_226, %mul3A_240 : vector<16xf32>
      tpu.vector_store_idx %arg11[%iota3A, %broadcast_in_dim3A_224], %gather3A : memref<32x128xf32, #tpu.memory_space<vmem>>[vector<16xi32>, vector<16xi32>], vector<16xf32>,
      tpu.vector_store_idx %arg11[%add3A_68, %broadcast_in_dim3A_224], %gather3A_226 : memref<32x128xf32, #tpu.memory_space<vmem>>[vector<16xi32>, vector<16xi32>], vector<16xf32>,
      tpu.vector_store_idx %arg12[%iota3A, %broadcast_in_dim3A_224], %gather3A_227 : memref<32x128xf32, #tpu.memory_space<vmem>>[vector<16xi32>, vector<16xi32>], vector<16xf32>,
      tpu.vector_store_idx %arg12[%add3A_68, %broadcast_in_dim3A_224], %gather3A_228 : memref<32x128xf32, #tpu.memory_space<vmem>>[vector<16xi32>, vector<16xi32>], vector<16xf32>,
      tpu.vector_store_idx %arg13[%iota3A, %broadcast_in_dim3A_224], %add3A_235 : memref<32x128xf32, #tpu.memory_space<vmem>>[vector<16xi32>, vector<16xi32>], vector<16xf32>,
      tpu.vector_store_idx %arg13[%add3A_68, %broadcast_in_dim3A_224], %add3A_241 : memref<32x128xf32, #tpu.memory_space<vmem>>[vector<16xi32>, vector<16xi32>], vector<16xf32>,
      %add3A_242 = arith.constant 4 : i32
      %add3A_243 = arith.addi %add3A_202, %add3A_242 : i32
      %lt3A = arith.constant 512 : i32
      %lt3A_244 = arith.cmpi slt, %add3A_243, %lt3A : i32
      %convert_element_type3A = arith.extui %lt3A_244 : i1 to i32
      %cond3A = arith.constant 0 : i32
      %cond3A_245 = arith.cmpi ne, %convert_element_type3A, %cond3A : i32
      scf.if %cond3A_245 {
        %add3A_414 = arith.constant 4 : i32
        %add3A_415 = arith.addi %add3A_202, %add3A_414 : i32
        %get3A_416 = arith.index_cast %add3A_415 : i32 to index
        %get3A_417 = tpu.vector_load %arg9[%get3A_416] {strides = array<i32>} : memref<544xi32, #tpu.memory_space<vmem>>, vector<16xi32>,
        %slice3A_418 = vector.extract_strided_slice %get3A_417 {offsets = [0], sizes = [1], strides = [1]} : vector<16xi32> to vector<1xi32>
        %squeeze3A_419 = vector.extract %slice3A_418[0] : i32 from vector<1xi32>
        %shift_right_logical3A_420 = arith.constant 7 : i32
        %shift_right_logical3A_421 = arith.shrui %squeeze3A_419, %shift_right_logical3A_420 : i32
        %mul3A_422 = arith.constant 128 : i32
        %mul3A_423 = arith.muli %shift_right_logical3A_421, %mul3A_422 : i32
        %multiple_of3A_424 = tpu.assume_multiple %mul3A_423, 128 : i32
        %dma_start3A_425 = arith.constant 0 : i32
        %dma_start3A_426 = tpu.memref_slice %arg4[%dma_start3A_425, %multiple_of3A_424] : memref<32x1000000xf32, #tpu.memory_space<hbm>> -> memref<32x128xf32, #tpu.memory_space<hbm>>
        %dma_start3A_427 = arith.constant 0 : i32
        %dma_start3A_428 = tpu.memref_slice %arg4[%dma_start3A_427, %multiple_of3A_424] : memref<32x1000000xf32, #tpu.memory_space<hbm>> -> memref<32x128xf32, #tpu.memory_space<hbm>>
        tpu.enqueue_dma source(%dma_start3A_428 : memref<32x128xf32, #tpu.memory_space<hbm>>) target(%arg14 : memref<32x128xf32, #tpu.memory_space<vmem>>) target_semaphore(%arg22 : memref<!tpu.dma_semaphore, #tpu.memory_space<semaphore_mem>>)
        %dma_start3A_429 = arith.constant 0 : i32
        %dma_start3A_430 = tpu.memref_slice %arg5[%dma_start3A_429, %multiple_of3A_424] : memref<32x1000000xf32, #tpu.memory_space<hbm>> -> memref<32x128xf32, #tpu.memory_space<hbm>>
        %dma_start3A_431 = arith.constant 0 : i32
        %dma_start3A_432 = tpu.memref_slice %arg5[%dma_start3A_431, %multiple_of3A_424] : memref<32x1000000xf32, #tpu.memory_space<hbm>> -> memref<32x128xf32, #tpu.memory_space<hbm>>
        tpu.enqueue_dma source(%dma_start3A_432 : memref<32x128xf32, #tpu.memory_space<hbm>>) target(%arg18 : memref<32x128xf32, #tpu.memory_space<vmem>>) target_semaphore(%arg23 : memref<!tpu.dma_semaphore, #tpu.memory_space<semaphore_mem>>)
      } else {
      }
      %mul3A_246 = arith.constant 4 : i32
      %mul3A_247 = arith.muli %scan3A_196, %mul3A_246 : i32
      %add3A_248 = arith.constant 128 : i32
      %add3A_249 = arith.addi %add3A_248, %mul3A_247 : i32
      %add3A_250 = arith.constant 1 : i32
      %add3A_251 = arith.addi %add3A_249, %add3A_250 : i32
      %dma_wait3A_252 = arith.constant 0 : i32
      %dma_wait3A_253 = arith.constant 0 : i32
      %dma_wait3A_254 = tpu.memref_slice %arg4[%dma_wait3A_252, %dma_wait3A_253] : memref<32x1000000xf32, #tpu.memory_space<hbm>> -> memref<32x128xf32, #tpu.memory_space<hbm>>
      %dma_wait3A_255 = arith.constant 0 : i32
      %dma_wait3A_256 = arith.constant 0 : i32
      %dma_wait3A_257 = tpu.memref_slice %arg4[%dma_wait3A_255, %dma_wait3A_256] : memref<32x1000000xf32, #tpu.memory_space<hbm>> -> memref<32x128xf32, #tpu.memory_space<hbm>>
      tpu.wait_dma2 semaphore(%arg22 : memref<!tpu.dma_semaphore, #tpu.memory_space<semaphore_mem>>) src(%dma_wait3A_257 : memref<32x128xf32, #tpu.memory_space<hbm>>) dst(%arg15 : memref<32x128xf32, #tpu.memory_space<vmem>>)
      %dma_wait3A_258 = arith.constant 0 : i32
      %dma_wait3A_259 = arith.constant 0 : i32
      %dma_wait3A_260 = tpu.memref_slice %arg5[%dma_wait3A_258, %dma_wait3A_259] : memref<32x1000000xf32, #tpu.memory_space<hbm>> -> memref<32x128xf32, #tpu.memory_space<hbm>>
      %dma_wait3A_261 = arith.constant 0 : i32
      %dma_wait3A_262 = arith.constant 0 : i32
      %dma_wait3A_263 = tpu.memref_slice %arg5[%dma_wait3A_261, %dma_wait3A_262] : memref<32x1000000xf32, #tpu.memory_space<hbm>> -> memref<32x128xf32, #tpu.memory_space<hbm>>
      tpu.wait_dma2 semaphore(%arg23 : memref<!tpu.dma_semaphore, #tpu.memory_space<semaphore_mem>>) src(%dma_wait3A_263 : memref<32x128xf32, #tpu.memory_space<hbm>>) dst(%arg19 : memref<32x128xf32, #tpu.memory_space<vmem>>)
      %get3A_264 = arith.index_cast %add3A_251 : i32 to index
      %get3A_265 = tpu.vector_load %arg9[%get3A_264] {strides = array<i32>} : memref<544xi32, #tpu.memory_space<vmem>>, vector<16xi32>,
      %slice3A_266 = vector.extract_strided_slice %get3A_265 {offsets = [0], sizes = [1], strides = [1]} : vector<16xi32> to vector<1xi32>
      %squeeze3A_267 = vector.extract %slice3A_266[0] : i32 from vector<1xi32>
      %and3A_268 = arith.constant 127 : i32
      %and3A_269 = arith.andi %squeeze3A_267, %and3A_268 : i32
      %broadcast_in_dim3A_270 = vector.broadcast %and3A_269 : i32 to vector<16xi32>
      %mul3A_271 = arith.constant 4 : i32
      %mul3A_272 = arith.muli %scan3A_196, %mul3A_271 : i32
      %add3A_273 = arith.constant 1 : i32
      %add3A_274 = arith.addi %mul3A_272, %add3A_273 : i32
      %broadcast_in_dim3A_275 = vector.broadcast %add3A_274 : i32 to vector<16xi32>
      %broadcast_in_dim3A_276 = vector.broadcast %add3A_251 : i32 to vector<16xi32>
      %gather3A_277 = tpu.vector_load_idx %arg15[%iota3A, %broadcast_in_dim3A_270] : memref<32x128xf32, #tpu.memory_space<vmem>>[vector<16xi32>, vector<16xi32>], vector<16xf32>,
      %gather3A_278 = tpu.vector_load_idx %arg15[%add3A_68, %broadcast_in_dim3A_270] : memref<32x128xf32, #tpu.memory_space<vmem>>[vector<16xi32>, vector<16xi32>], vector<16xf32>,
      %gather3A_279 = tpu.vector_load_idx %arg19[%iota3A, %broadcast_in_dim3A_270] : memref<32x128xf32, #tpu.memory_space<vmem>>[vector<16xi32>, vector<16xi32>], vector<16xf32>,
      %gather3A_280 = tpu.vector_load_idx %arg19[%add3A_68, %broadcast_in_dim3A_270] : memref<32x128xf32, #tpu.memory_space<vmem>>[vector<16xi32>, vector<16xi32>], vector<16xf32>,
      %gather3A_281 = tpu.vector_load_idx %arg10[%iota3A, %broadcast_in_dim3A_276] : memref<32x512xf32, #tpu.memory_space<vmem>>[vector<16xi32>, vector<16xi32>], vector<16xf32>,
      %gather3A_282 = tpu.vector_load_idx %arg10[%add3A_68, %broadcast_in_dim3A_276] : memref<32x512xf32, #tpu.memory_space<vmem>>[vector<16xi32>, vector<16xi32>], vector<16xf32>,
      %mul3A_283 = arith.constant 5.000000e-01 : f32
      %mul3A_284 = vector.broadcast %mul3A_283 : f32 to vector<16xf32>
      %mul3A_285 = arith.mulf %gather3A_279, %mul3A_284 : vector<16xf32>
      %exp3A_286 = math.exp %mul3A_285 : vector<16xf32>
      %mul3A_287 = arith.mulf %gather3A_281, %exp3A_286 : vector<16xf32>
      %add3A_288 = arith.addf %gather3A_277, %mul3A_287 : vector<16xf32>
      %mul3A_289 = arith.constant 5.000000e-01 : f32
      %mul3A_290 = vector.broadcast %mul3A_289 : f32 to vector<16xf32>
      %mul3A_291 = arith.mulf %gather3A_280, %mul3A_290 : vector<16xf32>
      %exp3A_292 = math.exp %mul3A_291 : vector<16xf32>
      %mul3A_293 = arith.mulf %gather3A_282, %exp3A_292 : vector<16xf32>
      %add3A_294 = arith.addf %gather3A_278, %mul3A_293 : vector<16xf32>
      tpu.vector_store_idx %arg11[%iota3A, %broadcast_in_dim3A_275], %gather3A_277 : memref<32x128xf32, #tpu.memory_space<vmem>>[vector<16xi32>, vector<16xi32>], vector<16xf32>,
      tpu.vector_store_idx %arg11[%add3A_68, %broadcast_in_dim3A_275], %gather3A_278 : memref<32x128xf32, #tpu.memory_space<vmem>>[vector<16xi32>, vector<16xi32>], vector<16xf32>,
      tpu.vector_store_idx %arg12[%iota3A, %broadcast_in_dim3A_275], %gather3A_279 : memref<32x128xf32, #tpu.memory_space<vmem>>[vector<16xi32>, vector<16xi32>], vector<16xf32>,
      tpu.vector_store_idx %arg12[%add3A_68, %broadcast_in_dim3A_275], %gather3A_280 : memref<32x128xf32, #tpu.memory_space<vmem>>[vector<16xi32>, vector<16xi32>], vector<16xf32>,
      tpu.vector_store_idx %arg13[%iota3A, %broadcast_in_dim3A_275], %add3A_288 : memref<32x128xf32, #tpu.memory_space<vmem>>[vector<16xi32>, vector<16xi32>], vector<16xf32>,
      tpu.vector_store_idx %arg13[%add3A_68, %broadcast_in_dim3A_275], %add3A_294 : memref<32x128xf32, #tpu.memory_space<vmem>>[vector<16xi32>, vector<16xi32>], vector<16xf32>,
      %add3A_295 = arith.constant 4 : i32
      %add3A_296 = arith.addi %add3A_251, %add3A_295 : i32
      %lt3A_297 = arith.constant 512 : i32
      %lt3A_298 = arith.cmpi slt, %add3A_296, %lt3A_297 : i32
      %convert_element_type3A_299 = arith.extui %lt3A_298 : i1 to i32
      %cond3A_300 = arith.constant 0 : i32
      %cond3A_301 = arith.cmpi ne, %convert_element_type3A_299, %cond3A_300 : i32
      scf.if %cond3A_301 {
        %add3A_414 = arith.constant 4 : i32
        %add3A_415 = arith.addi %add3A_251, %add3A_414 : i32
        %get3A_416 = arith.index_cast %add3A_415 : i32 to index
        %get3A_417 = tpu.vector_load %arg9[%get3A_416] {strides = array<i32>} : memref<544xi32, #tpu.memory_space<vmem>>, vector<16xi32>,
        %slice3A_418 = vector.extract_strided_slice %get3A_417 {offsets = [0], sizes = [1], strides = [1]} : vector<16xi32> to vector<1xi32>
        %squeeze3A_419 = vector.extract %slice3A_418[0] : i32 from vector<1xi32>
        %shift_right_logical3A_420 = arith.constant 7 : i32
        %shift_right_logical3A_421 = arith.shrui %squeeze3A_419, %shift_right_logical3A_420 : i32
        %mul3A_422 = arith.constant 128 : i32
        %mul3A_423 = arith.muli %shift_right_logical3A_421, %mul3A_422 : i32
        %multiple_of3A_424 = tpu.assume_multiple %mul3A_423, 128 : i32
        %dma_start3A_425 = arith.constant 0 : i32
        %dma_start3A_426 = tpu.memref_slice %arg4[%dma_start3A_425, %multiple_of3A_424] : memref<32x1000000xf32, #tpu.memory_space<hbm>> -> memref<32x128xf32, #tpu.memory_space<hbm>>
        %dma_start3A_427 = arith.constant 0 : i32
        %dma_start3A_428 = tpu.memref_slice %arg4[%dma_start3A_427, %multiple_of3A_424] : memref<32x1000000xf32, #tpu.memory_space<hbm>> -> memref<32x128xf32, #tpu.memory_space<hbm>>
        tpu.enqueue_dma source(%dma_start3A_428 : memref<32x128xf32, #tpu.memory_space<hbm>>) target(%arg15 : memref<32x128xf32, #tpu.memory_space<vmem>>) target_semaphore(%arg22 : memref<!tpu.dma_semaphore, #tpu.memory_space<semaphore_mem>>)
        %dma_start3A_429 = arith.constant 0 : i32
        %dma_start3A_430 = tpu.memref_slice %arg5[%dma_start3A_429, %multiple_of3A_424] : memref<32x1000000xf32, #tpu.memory_space<hbm>> -> memref<32x128xf32, #tpu.memory_space<hbm>>
        %dma_start3A_431 = arith.constant 0 : i32
        %dma_start3A_432 = tpu.memref_slice %arg5[%dma_start3A_431, %multiple_of3A_424] : memref<32x1000000xf32, #tpu.memory_space<hbm>> -> memref<32x128xf32, #tpu.memory_space<hbm>>
        tpu.enqueue_dma source(%dma_start3A_432 : memref<32x128xf32, #tpu.memory_space<hbm>>) target(%arg19 : memref<32x128xf32, #tpu.memory_space<vmem>>) target_semaphore(%arg23 : memref<!tpu.dma_semaphore, #tpu.memory_space<semaphore_mem>>)
      } else {
      }
      %mul3A_302 = arith.constant 4 : i32
      %mul3A_303 = arith.muli %scan3A_196, %mul3A_302 : i32
      %add3A_304 = arith.constant 128 : i32
      %add3A_305 = arith.addi %add3A_304, %mul3A_303 : i32
      %add3A_306 = arith.constant 2 : i32
      %add3A_307 = arith.addi %add3A_305, %add3A_306 : i32
      %dma_wait3A_308 = arith.constant 0 : i32
      %dma_wait3A_309 = arith.constant 0 : i32
      %dma_wait3A_310 = tpu.memref_slice %arg4[%dma_wait3A_308, %dma_wait3A_309] : memref<32x1000000xf32, #tpu.memory_space<hbm>> -> memref<32x128xf32, #tpu.memory_space<hbm>>
      %dma_wait3A_311 = arith.constant 0 : i32
      %dma_wait3A_312 = arith.constant 0 : i32
      %dma_wait3A_313 = tpu.memref_slice %arg4[%dma_wait3A_311, %dma_wait3A_312] : memref<32x1000000xf32, #tpu.memory_space<hbm>> -> memref<32x128xf32, #tpu.memory_space<hbm>>
      tpu.wait_dma2 semaphore(%arg22 : memref<!tpu.dma_semaphore, #tpu.memory_space<semaphore_mem>>) src(%dma_wait3A_313 : memref<32x128xf32, #tpu.memory_space<hbm>>) dst(%arg16 : memref<32x128xf32, #tpu.memory_space<vmem>>)
      %dma_wait3A_314 = arith.constant 0 : i32
      %dma_wait3A_315 = arith.constant 0 : i32
      %dma_wait3A_316 = tpu.memref_slice %arg5[%dma_wait3A_314, %dma_wait3A_315] : memref<32x1000000xf32, #tpu.memory_space<hbm>> -> memref<32x128xf32, #tpu.memory_space<hbm>>
      %dma_wait3A_317 = arith.constant 0 : i32
      %dma_wait3A_318 = arith.constant 0 : i32
      %dma_wait3A_319 = tpu.memref_slice %arg5[%dma_wait3A_317, %dma_wait3A_318] : memref<32x1000000xf32, #tpu.memory_space<hbm>> -> memref<32x128xf32, #tpu.memory_space<hbm>>
      tpu.wait_dma2 semaphore(%arg23 : memref<!tpu.dma_semaphore, #tpu.memory_space<semaphore_mem>>) src(%dma_wait3A_319 : memref<32x128xf32, #tpu.memory_space<hbm>>) dst(%arg20 : memref<32x128xf32, #tpu.memory_space<vmem>>)
      %get3A_320 = arith.index_cast %add3A_307 : i32 to index
      %get3A_321 = tpu.vector_load %arg9[%get3A_320] {strides = array<i32>} : memref<544xi32, #tpu.memory_space<vmem>>, vector<16xi32>,
      %slice3A_322 = vector.extract_strided_slice %get3A_321 {offsets = [0], sizes = [1], strides = [1]} : vector<16xi32> to vector<1xi32>
      %squeeze3A_323 = vector.extract %slice3A_322[0] : i32 from vector<1xi32>
      %and3A_324 = arith.constant 127 : i32
      %and3A_325 = arith.andi %squeeze3A_323, %and3A_324 : i32
      %broadcast_in_dim3A_326 = vector.broadcast %and3A_325 : i32 to vector<16xi32>
      %mul3A_327 = arith.constant 4 : i32
      %mul3A_328 = arith.muli %scan3A_196, %mul3A_327 : i32
      %add3A_329 = arith.constant 2 : i32
      %add3A_330 = arith.addi %mul3A_328, %add3A_329 : i32
      %broadcast_in_dim3A_331 = vector.broadcast %add3A_330 : i32 to vector<16xi32>
      %broadcast_in_dim3A_332 = vector.broadcast %add3A_307 : i32 to vector<16xi32>
      %gather3A_333 = tpu.vector_load_idx %arg16[%iota3A, %broadcast_in_dim3A_326] : memref<32x128xf32, #tpu.memory_space<vmem>>[vector<16xi32>, vector<16xi32>], vector<16xf32>,
      %gather3A_334 = tpu.vector_load_idx %arg16[%add3A_68, %broadcast_in_dim3A_326] : memref<32x128xf32, #tpu.memory_space<vmem>>[vector<16xi32>, vector<16xi32>], vector<16xf32>,
      %gather3A_335 = tpu.vector_load_idx %arg20[%iota3A, %broadcast_in_dim3A_326] : memref<32x128xf32, #tpu.memory_space<vmem>>[vector<16xi32>, vector<16xi32>], vector<16xf32>,
      %gather3A_336 = tpu.vector_load_idx %arg20[%add3A_68, %broadcast_in_dim3A_326] : memref<32x128xf32, #tpu.memory_space<vmem>>[vector<16xi32>, vector<16xi32>], vector<16xf32>,
      %gather3A_337 = tpu.vector_load_idx %arg10[%iota3A, %broadcast_in_dim3A_332] : memref<32x512xf32, #tpu.memory_space<vmem>>[vector<16xi32>, vector<16xi32>], vector<16xf32>,
      %gather3A_338 = tpu.vector_load_idx %arg10[%add3A_68, %broadcast_in_dim3A_332] : memref<32x512xf32, #tpu.memory_space<vmem>>[vector<16xi32>, vector<16xi32>], vector<16xf32>,
      %mul3A_339 = arith.constant 5.000000e-01 : f32
      %mul3A_340 = vector.broadcast %mul3A_339 : f32 to vector<16xf32>
      %mul3A_341 = arith.mulf %gather3A_335, %mul3A_340 : vector<16xf32>
      %exp3A_342 = math.exp %mul3A_341 : vector<16xf32>
      %mul3A_343 = arith.mulf %gather3A_337, %exp3A_342 : vector<16xf32>
      %add3A_344 = arith.addf %gather3A_333, %mul3A_343 : vector<16xf32>
      %mul3A_345 = arith.constant 5.000000e-01 : f32
      %mul3A_346 = vector.broadcast %mul3A_345 : f32 to vector<16xf32>
      %mul3A_347 = arith.mulf %gather3A_336, %mul3A_346 : vector<16xf32>
      %exp3A_348 = math.exp %mul3A_347 : vector<16xf32>
      %mul3A_349 = arith.mulf %gather3A_338, %exp3A_348 : vector<16xf32>
      %add3A_350 = arith.addf %gather3A_334, %mul3A_349 : vector<16xf32>
      tpu.vector_store_idx %arg11[%iota3A, %broadcast_in_dim3A_331], %gather3A_333 : memref<32x128xf32, #tpu.memory_space<vmem>>[vector<16xi32>, vector<16xi32>], vector<16xf32>,
      tpu.vector_store_idx %arg11[%add3A_68, %broadcast_in_dim3A_331], %gather3A_334 : memref<32x128xf32, #tpu.memory_space<vmem>>[vector<16xi32>, vector<16xi32>], vector<16xf32>,
      tpu.vector_store_idx %arg12[%iota3A, %broadcast_in_dim3A_331], %gather3A_335 : memref<32x128xf32, #tpu.memory_space<vmem>>[vector<16xi32>, vector<16xi32>], vector<16xf32>,
      tpu.vector_store_idx %arg12[%add3A_68, %broadcast_in_dim3A_331], %gather3A_336 : memref<32x128xf32, #tpu.memory_space<vmem>>[vector<16xi32>, vector<16xi32>], vector<16xf32>,
      tpu.vector_store_idx %arg13[%iota3A, %broadcast_in_dim3A_331], %add3A_344 : memref<32x128xf32, #tpu.memory_space<vmem>>[vector<16xi32>, vector<16xi32>], vector<16xf32>,
      tpu.vector_store_idx %arg13[%add3A_68, %broadcast_in_dim3A_331], %add3A_350 : memref<32x128xf32, #tpu.memory_space<vmem>>[vector<16xi32>, vector<16xi32>], vector<16xf32>,
      %add3A_351 = arith.constant 4 : i32
      %add3A_352 = arith.addi %add3A_307, %add3A_351 : i32
      %lt3A_353 = arith.constant 512 : i32
      %lt3A_354 = arith.cmpi slt, %add3A_352, %lt3A_353 : i32
      %convert_element_type3A_355 = arith.extui %lt3A_354 : i1 to i32
      %cond3A_356 = arith.constant 0 : i32
      %cond3A_357 = arith.cmpi ne, %convert_element_type3A_355, %cond3A_356 : i32
      scf.if %cond3A_357 {
        %add3A_414 = arith.constant 4 : i32
        %add3A_415 = arith.addi %add3A_307, %add3A_414 : i32
        %get3A_416 = arith.index_cast %add3A_415 : i32 to index
        %get3A_417 = tpu.vector_load %arg9[%get3A_416] {strides = array<i32>} : memref<544xi32, #tpu.memory_space<vmem>>, vector<16xi32>,
        %slice3A_418 = vector.extract_strided_slice %get3A_417 {offsets = [0], sizes = [1], strides = [1]} : vector<16xi32> to vector<1xi32>
        %squeeze3A_419 = vector.extract %slice3A_418[0] : i32 from vector<1xi32>
        %shift_right_logical3A_420 = arith.constant 7 : i32
        %shift_right_logical3A_421 = arith.shrui %squeeze3A_419, %shift_right_logical3A_420 : i32
        %mul3A_422 = arith.constant 128 : i32
        %mul3A_423 = arith.muli %shift_right_logical3A_421, %mul3A_422 : i32
        %multiple_of3A_424 = tpu.assume_multiple %mul3A_423, 128 : i32
        %dma_start3A_425 = arith.constant 0 : i32
        %dma_start3A_426 = tpu.memref_slice %arg4[%dma_start3A_425, %multiple_of3A_424] : memref<32x1000000xf32, #tpu.memory_space<hbm>> -> memref<32x128xf32, #tpu.memory_space<hbm>>
        %dma_start3A_427 = arith.constant 0 : i32
        %dma_start3A_428 = tpu.memref_slice %arg4[%dma_start3A_427, %multiple_of3A_424] : memref<32x1000000xf32, #tpu.memory_space<hbm>> -> memref<32x128xf32, #tpu.memory_space<hbm>>
        tpu.enqueue_dma source(%dma_start3A_428 : memref<32x128xf32, #tpu.memory_space<hbm>>) target(%arg16 : memref<32x128xf32, #tpu.memory_space<vmem>>) target_semaphore(%arg22 : memref<!tpu.dma_semaphore, #tpu.memory_space<semaphore_mem>>)
        %dma_start3A_429 = arith.constant 0 : i32
        %dma_start3A_430 = tpu.memref_slice %arg5[%dma_start3A_429, %multiple_of3A_424] : memref<32x1000000xf32, #tpu.memory_space<hbm>> -> memref<32x128xf32, #tpu.memory_space<hbm>>
        %dma_start3A_431 = arith.constant 0 : i32
        %dma_start3A_432 = tpu.memref_slice %arg5[%dma_start3A_431, %multiple_of3A_424] : memref<32x1000000xf32, #tpu.memory_space<hbm>> -> memref<32x128xf32, #tpu.memory_space<hbm>>
        tpu.enqueue_dma source(%dma_start3A_432 : memref<32x128xf32, #tpu.memory_space<hbm>>) target(%arg20 : memref<32x128xf32, #tpu.memory_space<vmem>>) target_semaphore(%arg23 : memref<!tpu.dma_semaphore, #tpu.memory_space<semaphore_mem>>)
      } else {
      }
      %mul3A_358 = arith.constant 4 : i32
      %mul3A_359 = arith.muli %scan3A_196, %mul3A_358 : i32
      %add3A_360 = arith.constant 128 : i32
      %add3A_361 = arith.addi %add3A_360, %mul3A_359 : i32
      %add3A_362 = arith.constant 3 : i32
      %add3A_363 = arith.addi %add3A_361, %add3A_362 : i32
      %dma_wait3A_364 = arith.constant 0 : i32
      %dma_wait3A_365 = arith.constant 0 : i32
      %dma_wait3A_366 = tpu.memref_slice %arg4[%dma_wait3A_364, %dma_wait3A_365] : memref<32x1000000xf32, #tpu.memory_space<hbm>> -> memref<32x128xf32, #tpu.memory_space<hbm>>
      %dma_wait3A_367 = arith.constant 0 : i32
      %dma_wait3A_368 = arith.constant 0 : i32
      %dma_wait3A_369 = tpu.memref_slice %arg4[%dma_wait3A_367, %dma_wait3A_368] : memref<32x1000000xf32, #tpu.memory_space<hbm>> -> memref<32x128xf32, #tpu.memory_space<hbm>>
      tpu.wait_dma2 semaphore(%arg22 : memref<!tpu.dma_semaphore, #tpu.memory_space<semaphore_mem>>) src(%dma_wait3A_369 : memref<32x128xf32, #tpu.memory_space<hbm>>) dst(%arg17 : memref<32x128xf32, #tpu.memory_space<vmem>>)
      %dma_wait3A_370 = arith.constant 0 : i32
      %dma_wait3A_371 = arith.constant 0 : i32
      %dma_wait3A_372 = tpu.memref_slice %arg5[%dma_wait3A_370, %dma_wait3A_371] : memref<32x1000000xf32, #tpu.memory_space<hbm>> -> memref<32x128xf32, #tpu.memory_space<hbm>>
      %dma_wait3A_373 = arith.constant 0 : i32
      %dma_wait3A_374 = arith.constant 0 : i32
      %dma_wait3A_375 = tpu.memref_slice %arg5[%dma_wait3A_373, %dma_wait3A_374] : memref<32x1000000xf32, #tpu.memory_space<hbm>> -> memref<32x128xf32, #tpu.memory_space<hbm>>
      tpu.wait_dma2 semaphore(%arg23 : memref<!tpu.dma_semaphore, #tpu.memory_space<semaphore_mem>>) src(%dma_wait3A_375 : memref<32x128xf32, #tpu.memory_space<hbm>>) dst(%arg21 : memref<32x128xf32, #tpu.memory_space<vmem>>)
      %get3A_376 = arith.index_cast %add3A_363 : i32 to index
      %get3A_377 = tpu.vector_load %arg9[%get3A_376] {strides = array<i32>} : memref<544xi32, #tpu.memory_space<vmem>>, vector<16xi32>,
      %slice3A_378 = vector.extract_strided_slice %get3A_377 {offsets = [0], sizes = [1], strides = [1]} : vector<16xi32> to vector<1xi32>
      %squeeze3A_379 = vector.extract %slice3A_378[0] : i32 from vector<1xi32>
      %and3A_380 = arith.constant 127 : i32
      %and3A_381 = arith.andi %squeeze3A_379, %and3A_380 : i32
      %broadcast_in_dim3A_382 = vector.broadcast %and3A_381 : i32 to vector<16xi32>
      %mul3A_383 = arith.constant 4 : i32
      %mul3A_384 = arith.muli %scan3A_196, %mul3A_383 : i32
      %add3A_385 = arith.constant 3 : i32
      %add3A_386 = arith.addi %mul3A_384, %add3A_385 : i32
      %broadcast_in_dim3A_387 = vector.broadcast %add3A_386 : i32 to vector<16xi32>
      %broadcast_in_dim3A_388 = vector.broadcast %add3A_363 : i32 to vector<16xi32>
      %gather3A_389 = tpu.vector_load_idx %arg17[%iota3A, %broadcast_in_dim3A_382] : memref<32x128xf32, #tpu.memory_space<vmem>>[vector<16xi32>, vector<16xi32>], vector<16xf32>,
      %gather3A_390 = tpu.vector_load_idx %arg17[%add3A_68, %broadcast_in_dim3A_382] : memref<32x128xf32, #tpu.memory_space<vmem>>[vector<16xi32>, vector<16xi32>], vector<16xf32>,
      %gather3A_391 = tpu.vector_load_idx %arg21[%iota3A, %broadcast_in_dim3A_382] : memref<32x128xf32, #tpu.memory_space<vmem>>[vector<16xi32>, vector<16xi32>], vector<16xf32>,
      %gather3A_392 = tpu.vector_load_idx %arg21[%add3A_68, %broadcast_in_dim3A_382] : memref<32x128xf32, #tpu.memory_space<vmem>>[vector<16xi32>, vector<16xi32>], vector<16xf32>,
      %gather3A_393 = tpu.vector_load_idx %arg10[%iota3A, %broadcast_in_dim3A_388] : memref<32x512xf32, #tpu.memory_space<vmem>>[vector<16xi32>, vector<16xi32>], vector<16xf32>,
      %gather3A_394 = tpu.vector_load_idx %arg10[%add3A_68, %broadcast_in_dim3A_388] : memref<32x512xf32, #tpu.memory_space<vmem>>[vector<16xi32>, vector<16xi32>], vector<16xf32>,
      %mul3A_395 = arith.constant 5.000000e-01 : f32
      %mul3A_396 = vector.broadcast %mul3A_395 : f32 to vector<16xf32>
      %mul3A_397 = arith.mulf %gather3A_391, %mul3A_396 : vector<16xf32>
      %exp3A_398 = math.exp %mul3A_397 : vector<16xf32>
      %mul3A_399 = arith.mulf %gather3A_393, %exp3A_398 : vector<16xf32>
      %add3A_400 = arith.addf %gather3A_389, %mul3A_399 : vector<16xf32>
      %mul3A_401 = arith.constant 5.000000e-01 : f32
      %mul3A_402 = vector.broadcast %mul3A_401 : f32 to vector<16xf32>
      %mul3A_403 = arith.mulf %gather3A_392, %mul3A_402 : vector<16xf32>
      %exp3A_404 = math.exp %mul3A_403 : vector<16xf32>
      %mul3A_405 = arith.mulf %gather3A_394, %exp3A_404 : vector<16xf32>
      %add3A_406 = arith.addf %gather3A_390, %mul3A_405 : vector<16xf32>
      tpu.vector_store_idx %arg11[%iota3A, %broadcast_in_dim3A_387], %gather3A_389 : memref<32x128xf32, #tpu.memory_space<vmem>>[vector<16xi32>, vector<16xi32>], vector<16xf32>,
      tpu.vector_store_idx %arg11[%add3A_68, %broadcast_in_dim3A_387], %gather3A_390 : memref<32x128xf32, #tpu.memory_space<vmem>>[vector<16xi32>, vector<16xi32>], vector<16xf32>,
      tpu.vector_store_idx %arg12[%iota3A, %broadcast_in_dim3A_387], %gather3A_391 : memref<32x128xf32, #tpu.memory_space<vmem>>[vector<16xi32>, vector<16xi32>], vector<16xf32>,
      tpu.vector_store_idx %arg12[%add3A_68, %broadcast_in_dim3A_387], %gather3A_392 : memref<32x128xf32, #tpu.memory_space<vmem>>[vector<16xi32>, vector<16xi32>], vector<16xf32>,
      tpu.vector_store_idx %arg13[%iota3A, %broadcast_in_dim3A_387], %add3A_400 : memref<32x128xf32, #tpu.memory_space<vmem>>[vector<16xi32>, vector<16xi32>], vector<16xf32>,
      tpu.vector_store_idx %arg13[%add3A_68, %broadcast_in_dim3A_387], %add3A_406 : memref<32x128xf32, #tpu.memory_space<vmem>>[vector<16xi32>, vector<16xi32>], vector<16xf32>,
      %add3A_407 = arith.constant 4 : i32
      %add3A_408 = arith.addi %add3A_363, %add3A_407 : i32
      %lt3A_409 = arith.constant 512 : i32
      %lt3A_410 = arith.cmpi slt, %add3A_408, %lt3A_409 : i32
      %convert_element_type3A_411 = arith.extui %lt3A_410 : i1 to i32
      %cond3A_412 = arith.constant 0 : i32
      %cond3A_413 = arith.cmpi ne, %convert_element_type3A_411, %cond3A_412 : i32
      scf.if %cond3A_413 {
        %add3A_414 = arith.constant 4 : i32
        %add3A_415 = arith.addi %add3A_363, %add3A_414 : i32
        %get3A_416 = arith.index_cast %add3A_415 : i32 to index
        %get3A_417 = tpu.vector_load %arg9[%get3A_416] {strides = array<i32>} : memref<544xi32, #tpu.memory_space<vmem>>, vector<16xi32>,
        %slice3A_418 = vector.extract_strided_slice %get3A_417 {offsets = [0], sizes = [1], strides = [1]} : vector<16xi32> to vector<1xi32>
        %squeeze3A_419 = vector.extract %slice3A_418[0] : i32 from vector<1xi32>
        %shift_right_logical3A_420 = arith.constant 7 : i32
        %shift_right_logical3A_421 = arith.shrui %squeeze3A_419, %shift_right_logical3A_420 : i32
        %mul3A_422 = arith.constant 128 : i32
        %mul3A_423 = arith.muli %shift_right_logical3A_421, %mul3A_422 : i32
        %multiple_of3A_424 = tpu.assume_multiple %mul3A_423, 128 : i32
        %dma_start3A_425 = arith.constant 0 : i32
        %dma_start3A_426 = tpu.memref_slice %arg4[%dma_start3A_425, %multiple_of3A_424] : memref<32x1000000xf32, #tpu.memory_space<hbm>> -> memref<32x128xf32, #tpu.memory_space<hbm>>
        %dma_start3A_427 = arith.constant 0 : i32
        %dma_start3A_428 = tpu.memref_slice %arg4[%dma_start3A_427, %multiple_of3A_424] : memref<32x1000000xf32, #tpu.memory_space<hbm>> -> memref<32x128xf32, #tpu.memory_space<hbm>>
        tpu.enqueue_dma source(%dma_start3A_428 : memref<32x128xf32, #tpu.memory_space<hbm>>) target(%arg17 : memref<32x128xf32, #tpu.memory_space<vmem>>) target_semaphore(%arg22 : memref<!tpu.dma_semaphore, #tpu.memory_space<semaphore_mem>>)
        %dma_start3A_429 = arith.constant 0 : i32
        %dma_start3A_430 = tpu.memref_slice %arg5[%dma_start3A_429, %multiple_of3A_424] : memref<32x1000000xf32, #tpu.memory_space<hbm>> -> memref<32x128xf32, #tpu.memory_space<hbm>>
        %dma_start3A_431 = arith.constant 0 : i32
        %dma_start3A_432 = tpu.memref_slice %arg5[%dma_start3A_431, %multiple_of3A_424] : memref<32x1000000xf32, #tpu.memory_space<hbm>> -> memref<32x128xf32, #tpu.memory_space<hbm>>
        tpu.enqueue_dma source(%dma_start3A_432 : memref<32x128xf32, #tpu.memory_space<hbm>>) target(%arg21 : memref<32x128xf32, #tpu.memory_space<vmem>>) target_semaphore(%arg23 : memref<!tpu.dma_semaphore, #tpu.memory_space<semaphore_mem>>)
      } else {
      }
    }
    %scan3A_105 = arith.constant 32 : i32
    %add3A_106 = arith.constant 128 : i32
    %add3A_107 = arith.addi %mul3A_2, %add3A_106 : i32
    %dma_start3A_108 = arith.constant 0 : i32
    %dma_start3A_109 = tpu.memref_slice %arg7[%dma_start3A_108, %add3A_107] : memref<32x16384xf32, #tpu.memory_space<hbm>> -> memref<32x128xf32, #tpu.memory_space<hbm>>
    %dma_start3A_110 = arith.constant 0 : i32
    %dma_start3A_111 = tpu.memref_slice %arg7[%dma_start3A_110, %add3A_107] : memref<32x16384xf32, #tpu.memory_space<hbm>> -> memref<32x128xf32, #tpu.memory_space<hbm>>
    tpu.enqueue_dma source(%arg11 : memref<32x128xf32, #tpu.memory_space<vmem>>) target(%dma_start3A_111 : memref<32x128xf32, #tpu.memory_space<hbm>>) target_semaphore(%arg25 : memref<!tpu.dma_semaphore, #tpu.memory_space<semaphore_mem>>)
    %dma_start3A_112 = arith.constant 0 : i32
    %dma_start3A_113 = tpu.memref_slice %arg8[%dma_start3A_112, %add3A_107] : memref<32x16384xf32, #tpu.memory_space<hbm>> -> memref<32x128xf32, #tpu.memory_space<hbm>>
    %dma_start3A_114 = arith.constant 0 : i32
    %dma_start3A_115 = tpu.memref_slice %arg8[%dma_start3A_114, %add3A_107] : memref<32x16384xf32, #tpu.memory_space<hbm>> -> memref<32x128xf32, #tpu.memory_space<hbm>>
    tpu.enqueue_dma source(%arg12 : memref<32x128xf32, #tpu.memory_space<vmem>>) target(%dma_start3A_115 : memref<32x128xf32, #tpu.memory_space<hbm>>) target_semaphore(%arg25 : memref<!tpu.dma_semaphore, #tpu.memory_space<semaphore_mem>>)
    %dma_start3A_116 = arith.constant 0 : i32
    %dma_start3A_117 = tpu.memref_slice %arg6[%dma_start3A_116, %add3A_107] : memref<32x16384xf32, #tpu.memory_space<hbm>> -> memref<32x128xf32, #tpu.memory_space<hbm>>
    %dma_start3A_118 = arith.constant 0 : i32
    %dma_start3A_119 = tpu.memref_slice %arg6[%dma_start3A_118, %add3A_107] : memref<32x16384xf32, #tpu.memory_space<hbm>> -> memref<32x128xf32, #tpu.memory_space<hbm>>
    tpu.enqueue_dma source(%arg13 : memref<32x128xf32, #tpu.memory_space<vmem>>) target(%dma_start3A_119 : memref<32x128xf32, #tpu.memory_space<hbm>>) target_semaphore(%arg25 : memref<!tpu.dma_semaphore, #tpu.memory_space<semaphore_mem>>)
    %dma_wait3A_120 = arith.constant 0 : i32
    %dma_wait3A_121 = tpu.memref_slice %arg7[%dma_wait3A_120, %add3A_107] : memref<32x16384xf32, #tpu.memory_space<hbm>> -> memref<32x128xf32, #tpu.memory_space<hbm>>
    %dma_wait3A_122 = arith.constant 0 : i32
    %dma_wait3A_123 = tpu.memref_slice %arg7[%dma_wait3A_122, %add3A_107] : memref<32x16384xf32, #tpu.memory_space<hbm>> -> memref<32x128xf32, #tpu.memory_space<hbm>>
    tpu.wait_dma2 semaphore(%arg25 : memref<!tpu.dma_semaphore, #tpu.memory_space<semaphore_mem>>) src(%arg11 : memref<32x128xf32, #tpu.memory_space<vmem>>) dst(%dma_wait3A_123 : memref<32x128xf32, #tpu.memory_space<hbm>>)
    %dma_wait3A_124 = arith.constant 0 : i32
    %dma_wait3A_125 = tpu.memref_slice %arg8[%dma_wait3A_124, %add3A_107] : memref<32x16384xf32, #tpu.memory_space<hbm>> -> memref<32x128xf32, #tpu.memory_space<hbm>>
    %dma_wait3A_126 = arith.constant 0 : i32
    %dma_wait3A_127 = tpu.memref_slice %arg8[%dma_wait3A_126, %add3A_107] : memref<32x16384xf32, #tpu.memory_space<hbm>> -> memref<32x128xf32, #tpu.memory_space<hbm>>
    tpu.wait_dma2 semaphore(%arg25 : memref<!tpu.dma_semaphore, #tpu.memory_space<semaphore_mem>>) src(%arg12 : memref<32x128xf32, #tpu.memory_space<vmem>>) dst(%dma_wait3A_127 : memref<32x128xf32, #tpu.memory_space<hbm>>)
    %dma_wait3A_128 = arith.constant 0 : i32
    %dma_wait3A_129 = tpu.memref_slice %arg6[%dma_wait3A_128, %add3A_107] : memref<32x16384xf32, #tpu.memory_space<hbm>> -> memref<32x128xf32, #tpu.memory_space<hbm>>
    %dma_wait3A_130 = arith.constant 0 : i32
    %dma_wait3A_131 = tpu.memref_slice %arg6[%dma_wait3A_130, %add3A_107] : memref<32x16384xf32, #tpu.memory_space<hbm>> -> memref<32x128xf32, #tpu.memory_space<hbm>>
    tpu.wait_dma2 semaphore(%arg25 : memref<!tpu.dma_semaphore, #tpu.memory_space<semaphore_mem>>) src(%arg13 : memref<32x128xf32, #tpu.memory_space<vmem>>) dst(%dma_wait3A_131 : memref<32x128xf32, #tpu.memory_space<hbm>>)
    %scan3A_132 = arith.constant 0 : i32
    %scan3A_133 = arith.constant 0 : i32
    %scan3A_134 = arith.constant 32 : i32
    %scan3A_135 = arith.addi %scan3A_133, %scan3A_134 : i32
    %scan3A_136 = arith.constant 1 : i32
    scf.for %scan3A_196 = %scan3A_133 to %scan3A_135 step %scan3A_136  : i32 {
      %mul3A_197 = arith.constant 4 : i32
      %mul3A_198 = arith.muli %scan3A_196, %mul3A_197 : i32
      %add3A_199 = arith.constant 256 : i32
      %add3A_200 = arith.addi %add3A_199, %mul3A_198 : i32
      %add3A_201 = arith.constant 0 : i32
      %add3A_202 = arith.addi %add3A_200, %add3A_201 : i32
      %dma_wait3A_203 = arith.constant 0 : i32
      %dma_wait3A_204 = arith.constant 0 : i32
      %dma_wait3A_205 = tpu.memref_slice %arg4[%dma_wait3A_203, %dma_wait3A_204] : memref<32x1000000xf32, #tpu.memory_space<hbm>> -> memref<32x128xf32, #tpu.memory_space<hbm>>
      %dma_wait3A_206 = arith.constant 0 : i32
      %dma_wait3A_207 = arith.constant 0 : i32
      %dma_wait3A_208 = tpu.memref_slice %arg4[%dma_wait3A_206, %dma_wait3A_207] : memref<32x1000000xf32, #tpu.memory_space<hbm>> -> memref<32x128xf32, #tpu.memory_space<hbm>>
      tpu.wait_dma2 semaphore(%arg22 : memref<!tpu.dma_semaphore, #tpu.memory_space<semaphore_mem>>) src(%dma_wait3A_208 : memref<32x128xf32, #tpu.memory_space<hbm>>) dst(%arg14 : memref<32x128xf32, #tpu.memory_space<vmem>>)
      %dma_wait3A_209 = arith.constant 0 : i32
      %dma_wait3A_210 = arith.constant 0 : i32
      %dma_wait3A_211 = tpu.memref_slice %arg5[%dma_wait3A_209, %dma_wait3A_210] : memref<32x1000000xf32, #tpu.memory_space<hbm>> -> memref<32x128xf32, #tpu.memory_space<hbm>>
      %dma_wait3A_212 = arith.constant 0 : i32
      %dma_wait3A_213 = arith.constant 0 : i32
      %dma_wait3A_214 = tpu.memref_slice %arg5[%dma_wait3A_212, %dma_wait3A_213] : memref<32x1000000xf32, #tpu.memory_space<hbm>> -> memref<32x128xf32, #tpu.memory_space<hbm>>
      tpu.wait_dma2 semaphore(%arg23 : memref<!tpu.dma_semaphore, #tpu.memory_space<semaphore_mem>>) src(%dma_wait3A_214 : memref<32x128xf32, #tpu.memory_space<hbm>>) dst(%arg18 : memref<32x128xf32, #tpu.memory_space<vmem>>)
      %get3A_215 = arith.index_cast %add3A_202 : i32 to index
      %get3A_216 = tpu.vector_load %arg9[%get3A_215] {strides = array<i32>} : memref<544xi32, #tpu.memory_space<vmem>>, vector<16xi32>,
      %slice3A_217 = vector.extract_strided_slice %get3A_216 {offsets = [0], sizes = [1], strides = [1]} : vector<16xi32> to vector<1xi32>
      %squeeze3A_218 = vector.extract %slice3A_217[0] : i32 from vector<1xi32>
      %and3A = arith.constant 127 : i32
      %and3A_219 = arith.andi %squeeze3A_218, %and3A : i32
      %broadcast_in_dim3A = vector.broadcast %and3A_219 : i32 to vector<16xi32>
      %mul3A_220 = arith.constant 4 : i32
      %mul3A_221 = arith.muli %scan3A_196, %mul3A_220 : i32
      %add3A_222 = arith.constant 0 : i32
      %add3A_223 = arith.addi %mul3A_221, %add3A_222 : i32
      %broadcast_in_dim3A_224 = vector.broadcast %add3A_223 : i32 to vector<16xi32>
      %broadcast_in_dim3A_225 = vector.broadcast %add3A_202 : i32 to vector<16xi32>
      %gather3A = tpu.vector_load_idx %arg14[%iota3A, %broadcast_in_dim3A] : memref<32x128xf32, #tpu.memory_space<vmem>>[vector<16xi32>, vector<16xi32>], vector<16xf32>,
      %gather3A_226 = tpu.vector_load_idx %arg14[%add3A_68, %broadcast_in_dim3A] : memref<32x128xf32, #tpu.memory_space<vmem>>[vector<16xi32>, vector<16xi32>], vector<16xf32>,
      %gather3A_227 = tpu.vector_load_idx %arg18[%iota3A, %broadcast_in_dim3A] : memref<32x128xf32, #tpu.memory_space<vmem>>[vector<16xi32>, vector<16xi32>], vector<16xf32>,
      %gather3A_228 = tpu.vector_load_idx %arg18[%add3A_68, %broadcast_in_dim3A] : memref<32x128xf32, #tpu.memory_space<vmem>>[vector<16xi32>, vector<16xi32>], vector<16xf32>,
      %gather3A_229 = tpu.vector_load_idx %arg10[%iota3A, %broadcast_in_dim3A_225] : memref<32x512xf32, #tpu.memory_space<vmem>>[vector<16xi32>, vector<16xi32>], vector<16xf32>,
      %gather3A_230 = tpu.vector_load_idx %arg10[%add3A_68, %broadcast_in_dim3A_225] : memref<32x512xf32, #tpu.memory_space<vmem>>[vector<16xi32>, vector<16xi32>], vector<16xf32>,
      %mul3A_231 = arith.constant 5.000000e-01 : f32
      %mul3A_232 = vector.broadcast %mul3A_231 : f32 to vector<16xf32>
      %mul3A_233 = arith.mulf %gather3A_227, %mul3A_232 : vector<16xf32>
      %exp3A = math.exp %mul3A_233 : vector<16xf32>
      %mul3A_234 = arith.mulf %gather3A_229, %exp3A : vector<16xf32>
      %add3A_235 = arith.addf %gather3A, %mul3A_234 : vector<16xf32>
      %mul3A_236 = arith.constant 5.000000e-01 : f32
      %mul3A_237 = vector.broadcast %mul3A_236 : f32 to vector<16xf32>
      %mul3A_238 = arith.mulf %gather3A_228, %mul3A_237 : vector<16xf32>
      %exp3A_239 = math.exp %mul3A_238 : vector<16xf32>
      %mul3A_240 = arith.mulf %gather3A_230, %exp3A_239 : vector<16xf32>
      %add3A_241 = arith.addf %gather3A_226, %mul3A_240 : vector<16xf32>
      tpu.vector_store_idx %arg11[%iota3A, %broadcast_in_dim3A_224], %gather3A : memref<32x128xf32, #tpu.memory_space<vmem>>[vector<16xi32>, vector<16xi32>], vector<16xf32>,
      tpu.vector_store_idx %arg11[%add3A_68, %broadcast_in_dim3A_224], %gather3A_226 : memref<32x128xf32, #tpu.memory_space<vmem>>[vector<16xi32>, vector<16xi32>], vector<16xf32>,
      tpu.vector_store_idx %arg12[%iota3A, %broadcast_in_dim3A_224], %gather3A_227 : memref<32x128xf32, #tpu.memory_space<vmem>>[vector<16xi32>, vector<16xi32>], vector<16xf32>,
      tpu.vector_store_idx %arg12[%add3A_68, %broadcast_in_dim3A_224], %gather3A_228 : memref<32x128xf32, #tpu.memory_space<vmem>>[vector<16xi32>, vector<16xi32>], vector<16xf32>,
      tpu.vector_store_idx %arg13[%iota3A, %broadcast_in_dim3A_224], %add3A_235 : memref<32x128xf32, #tpu.memory_space<vmem>>[vector<16xi32>, vector<16xi32>], vector<16xf32>,
      tpu.vector_store_idx %arg13[%add3A_68, %broadcast_in_dim3A_224], %add3A_241 : memref<32x128xf32, #tpu.memory_space<vmem>>[vector<16xi32>, vector<16xi32>], vector<16xf32>,
      %add3A_242 = arith.constant 4 : i32
      %add3A_243 = arith.addi %add3A_202, %add3A_242 : i32
      %lt3A = arith.constant 512 : i32
      %lt3A_244 = arith.cmpi slt, %add3A_243, %lt3A : i32
      %convert_element_type3A = arith.extui %lt3A_244 : i1 to i32
      %cond3A = arith.constant 0 : i32
      %cond3A_245 = arith.cmpi ne, %convert_element_type3A, %cond3A : i32
      scf.if %cond3A_245 {
        %add3A_414 = arith.constant 4 : i32
        %add3A_415 = arith.addi %add3A_202, %add3A_414 : i32
        %get3A_416 = arith.index_cast %add3A_415 : i32 to index
        %get3A_417 = tpu.vector_load %arg9[%get3A_416] {strides = array<i32>} : memref<544xi32, #tpu.memory_space<vmem>>, vector<16xi32>,
        %slice3A_418 = vector.extract_strided_slice %get3A_417 {offsets = [0], sizes = [1], strides = [1]} : vector<16xi32> to vector<1xi32>
        %squeeze3A_419 = vector.extract %slice3A_418[0] : i32 from vector<1xi32>
        %shift_right_logical3A_420 = arith.constant 7 : i32
        %shift_right_logical3A_421 = arith.shrui %squeeze3A_419, %shift_right_logical3A_420 : i32
        %mul3A_422 = arith.constant 128 : i32
        %mul3A_423 = arith.muli %shift_right_logical3A_421, %mul3A_422 : i32
        %multiple_of3A_424 = tpu.assume_multiple %mul3A_423, 128 : i32
        %dma_start3A_425 = arith.constant 0 : i32
        %dma_start3A_426 = tpu.memref_slice %arg4[%dma_start3A_425, %multiple_of3A_424] : memref<32x1000000xf32, #tpu.memory_space<hbm>> -> memref<32x128xf32, #tpu.memory_space<hbm>>
        %dma_start3A_427 = arith.constant 0 : i32
        %dma_start3A_428 = tpu.memref_slice %arg4[%dma_start3A_427, %multiple_of3A_424] : memref<32x1000000xf32, #tpu.memory_space<hbm>> -> memref<32x128xf32, #tpu.memory_space<hbm>>
        tpu.enqueue_dma source(%dma_start3A_428 : memref<32x128xf32, #tpu.memory_space<hbm>>) target(%arg14 : memref<32x128xf32, #tpu.memory_space<vmem>>) target_semaphore(%arg22 : memref<!tpu.dma_semaphore, #tpu.memory_space<semaphore_mem>>)
        %dma_start3A_429 = arith.constant 0 : i32
        %dma_start3A_430 = tpu.memref_slice %arg5[%dma_start3A_429, %multiple_of3A_424] : memref<32x1000000xf32, #tpu.memory_space<hbm>> -> memref<32x128xf32, #tpu.memory_space<hbm>>
        %dma_start3A_431 = arith.constant 0 : i32
        %dma_start3A_432 = tpu.memref_slice %arg5[%dma_start3A_431, %multiple_of3A_424] : memref<32x1000000xf32, #tpu.memory_space<hbm>> -> memref<32x128xf32, #tpu.memory_space<hbm>>
        tpu.enqueue_dma source(%dma_start3A_432 : memref<32x128xf32, #tpu.memory_space<hbm>>) target(%arg18 : memref<32x128xf32, #tpu.memory_space<vmem>>) target_semaphore(%arg23 : memref<!tpu.dma_semaphore, #tpu.memory_space<semaphore_mem>>)
      } else {
      }
      %mul3A_246 = arith.constant 4 : i32
      %mul3A_247 = arith.muli %scan3A_196, %mul3A_246 : i32
      %add3A_248 = arith.constant 256 : i32
      %add3A_249 = arith.addi %add3A_248, %mul3A_247 : i32
      %add3A_250 = arith.constant 1 : i32
      %add3A_251 = arith.addi %add3A_249, %add3A_250 : i32
      %dma_wait3A_252 = arith.constant 0 : i32
      %dma_wait3A_253 = arith.constant 0 : i32
      %dma_wait3A_254 = tpu.memref_slice %arg4[%dma_wait3A_252, %dma_wait3A_253] : memref<32x1000000xf32, #tpu.memory_space<hbm>> -> memref<32x128xf32, #tpu.memory_space<hbm>>
      %dma_wait3A_255 = arith.constant 0 : i32
      %dma_wait3A_256 = arith.constant 0 : i32
      %dma_wait3A_257 = tpu.memref_slice %arg4[%dma_wait3A_255, %dma_wait3A_256] : memref<32x1000000xf32, #tpu.memory_space<hbm>> -> memref<32x128xf32, #tpu.memory_space<hbm>>
      tpu.wait_dma2 semaphore(%arg22 : memref<!tpu.dma_semaphore, #tpu.memory_space<semaphore_mem>>) src(%dma_wait3A_257 : memref<32x128xf32, #tpu.memory_space<hbm>>) dst(%arg15 : memref<32x128xf32, #tpu.memory_space<vmem>>)
      %dma_wait3A_258 = arith.constant 0 : i32
      %dma_wait3A_259 = arith.constant 0 : i32
      %dma_wait3A_260 = tpu.memref_slice %arg5[%dma_wait3A_258, %dma_wait3A_259] : memref<32x1000000xf32, #tpu.memory_space<hbm>> -> memref<32x128xf32, #tpu.memory_space<hbm>>
      %dma_wait3A_261 = arith.constant 0 : i32
      %dma_wait3A_262 = arith.constant 0 : i32
      %dma_wait3A_263 = tpu.memref_slice %arg5[%dma_wait3A_261, %dma_wait3A_262] : memref<32x1000000xf32, #tpu.memory_space<hbm>> -> memref<32x128xf32, #tpu.memory_space<hbm>>
      tpu.wait_dma2 semaphore(%arg23 : memref<!tpu.dma_semaphore, #tpu.memory_space<semaphore_mem>>) src(%dma_wait3A_263 : memref<32x128xf32, #tpu.memory_space<hbm>>) dst(%arg19 : memref<32x128xf32, #tpu.memory_space<vmem>>)
      %get3A_264 = arith.index_cast %add3A_251 : i32 to index
      %get3A_265 = tpu.vector_load %arg9[%get3A_264] {strides = array<i32>} : memref<544xi32, #tpu.memory_space<vmem>>, vector<16xi32>,
      %slice3A_266 = vector.extract_strided_slice %get3A_265 {offsets = [0], sizes = [1], strides = [1]} : vector<16xi32> to vector<1xi32>
      %squeeze3A_267 = vector.extract %slice3A_266[0] : i32 from vector<1xi32>
      %and3A_268 = arith.constant 127 : i32
      %and3A_269 = arith.andi %squeeze3A_267, %and3A_268 : i32
      %broadcast_in_dim3A_270 = vector.broadcast %and3A_269 : i32 to vector<16xi32>
      %mul3A_271 = arith.constant 4 : i32
      %mul3A_272 = arith.muli %scan3A_196, %mul3A_271 : i32
      %add3A_273 = arith.constant 1 : i32
      %add3A_274 = arith.addi %mul3A_272, %add3A_273 : i32
      %broadcast_in_dim3A_275 = vector.broadcast %add3A_274 : i32 to vector<16xi32>
      %broadcast_in_dim3A_276 = vector.broadcast %add3A_251 : i32 to vector<16xi32>
      %gather3A_277 = tpu.vector_load_idx %arg15[%iota3A, %broadcast_in_dim3A_270] : memref<32x128xf32, #tpu.memory_space<vmem>>[vector<16xi32>, vector<16xi32>], vector<16xf32>,
      %gather3A_278 = tpu.vector_load_idx %arg15[%add3A_68, %broadcast_in_dim3A_270] : memref<32x128xf32, #tpu.memory_space<vmem>>[vector<16xi32>, vector<16xi32>], vector<16xf32>,
      %gather3A_279 = tpu.vector_load_idx %arg19[%iota3A, %broadcast_in_dim3A_270] : memref<32x128xf32, #tpu.memory_space<vmem>>[vector<16xi32>, vector<16xi32>], vector<16xf32>,
      %gather3A_280 = tpu.vector_load_idx %arg19[%add3A_68, %broadcast_in_dim3A_270] : memref<32x128xf32, #tpu.memory_space<vmem>>[vector<16xi32>, vector<16xi32>], vector<16xf32>,
      %gather3A_281 = tpu.vector_load_idx %arg10[%iota3A, %broadcast_in_dim3A_276] : memref<32x512xf32, #tpu.memory_space<vmem>>[vector<16xi32>, vector<16xi32>], vector<16xf32>,
      %gather3A_282 = tpu.vector_load_idx %arg10[%add3A_68, %broadcast_in_dim3A_276] : memref<32x512xf32, #tpu.memory_space<vmem>>[vector<16xi32>, vector<16xi32>], vector<16xf32>,
      %mul3A_283 = arith.constant 5.000000e-01 : f32
      %mul3A_284 = vector.broadcast %mul3A_283 : f32 to vector<16xf32>
      %mul3A_285 = arith.mulf %gather3A_279, %mul3A_284 : vector<16xf32>
      %exp3A_286 = math.exp %mul3A_285 : vector<16xf32>
      %mul3A_287 = arith.mulf %gather3A_281, %exp3A_286 : vector<16xf32>
      %add3A_288 = arith.addf %gather3A_277, %mul3A_287 : vector<16xf32>
      %mul3A_289 = arith.constant 5.000000e-01 : f32
      %mul3A_290 = vector.broadcast %mul3A_289 : f32 to vector<16xf32>
      %mul3A_291 = arith.mulf %gather3A_280, %mul3A_290 : vector<16xf32>
      %exp3A_292 = math.exp %mul3A_291 : vector<16xf32>
      %mul3A_293 = arith.mulf %gather3A_282, %exp3A_292 : vector<16xf32>
      %add3A_294 = arith.addf %gather3A_278, %mul3A_293 : vector<16xf32>
      tpu.vector_store_idx %arg11[%iota3A, %broadcast_in_dim3A_275], %gather3A_277 : memref<32x128xf32, #tpu.memory_space<vmem>>[vector<16xi32>, vector<16xi32>], vector<16xf32>,
      tpu.vector_store_idx %arg11[%add3A_68, %broadcast_in_dim3A_275], %gather3A_278 : memref<32x128xf32, #tpu.memory_space<vmem>>[vector<16xi32>, vector<16xi32>], vector<16xf32>,
      tpu.vector_store_idx %arg12[%iota3A, %broadcast_in_dim3A_275], %gather3A_279 : memref<32x128xf32, #tpu.memory_space<vmem>>[vector<16xi32>, vector<16xi32>], vector<16xf32>,
      tpu.vector_store_idx %arg12[%add3A_68, %broadcast_in_dim3A_275], %gather3A_280 : memref<32x128xf32, #tpu.memory_space<vmem>>[vector<16xi32>, vector<16xi32>], vector<16xf32>,
      tpu.vector_store_idx %arg13[%iota3A, %broadcast_in_dim3A_275], %add3A_288 : memref<32x128xf32, #tpu.memory_space<vmem>>[vector<16xi32>, vector<16xi32>], vector<16xf32>,
      tpu.vector_store_idx %arg13[%add3A_68, %broadcast_in_dim3A_275], %add3A_294 : memref<32x128xf32, #tpu.memory_space<vmem>>[vector<16xi32>, vector<16xi32>], vector<16xf32>,
      %add3A_295 = arith.constant 4 : i32
      %add3A_296 = arith.addi %add3A_251, %add3A_295 : i32
      %lt3A_297 = arith.constant 512 : i32
      %lt3A_298 = arith.cmpi slt, %add3A_296, %lt3A_297 : i32
      %convert_element_type3A_299 = arith.extui %lt3A_298 : i1 to i32
      %cond3A_300 = arith.constant 0 : i32
      %cond3A_301 = arith.cmpi ne, %convert_element_type3A_299, %cond3A_300 : i32
      scf.if %cond3A_301 {
        %add3A_414 = arith.constant 4 : i32
        %add3A_415 = arith.addi %add3A_251, %add3A_414 : i32
        %get3A_416 = arith.index_cast %add3A_415 : i32 to index
        %get3A_417 = tpu.vector_load %arg9[%get3A_416] {strides = array<i32>} : memref<544xi32, #tpu.memory_space<vmem>>, vector<16xi32>,
        %slice3A_418 = vector.extract_strided_slice %get3A_417 {offsets = [0], sizes = [1], strides = [1]} : vector<16xi32> to vector<1xi32>
        %squeeze3A_419 = vector.extract %slice3A_418[0] : i32 from vector<1xi32>
        %shift_right_logical3A_420 = arith.constant 7 : i32
        %shift_right_logical3A_421 = arith.shrui %squeeze3A_419, %shift_right_logical3A_420 : i32
        %mul3A_422 = arith.constant 128 : i32
        %mul3A_423 = arith.muli %shift_right_logical3A_421, %mul3A_422 : i32
        %multiple_of3A_424 = tpu.assume_multiple %mul3A_423, 128 : i32
        %dma_start3A_425 = arith.constant 0 : i32
        %dma_start3A_426 = tpu.memref_slice %arg4[%dma_start3A_425, %multiple_of3A_424] : memref<32x1000000xf32, #tpu.memory_space<hbm>> -> memref<32x128xf32, #tpu.memory_space<hbm>>
        %dma_start3A_427 = arith.constant 0 : i32
        %dma_start3A_428 = tpu.memref_slice %arg4[%dma_start3A_427, %multiple_of3A_424] : memref<32x1000000xf32, #tpu.memory_space<hbm>> -> memref<32x128xf32, #tpu.memory_space<hbm>>
        tpu.enqueue_dma source(%dma_start3A_428 : memref<32x128xf32, #tpu.memory_space<hbm>>) target(%arg15 : memref<32x128xf32, #tpu.memory_space<vmem>>) target_semaphore(%arg22 : memref<!tpu.dma_semaphore, #tpu.memory_space<semaphore_mem>>)
        %dma_start3A_429 = arith.constant 0 : i32
        %dma_start3A_430 = tpu.memref_slice %arg5[%dma_start3A_429, %multiple_of3A_424] : memref<32x1000000xf32, #tpu.memory_space<hbm>> -> memref<32x128xf32, #tpu.memory_space<hbm>>
        %dma_start3A_431 = arith.constant 0 : i32
        %dma_start3A_432 = tpu.memref_slice %arg5[%dma_start3A_431, %multiple_of3A_424] : memref<32x1000000xf32, #tpu.memory_space<hbm>> -> memref<32x128xf32, #tpu.memory_space<hbm>>
        tpu.enqueue_dma source(%dma_start3A_432 : memref<32x128xf32, #tpu.memory_space<hbm>>) target(%arg19 : memref<32x128xf32, #tpu.memory_space<vmem>>) target_semaphore(%arg23 : memref<!tpu.dma_semaphore, #tpu.memory_space<semaphore_mem>>)
      } else {
      }
      %mul3A_302 = arith.constant 4 : i32
      %mul3A_303 = arith.muli %scan3A_196, %mul3A_302 : i32
      %add3A_304 = arith.constant 256 : i32
      %add3A_305 = arith.addi %add3A_304, %mul3A_303 : i32
      %add3A_306 = arith.constant 2 : i32
      %add3A_307 = arith.addi %add3A_305, %add3A_306 : i32
      %dma_wait3A_308 = arith.constant 0 : i32
      %dma_wait3A_309 = arith.constant 0 : i32
      %dma_wait3A_310 = tpu.memref_slice %arg4[%dma_wait3A_308, %dma_wait3A_309] : memref<32x1000000xf32, #tpu.memory_space<hbm>> -> memref<32x128xf32, #tpu.memory_space<hbm>>
      %dma_wait3A_311 = arith.constant 0 : i32
      %dma_wait3A_312 = arith.constant 0 : i32
      %dma_wait3A_313 = tpu.memref_slice %arg4[%dma_wait3A_311, %dma_wait3A_312] : memref<32x1000000xf32, #tpu.memory_space<hbm>> -> memref<32x128xf32, #tpu.memory_space<hbm>>
      tpu.wait_dma2 semaphore(%arg22 : memref<!tpu.dma_semaphore, #tpu.memory_space<semaphore_mem>>) src(%dma_wait3A_313 : memref<32x128xf32, #tpu.memory_space<hbm>>) dst(%arg16 : memref<32x128xf32, #tpu.memory_space<vmem>>)
      %dma_wait3A_314 = arith.constant 0 : i32
      %dma_wait3A_315 = arith.constant 0 : i32
      %dma_wait3A_316 = tpu.memref_slice %arg5[%dma_wait3A_314, %dma_wait3A_315] : memref<32x1000000xf32, #tpu.memory_space<hbm>> -> memref<32x128xf32, #tpu.memory_space<hbm>>
      %dma_wait3A_317 = arith.constant 0 : i32
      %dma_wait3A_318 = arith.constant 0 : i32
      %dma_wait3A_319 = tpu.memref_slice %arg5[%dma_wait3A_317, %dma_wait3A_318] : memref<32x1000000xf32, #tpu.memory_space<hbm>> -> memref<32x128xf32, #tpu.memory_space<hbm>>
      tpu.wait_dma2 semaphore(%arg23 : memref<!tpu.dma_semaphore, #tpu.memory_space<semaphore_mem>>) src(%dma_wait3A_319 : memref<32x128xf32, #tpu.memory_space<hbm>>) dst(%arg20 : memref<32x128xf32, #tpu.memory_space<vmem>>)
      %get3A_320 = arith.index_cast %add3A_307 : i32 to index
      %get3A_321 = tpu.vector_load %arg9[%get3A_320] {strides = array<i32>} : memref<544xi32, #tpu.memory_space<vmem>>, vector<16xi32>,
      %slice3A_322 = vector.extract_strided_slice %get3A_321 {offsets = [0], sizes = [1], strides = [1]} : vector<16xi32> to vector<1xi32>
      %squeeze3A_323 = vector.extract %slice3A_322[0] : i32 from vector<1xi32>
      %and3A_324 = arith.constant 127 : i32
      %and3A_325 = arith.andi %squeeze3A_323, %and3A_324 : i32
      %broadcast_in_dim3A_326 = vector.broadcast %and3A_325 : i32 to vector<16xi32>
      %mul3A_327 = arith.constant 4 : i32
      %mul3A_328 = arith.muli %scan3A_196, %mul3A_327 : i32
      %add3A_329 = arith.constant 2 : i32
      %add3A_330 = arith.addi %mul3A_328, %add3A_329 : i32
      %broadcast_in_dim3A_331 = vector.broadcast %add3A_330 : i32 to vector<16xi32>
      %broadcast_in_dim3A_332 = vector.broadcast %add3A_307 : i32 to vector<16xi32>
      %gather3A_333 = tpu.vector_load_idx %arg16[%iota3A, %broadcast_in_dim3A_326] : memref<32x128xf32, #tpu.memory_space<vmem>>[vector<16xi32>, vector<16xi32>], vector<16xf32>,
      %gather3A_334 = tpu.vector_load_idx %arg16[%add3A_68, %broadcast_in_dim3A_326] : memref<32x128xf32, #tpu.memory_space<vmem>>[vector<16xi32>, vector<16xi32>], vector<16xf32>,
      %gather3A_335 = tpu.vector_load_idx %arg20[%iota3A, %broadcast_in_dim3A_326] : memref<32x128xf32, #tpu.memory_space<vmem>>[vector<16xi32>, vector<16xi32>], vector<16xf32>,
      %gather3A_336 = tpu.vector_load_idx %arg20[%add3A_68, %broadcast_in_dim3A_326] : memref<32x128xf32, #tpu.memory_space<vmem>>[vector<16xi32>, vector<16xi32>], vector<16xf32>,
      %gather3A_337 = tpu.vector_load_idx %arg10[%iota3A, %broadcast_in_dim3A_332] : memref<32x512xf32, #tpu.memory_space<vmem>>[vector<16xi32>, vector<16xi32>], vector<16xf32>,
      %gather3A_338 = tpu.vector_load_idx %arg10[%add3A_68, %broadcast_in_dim3A_332] : memref<32x512xf32, #tpu.memory_space<vmem>>[vector<16xi32>, vector<16xi32>], vector<16xf32>,
      %mul3A_339 = arith.constant 5.000000e-01 : f32
      %mul3A_340 = vector.broadcast %mul3A_339 : f32 to vector<16xf32>
      %mul3A_341 = arith.mulf %gather3A_335, %mul3A_340 : vector<16xf32>
      %exp3A_342 = math.exp %mul3A_341 : vector<16xf32>
      %mul3A_343 = arith.mulf %gather3A_337, %exp3A_342 : vector<16xf32>
      %add3A_344 = arith.addf %gather3A_333, %mul3A_343 : vector<16xf32>
      %mul3A_345 = arith.constant 5.000000e-01 : f32
      %mul3A_346 = vector.broadcast %mul3A_345 : f32 to vector<16xf32>
      %mul3A_347 = arith.mulf %gather3A_336, %mul3A_346 : vector<16xf32>
      %exp3A_348 = math.exp %mul3A_347 : vector<16xf32>
      %mul3A_349 = arith.mulf %gather3A_338, %exp3A_348 : vector<16xf32>
      %add3A_350 = arith.addf %gather3A_334, %mul3A_349 : vector<16xf32>
      tpu.vector_store_idx %arg11[%iota3A, %broadcast_in_dim3A_331], %gather3A_333 : memref<32x128xf32, #tpu.memory_space<vmem>>[vector<16xi32>, vector<16xi32>], vector<16xf32>,
      tpu.vector_store_idx %arg11[%add3A_68, %broadcast_in_dim3A_331], %gather3A_334 : memref<32x128xf32, #tpu.memory_space<vmem>>[vector<16xi32>, vector<16xi32>], vector<16xf32>,
      tpu.vector_store_idx %arg12[%iota3A, %broadcast_in_dim3A_331], %gather3A_335 : memref<32x128xf32, #tpu.memory_space<vmem>>[vector<16xi32>, vector<16xi32>], vector<16xf32>,
      tpu.vector_store_idx %arg12[%add3A_68, %broadcast_in_dim3A_331], %gather3A_336 : memref<32x128xf32, #tpu.memory_space<vmem>>[vector<16xi32>, vector<16xi32>], vector<16xf32>,
      tpu.vector_store_idx %arg13[%iota3A, %broadcast_in_dim3A_331], %add3A_344 : memref<32x128xf32, #tpu.memory_space<vmem>>[vector<16xi32>, vector<16xi32>], vector<16xf32>,
      tpu.vector_store_idx %arg13[%add3A_68, %broadcast_in_dim3A_331], %add3A_350 : memref<32x128xf32, #tpu.memory_space<vmem>>[vector<16xi32>, vector<16xi32>], vector<16xf32>,
      %add3A_351 = arith.constant 4 : i32
      %add3A_352 = arith.addi %add3A_307, %add3A_351 : i32
      %lt3A_353 = arith.constant 512 : i32
      %lt3A_354 = arith.cmpi slt, %add3A_352, %lt3A_353 : i32
      %convert_element_type3A_355 = arith.extui %lt3A_354 : i1 to i32
      %cond3A_356 = arith.constant 0 : i32
      %cond3A_357 = arith.cmpi ne, %convert_element_type3A_355, %cond3A_356 : i32
      scf.if %cond3A_357 {
        %add3A_414 = arith.constant 4 : i32
        %add3A_415 = arith.addi %add3A_307, %add3A_414 : i32
        %get3A_416 = arith.index_cast %add3A_415 : i32 to index
        %get3A_417 = tpu.vector_load %arg9[%get3A_416] {strides = array<i32>} : memref<544xi32, #tpu.memory_space<vmem>>, vector<16xi32>,
        %slice3A_418 = vector.extract_strided_slice %get3A_417 {offsets = [0], sizes = [1], strides = [1]} : vector<16xi32> to vector<1xi32>
        %squeeze3A_419 = vector.extract %slice3A_418[0] : i32 from vector<1xi32>
        %shift_right_logical3A_420 = arith.constant 7 : i32
        %shift_right_logical3A_421 = arith.shrui %squeeze3A_419, %shift_right_logical3A_420 : i32
        %mul3A_422 = arith.constant 128 : i32
        %mul3A_423 = arith.muli %shift_right_logical3A_421, %mul3A_422 : i32
        %multiple_of3A_424 = tpu.assume_multiple %mul3A_423, 128 : i32
        %dma_start3A_425 = arith.constant 0 : i32
        %dma_start3A_426 = tpu.memref_slice %arg4[%dma_start3A_425, %multiple_of3A_424] : memref<32x1000000xf32, #tpu.memory_space<hbm>> -> memref<32x128xf32, #tpu.memory_space<hbm>>
        %dma_start3A_427 = arith.constant 0 : i32
        %dma_start3A_428 = tpu.memref_slice %arg4[%dma_start3A_427, %multiple_of3A_424] : memref<32x1000000xf32, #tpu.memory_space<hbm>> -> memref<32x128xf32, #tpu.memory_space<hbm>>
        tpu.enqueue_dma source(%dma_start3A_428 : memref<32x128xf32, #tpu.memory_space<hbm>>) target(%arg16 : memref<32x128xf32, #tpu.memory_space<vmem>>) target_semaphore(%arg22 : memref<!tpu.dma_semaphore, #tpu.memory_space<semaphore_mem>>)
        %dma_start3A_429 = arith.constant 0 : i32
        %dma_start3A_430 = tpu.memref_slice %arg5[%dma_start3A_429, %multiple_of3A_424] : memref<32x1000000xf32, #tpu.memory_space<hbm>> -> memref<32x128xf32, #tpu.memory_space<hbm>>
        %dma_start3A_431 = arith.constant 0 : i32
        %dma_start3A_432 = tpu.memref_slice %arg5[%dma_start3A_431, %multiple_of3A_424] : memref<32x1000000xf32, #tpu.memory_space<hbm>> -> memref<32x128xf32, #tpu.memory_space<hbm>>
        tpu.enqueue_dma source(%dma_start3A_432 : memref<32x128xf32, #tpu.memory_space<hbm>>) target(%arg20 : memref<32x128xf32, #tpu.memory_space<vmem>>) target_semaphore(%arg23 : memref<!tpu.dma_semaphore, #tpu.memory_space<semaphore_mem>>)
      } else {
      }
      %mul3A_358 = arith.constant 4 : i32
      %mul3A_359 = arith.muli %scan3A_196, %mul3A_358 : i32
      %add3A_360 = arith.constant 256 : i32
      %add3A_361 = arith.addi %add3A_360, %mul3A_359 : i32
      %add3A_362 = arith.constant 3 : i32
      %add3A_363 = arith.addi %add3A_361, %add3A_362 : i32
      %dma_wait3A_364 = arith.constant 0 : i32
      %dma_wait3A_365 = arith.constant 0 : i32
      %dma_wait3A_366 = tpu.memref_slice %arg4[%dma_wait3A_364, %dma_wait3A_365] : memref<32x1000000xf32, #tpu.memory_space<hbm>> -> memref<32x128xf32, #tpu.memory_space<hbm>>
      %dma_wait3A_367 = arith.constant 0 : i32
      %dma_wait3A_368 = arith.constant 0 : i32
      %dma_wait3A_369 = tpu.memref_slice %arg4[%dma_wait3A_367, %dma_wait3A_368] : memref<32x1000000xf32, #tpu.memory_space<hbm>> -> memref<32x128xf32, #tpu.memory_space<hbm>>
      tpu.wait_dma2 semaphore(%arg22 : memref<!tpu.dma_semaphore, #tpu.memory_space<semaphore_mem>>) src(%dma_wait3A_369 : memref<32x128xf32, #tpu.memory_space<hbm>>) dst(%arg17 : memref<32x128xf32, #tpu.memory_space<vmem>>)
      %dma_wait3A_370 = arith.constant 0 : i32
      %dma_wait3A_371 = arith.constant 0 : i32
      %dma_wait3A_372 = tpu.memref_slice %arg5[%dma_wait3A_370, %dma_wait3A_371] : memref<32x1000000xf32, #tpu.memory_space<hbm>> -> memref<32x128xf32, #tpu.memory_space<hbm>>
      %dma_wait3A_373 = arith.constant 0 : i32
      %dma_wait3A_374 = arith.constant 0 : i32
      %dma_wait3A_375 = tpu.memref_slice %arg5[%dma_wait3A_373, %dma_wait3A_374] : memref<32x1000000xf32, #tpu.memory_space<hbm>> -> memref<32x128xf32, #tpu.memory_space<hbm>>
      tpu.wait_dma2 semaphore(%arg23 : memref<!tpu.dma_semaphore, #tpu.memory_space<semaphore_mem>>) src(%dma_wait3A_375 : memref<32x128xf32, #tpu.memory_space<hbm>>) dst(%arg21 : memref<32x128xf32, #tpu.memory_space<vmem>>)
      %get3A_376 = arith.index_cast %add3A_363 : i32 to index
      %get3A_377 = tpu.vector_load %arg9[%get3A_376] {strides = array<i32>} : memref<544xi32, #tpu.memory_space<vmem>>, vector<16xi32>,
      %slice3A_378 = vector.extract_strided_slice %get3A_377 {offsets = [0], sizes = [1], strides = [1]} : vector<16xi32> to vector<1xi32>
      %squeeze3A_379 = vector.extract %slice3A_378[0] : i32 from vector<1xi32>
      %and3A_380 = arith.constant 127 : i32
      %and3A_381 = arith.andi %squeeze3A_379, %and3A_380 : i32
      %broadcast_in_dim3A_382 = vector.broadcast %and3A_381 : i32 to vector<16xi32>
      %mul3A_383 = arith.constant 4 : i32
      %mul3A_384 = arith.muli %scan3A_196, %mul3A_383 : i32
      %add3A_385 = arith.constant 3 : i32
      %add3A_386 = arith.addi %mul3A_384, %add3A_385 : i32
      %broadcast_in_dim3A_387 = vector.broadcast %add3A_386 : i32 to vector<16xi32>
      %broadcast_in_dim3A_388 = vector.broadcast %add3A_363 : i32 to vector<16xi32>
      %gather3A_389 = tpu.vector_load_idx %arg17[%iota3A, %broadcast_in_dim3A_382] : memref<32x128xf32, #tpu.memory_space<vmem>>[vector<16xi32>, vector<16xi32>], vector<16xf32>,
      %gather3A_390 = tpu.vector_load_idx %arg17[%add3A_68, %broadcast_in_dim3A_382] : memref<32x128xf32, #tpu.memory_space<vmem>>[vector<16xi32>, vector<16xi32>], vector<16xf32>,
      %gather3A_391 = tpu.vector_load_idx %arg21[%iota3A, %broadcast_in_dim3A_382] : memref<32x128xf32, #tpu.memory_space<vmem>>[vector<16xi32>, vector<16xi32>], vector<16xf32>,
      %gather3A_392 = tpu.vector_load_idx %arg21[%add3A_68, %broadcast_in_dim3A_382] : memref<32x128xf32, #tpu.memory_space<vmem>>[vector<16xi32>, vector<16xi32>], vector<16xf32>,
      %gather3A_393 = tpu.vector_load_idx %arg10[%iota3A, %broadcast_in_dim3A_388] : memref<32x512xf32, #tpu.memory_space<vmem>>[vector<16xi32>, vector<16xi32>], vector<16xf32>,
      %gather3A_394 = tpu.vector_load_idx %arg10[%add3A_68, %broadcast_in_dim3A_388] : memref<32x512xf32, #tpu.memory_space<vmem>>[vector<16xi32>, vector<16xi32>], vector<16xf32>,
      %mul3A_395 = arith.constant 5.000000e-01 : f32
      %mul3A_396 = vector.broadcast %mul3A_395 : f32 to vector<16xf32>
      %mul3A_397 = arith.mulf %gather3A_391, %mul3A_396 : vector<16xf32>
      %exp3A_398 = math.exp %mul3A_397 : vector<16xf32>
      %mul3A_399 = arith.mulf %gather3A_393, %exp3A_398 : vector<16xf32>
      %add3A_400 = arith.addf %gather3A_389, %mul3A_399 : vector<16xf32>
      %mul3A_401 = arith.constant 5.000000e-01 : f32
      %mul3A_402 = vector.broadcast %mul3A_401 : f32 to vector<16xf32>
      %mul3A_403 = arith.mulf %gather3A_392, %mul3A_402 : vector<16xf32>
      %exp3A_404 = math.exp %mul3A_403 : vector<16xf32>
      %mul3A_405 = arith.mulf %gather3A_394, %exp3A_404 : vector<16xf32>
      %add3A_406 = arith.addf %gather3A_390, %mul3A_405 : vector<16xf32>
      tpu.vector_store_idx %arg11[%iota3A, %broadcast_in_dim3A_387], %gather3A_389 : memref<32x128xf32, #tpu.memory_space<vmem>>[vector<16xi32>, vector<16xi32>], vector<16xf32>,
      tpu.vector_store_idx %arg11[%add3A_68, %broadcast_in_dim3A_387], %gather3A_390 : memref<32x128xf32, #tpu.memory_space<vmem>>[vector<16xi32>, vector<16xi32>], vector<16xf32>,
      tpu.vector_store_idx %arg12[%iota3A, %broadcast_in_dim3A_387], %gather3A_391 : memref<32x128xf32, #tpu.memory_space<vmem>>[vector<16xi32>, vector<16xi32>], vector<16xf32>,
      tpu.vector_store_idx %arg12[%add3A_68, %broadcast_in_dim3A_387], %gather3A_392 : memref<32x128xf32, #tpu.memory_space<vmem>>[vector<16xi32>, vector<16xi32>], vector<16xf32>,
      tpu.vector_store_idx %arg13[%iota3A, %broadcast_in_dim3A_387], %add3A_400 : memref<32x128xf32, #tpu.memory_space<vmem>>[vector<16xi32>, vector<16xi32>], vector<16xf32>,
      tpu.vector_store_idx %arg13[%add3A_68, %broadcast_in_dim3A_387], %add3A_406 : memref<32x128xf32, #tpu.memory_space<vmem>>[vector<16xi32>, vector<16xi32>], vector<16xf32>,
      %add3A_407 = arith.constant 4 : i32
      %add3A_408 = arith.addi %add3A_363, %add3A_407 : i32
      %lt3A_409 = arith.constant 512 : i32
      %lt3A_410 = arith.cmpi slt, %add3A_408, %lt3A_409 : i32
      %convert_element_type3A_411 = arith.extui %lt3A_410 : i1 to i32
      %cond3A_412 = arith.constant 0 : i32
      %cond3A_413 = arith.cmpi ne, %convert_element_type3A_411, %cond3A_412 : i32
      scf.if %cond3A_413 {
        %add3A_414 = arith.constant 4 : i32
        %add3A_415 = arith.addi %add3A_363, %add3A_414 : i32
        %get3A_416 = arith.index_cast %add3A_415 : i32 to index
        %get3A_417 = tpu.vector_load %arg9[%get3A_416] {strides = array<i32>} : memref<544xi32, #tpu.memory_space<vmem>>, vector<16xi32>,
        %slice3A_418 = vector.extract_strided_slice %get3A_417 {offsets = [0], sizes = [1], strides = [1]} : vector<16xi32> to vector<1xi32>
        %squeeze3A_419 = vector.extract %slice3A_418[0] : i32 from vector<1xi32>
        %shift_right_logical3A_420 = arith.constant 7 : i32
        %shift_right_logical3A_421 = arith.shrui %squeeze3A_419, %shift_right_logical3A_420 : i32
        %mul3A_422 = arith.constant 128 : i32
        %mul3A_423 = arith.muli %shift_right_logical3A_421, %mul3A_422 : i32
        %multiple_of3A_424 = tpu.assume_multiple %mul3A_423, 128 : i32
        %dma_start3A_425 = arith.constant 0 : i32
        %dma_start3A_426 = tpu.memref_slice %arg4[%dma_start3A_425, %multiple_of3A_424] : memref<32x1000000xf32, #tpu.memory_space<hbm>> -> memref<32x128xf32, #tpu.memory_space<hbm>>
        %dma_start3A_427 = arith.constant 0 : i32
        %dma_start3A_428 = tpu.memref_slice %arg4[%dma_start3A_427, %multiple_of3A_424] : memref<32x1000000xf32, #tpu.memory_space<hbm>> -> memref<32x128xf32, #tpu.memory_space<hbm>>
        tpu.enqueue_dma source(%dma_start3A_428 : memref<32x128xf32, #tpu.memory_space<hbm>>) target(%arg17 : memref<32x128xf32, #tpu.memory_space<vmem>>) target_semaphore(%arg22 : memref<!tpu.dma_semaphore, #tpu.memory_space<semaphore_mem>>)
        %dma_start3A_429 = arith.constant 0 : i32
        %dma_start3A_430 = tpu.memref_slice %arg5[%dma_start3A_429, %multiple_of3A_424] : memref<32x1000000xf32, #tpu.memory_space<hbm>> -> memref<32x128xf32, #tpu.memory_space<hbm>>
        %dma_start3A_431 = arith.constant 0 : i32
        %dma_start3A_432 = tpu.memref_slice %arg5[%dma_start3A_431, %multiple_of3A_424] : memref<32x1000000xf32, #tpu.memory_space<hbm>> -> memref<32x128xf32, #tpu.memory_space<hbm>>
        tpu.enqueue_dma source(%dma_start3A_432 : memref<32x128xf32, #tpu.memory_space<hbm>>) target(%arg21 : memref<32x128xf32, #tpu.memory_space<vmem>>) target_semaphore(%arg23 : memref<!tpu.dma_semaphore, #tpu.memory_space<semaphore_mem>>)
      } else {
      }
    }
    %scan3A_137 = arith.constant 32 : i32
    %add3A_138 = arith.constant 256 : i32
    %add3A_139 = arith.addi %mul3A_2, %add3A_138 : i32
    %dma_start3A_140 = arith.constant 0 : i32
    %dma_start3A_141 = tpu.memref_slice %arg7[%dma_start3A_140, %add3A_139] : memref<32x16384xf32, #tpu.memory_space<hbm>> -> memref<32x128xf32, #tpu.memory_space<hbm>>
    %dma_start3A_142 = arith.constant 0 : i32
    %dma_start3A_143 = tpu.memref_slice %arg7[%dma_start3A_142, %add3A_139] : memref<32x16384xf32, #tpu.memory_space<hbm>> -> memref<32x128xf32, #tpu.memory_space<hbm>>
    tpu.enqueue_dma source(%arg11 : memref<32x128xf32, #tpu.memory_space<vmem>>) target(%dma_start3A_143 : memref<32x128xf32, #tpu.memory_space<hbm>>) target_semaphore(%arg25 : memref<!tpu.dma_semaphore, #tpu.memory_space<semaphore_mem>>)
    %dma_start3A_144 = arith.constant 0 : i32
    %dma_start3A_145 = tpu.memref_slice %arg8[%dma_start3A_144, %add3A_139] : memref<32x16384xf32, #tpu.memory_space<hbm>> -> memref<32x128xf32, #tpu.memory_space<hbm>>
    %dma_start3A_146 = arith.constant 0 : i32
    %dma_start3A_147 = tpu.memref_slice %arg8[%dma_start3A_146, %add3A_139] : memref<32x16384xf32, #tpu.memory_space<hbm>> -> memref<32x128xf32, #tpu.memory_space<hbm>>
    tpu.enqueue_dma source(%arg12 : memref<32x128xf32, #tpu.memory_space<vmem>>) target(%dma_start3A_147 : memref<32x128xf32, #tpu.memory_space<hbm>>) target_semaphore(%arg25 : memref<!tpu.dma_semaphore, #tpu.memory_space<semaphore_mem>>)
    %dma_start3A_148 = arith.constant 0 : i32
    %dma_start3A_149 = tpu.memref_slice %arg6[%dma_start3A_148, %add3A_139] : memref<32x16384xf32, #tpu.memory_space<hbm>> -> memref<32x128xf32, #tpu.memory_space<hbm>>
    %dma_start3A_150 = arith.constant 0 : i32
    %dma_start3A_151 = tpu.memref_slice %arg6[%dma_start3A_150, %add3A_139] : memref<32x16384xf32, #tpu.memory_space<hbm>> -> memref<32x128xf32, #tpu.memory_space<hbm>>
    tpu.enqueue_dma source(%arg13 : memref<32x128xf32, #tpu.memory_space<vmem>>) target(%dma_start3A_151 : memref<32x128xf32, #tpu.memory_space<hbm>>) target_semaphore(%arg25 : memref<!tpu.dma_semaphore, #tpu.memory_space<semaphore_mem>>)
    %dma_wait3A_152 = arith.constant 0 : i32
    %dma_wait3A_153 = tpu.memref_slice %arg7[%dma_wait3A_152, %add3A_139] : memref<32x16384xf32, #tpu.memory_space<hbm>> -> memref<32x128xf32, #tpu.memory_space<hbm>>
    %dma_wait3A_154 = arith.constant 0 : i32
    %dma_wait3A_155 = tpu.memref_slice %arg7[%dma_wait3A_154, %add3A_139] : memref<32x16384xf32, #tpu.memory_space<hbm>> -> memref<32x128xf32, #tpu.memory_space<hbm>>
    tpu.wait_dma2 semaphore(%arg25 : memref<!tpu.dma_semaphore, #tpu.memory_space<semaphore_mem>>) src(%arg11 : memref<32x128xf32, #tpu.memory_space<vmem>>) dst(%dma_wait3A_155 : memref<32x128xf32, #tpu.memory_space<hbm>>)
    %dma_wait3A_156 = arith.constant 0 : i32
    %dma_wait3A_157 = tpu.memref_slice %arg8[%dma_wait3A_156, %add3A_139] : memref<32x16384xf32, #tpu.memory_space<hbm>> -> memref<32x128xf32, #tpu.memory_space<hbm>>
    %dma_wait3A_158 = arith.constant 0 : i32
    %dma_wait3A_159 = tpu.memref_slice %arg8[%dma_wait3A_158, %add3A_139] : memref<32x16384xf32, #tpu.memory_space<hbm>> -> memref<32x128xf32, #tpu.memory_space<hbm>>
    tpu.wait_dma2 semaphore(%arg25 : memref<!tpu.dma_semaphore, #tpu.memory_space<semaphore_mem>>) src(%arg12 : memref<32x128xf32, #tpu.memory_space<vmem>>) dst(%dma_wait3A_159 : memref<32x128xf32, #tpu.memory_space<hbm>>)
    %dma_wait3A_160 = arith.constant 0 : i32
    %dma_wait3A_161 = tpu.memref_slice %arg6[%dma_wait3A_160, %add3A_139] : memref<32x16384xf32, #tpu.memory_space<hbm>> -> memref<32x128xf32, #tpu.memory_space<hbm>>
    %dma_wait3A_162 = arith.constant 0 : i32
    %dma_wait3A_163 = tpu.memref_slice %arg6[%dma_wait3A_162, %add3A_139] : memref<32x16384xf32, #tpu.memory_space<hbm>> -> memref<32x128xf32, #tpu.memory_space<hbm>>
    tpu.wait_dma2 semaphore(%arg25 : memref<!tpu.dma_semaphore, #tpu.memory_space<semaphore_mem>>) src(%arg13 : memref<32x128xf32, #tpu.memory_space<vmem>>) dst(%dma_wait3A_163 : memref<32x128xf32, #tpu.memory_space<hbm>>)
    %scan3A_164 = arith.constant 0 : i32
    %scan3A_165 = arith.constant 0 : i32
    %scan3A_166 = arith.constant 32 : i32
    %scan3A_167 = arith.addi %scan3A_165, %scan3A_166 : i32
    %scan3A_168 = arith.constant 1 : i32
    scf.for %scan3A_196 = %scan3A_165 to %scan3A_167 step %scan3A_168  : i32 {
      %mul3A_197 = arith.constant 4 : i32
      %mul3A_198 = arith.muli %scan3A_196, %mul3A_197 : i32
      %add3A_199 = arith.constant 384 : i32
      %add3A_200 = arith.addi %add3A_199, %mul3A_198 : i32
      %add3A_201 = arith.constant 0 : i32
      %add3A_202 = arith.addi %add3A_200, %add3A_201 : i32
      %dma_wait3A_203 = arith.constant 0 : i32
      %dma_wait3A_204 = arith.constant 0 : i32
      %dma_wait3A_205 = tpu.memref_slice %arg4[%dma_wait3A_203, %dma_wait3A_204] : memref<32x1000000xf32, #tpu.memory_space<hbm>> -> memref<32x128xf32, #tpu.memory_space<hbm>>
      %dma_wait3A_206 = arith.constant 0 : i32
      %dma_wait3A_207 = arith.constant 0 : i32
      %dma_wait3A_208 = tpu.memref_slice %arg4[%dma_wait3A_206, %dma_wait3A_207] : memref<32x1000000xf32, #tpu.memory_space<hbm>> -> memref<32x128xf32, #tpu.memory_space<hbm>>
      tpu.wait_dma2 semaphore(%arg22 : memref<!tpu.dma_semaphore, #tpu.memory_space<semaphore_mem>>) src(%dma_wait3A_208 : memref<32x128xf32, #tpu.memory_space<hbm>>) dst(%arg14 : memref<32x128xf32, #tpu.memory_space<vmem>>)
      %dma_wait3A_209 = arith.constant 0 : i32
      %dma_wait3A_210 = arith.constant 0 : i32
      %dma_wait3A_211 = tpu.memref_slice %arg5[%dma_wait3A_209, %dma_wait3A_210] : memref<32x1000000xf32, #tpu.memory_space<hbm>> -> memref<32x128xf32, #tpu.memory_space<hbm>>
      %dma_wait3A_212 = arith.constant 0 : i32
      %dma_wait3A_213 = arith.constant 0 : i32
      %dma_wait3A_214 = tpu.memref_slice %arg5[%dma_wait3A_212, %dma_wait3A_213] : memref<32x1000000xf32, #tpu.memory_space<hbm>> -> memref<32x128xf32, #tpu.memory_space<hbm>>
      tpu.wait_dma2 semaphore(%arg23 : memref<!tpu.dma_semaphore, #tpu.memory_space<semaphore_mem>>) src(%dma_wait3A_214 : memref<32x128xf32, #tpu.memory_space<hbm>>) dst(%arg18 : memref<32x128xf32, #tpu.memory_space<vmem>>)
      %get3A_215 = arith.index_cast %add3A_202 : i32 to index
      %get3A_216 = tpu.vector_load %arg9[%get3A_215] {strides = array<i32>} : memref<544xi32, #tpu.memory_space<vmem>>, vector<16xi32>,
      %slice3A_217 = vector.extract_strided_slice %get3A_216 {offsets = [0], sizes = [1], strides = [1]} : vector<16xi32> to vector<1xi32>
      %squeeze3A_218 = vector.extract %slice3A_217[0] : i32 from vector<1xi32>
      %and3A = arith.constant 127 : i32
      %and3A_219 = arith.andi %squeeze3A_218, %and3A : i32
      %broadcast_in_dim3A = vector.broadcast %and3A_219 : i32 to vector<16xi32>
      %mul3A_220 = arith.constant 4 : i32
      %mul3A_221 = arith.muli %scan3A_196, %mul3A_220 : i32
      %add3A_222 = arith.constant 0 : i32
      %add3A_223 = arith.addi %mul3A_221, %add3A_222 : i32
      %broadcast_in_dim3A_224 = vector.broadcast %add3A_223 : i32 to vector<16xi32>
      %broadcast_in_dim3A_225 = vector.broadcast %add3A_202 : i32 to vector<16xi32>
      %gather3A = tpu.vector_load_idx %arg14[%iota3A, %broadcast_in_dim3A] : memref<32x128xf32, #tpu.memory_space<vmem>>[vector<16xi32>, vector<16xi32>], vector<16xf32>,
      %gather3A_226 = tpu.vector_load_idx %arg14[%add3A_68, %broadcast_in_dim3A] : memref<32x128xf32, #tpu.memory_space<vmem>>[vector<16xi32>, vector<16xi32>], vector<16xf32>,
      %gather3A_227 = tpu.vector_load_idx %arg18[%iota3A, %broadcast_in_dim3A] : memref<32x128xf32, #tpu.memory_space<vmem>>[vector<16xi32>, vector<16xi32>], vector<16xf32>,
      %gather3A_228 = tpu.vector_load_idx %arg18[%add3A_68, %broadcast_in_dim3A] : memref<32x128xf32, #tpu.memory_space<vmem>>[vector<16xi32>, vector<16xi32>], vector<16xf32>,
      %gather3A_229 = tpu.vector_load_idx %arg10[%iota3A, %broadcast_in_dim3A_225] : memref<32x512xf32, #tpu.memory_space<vmem>>[vector<16xi32>, vector<16xi32>], vector<16xf32>,
      %gather3A_230 = tpu.vector_load_idx %arg10[%add3A_68, %broadcast_in_dim3A_225] : memref<32x512xf32, #tpu.memory_space<vmem>>[vector<16xi32>, vector<16xi32>], vector<16xf32>,
      %mul3A_231 = arith.constant 5.000000e-01 : f32
      %mul3A_232 = vector.broadcast %mul3A_231 : f32 to vector<16xf32>
      %mul3A_233 = arith.mulf %gather3A_227, %mul3A_232 : vector<16xf32>
      %exp3A = math.exp %mul3A_233 : vector<16xf32>
      %mul3A_234 = arith.mulf %gather3A_229, %exp3A : vector<16xf32>
      %add3A_235 = arith.addf %gather3A, %mul3A_234 : vector<16xf32>
      %mul3A_236 = arith.constant 5.000000e-01 : f32
      %mul3A_237 = vector.broadcast %mul3A_236 : f32 to vector<16xf32>
      %mul3A_238 = arith.mulf %gather3A_228, %mul3A_237 : vector<16xf32>
      %exp3A_239 = math.exp %mul3A_238 : vector<16xf32>
      %mul3A_240 = arith.mulf %gather3A_230, %exp3A_239 : vector<16xf32>
      %add3A_241 = arith.addf %gather3A_226, %mul3A_240 : vector<16xf32>
      tpu.vector_store_idx %arg11[%iota3A, %broadcast_in_dim3A_224], %gather3A : memref<32x128xf32, #tpu.memory_space<vmem>>[vector<16xi32>, vector<16xi32>], vector<16xf32>,
      tpu.vector_store_idx %arg11[%add3A_68, %broadcast_in_dim3A_224], %gather3A_226 : memref<32x128xf32, #tpu.memory_space<vmem>>[vector<16xi32>, vector<16xi32>], vector<16xf32>,
      tpu.vector_store_idx %arg12[%iota3A, %broadcast_in_dim3A_224], %gather3A_227 : memref<32x128xf32, #tpu.memory_space<vmem>>[vector<16xi32>, vector<16xi32>], vector<16xf32>,
      tpu.vector_store_idx %arg12[%add3A_68, %broadcast_in_dim3A_224], %gather3A_228 : memref<32x128xf32, #tpu.memory_space<vmem>>[vector<16xi32>, vector<16xi32>], vector<16xf32>,
      tpu.vector_store_idx %arg13[%iota3A, %broadcast_in_dim3A_224], %add3A_235 : memref<32x128xf32, #tpu.memory_space<vmem>>[vector<16xi32>, vector<16xi32>], vector<16xf32>,
      tpu.vector_store_idx %arg13[%add3A_68, %broadcast_in_dim3A_224], %add3A_241 : memref<32x128xf32, #tpu.memory_space<vmem>>[vector<16xi32>, vector<16xi32>], vector<16xf32>,
      %add3A_242 = arith.constant 4 : i32
      %add3A_243 = arith.addi %add3A_202, %add3A_242 : i32
      %lt3A = arith.constant 512 : i32
      %lt3A_244 = arith.cmpi slt, %add3A_243, %lt3A : i32
      %convert_element_type3A = arith.extui %lt3A_244 : i1 to i32
      %cond3A = arith.constant 0 : i32
      %cond3A_245 = arith.cmpi ne, %convert_element_type3A, %cond3A : i32
      scf.if %cond3A_245 {
        %add3A_414 = arith.constant 4 : i32
        %add3A_415 = arith.addi %add3A_202, %add3A_414 : i32
        %get3A_416 = arith.index_cast %add3A_415 : i32 to index
        %get3A_417 = tpu.vector_load %arg9[%get3A_416] {strides = array<i32>} : memref<544xi32, #tpu.memory_space<vmem>>, vector<16xi32>,
        %slice3A_418 = vector.extract_strided_slice %get3A_417 {offsets = [0], sizes = [1], strides = [1]} : vector<16xi32> to vector<1xi32>
        %squeeze3A_419 = vector.extract %slice3A_418[0] : i32 from vector<1xi32>
        %shift_right_logical3A_420 = arith.constant 7 : i32
        %shift_right_logical3A_421 = arith.shrui %squeeze3A_419, %shift_right_logical3A_420 : i32
        %mul3A_422 = arith.constant 128 : i32
        %mul3A_423 = arith.muli %shift_right_logical3A_421, %mul3A_422 : i32
        %multiple_of3A_424 = tpu.assume_multiple %mul3A_423, 128 : i32
        %dma_start3A_425 = arith.constant 0 : i32
        %dma_start3A_426 = tpu.memref_slice %arg4[%dma_start3A_425, %multiple_of3A_424] : memref<32x1000000xf32, #tpu.memory_space<hbm>> -> memref<32x128xf32, #tpu.memory_space<hbm>>
        %dma_start3A_427 = arith.constant 0 : i32
        %dma_start3A_428 = tpu.memref_slice %arg4[%dma_start3A_427, %multiple_of3A_424] : memref<32x1000000xf32, #tpu.memory_space<hbm>> -> memref<32x128xf32, #tpu.memory_space<hbm>>
        tpu.enqueue_dma source(%dma_start3A_428 : memref<32x128xf32, #tpu.memory_space<hbm>>) target(%arg14 : memref<32x128xf32, #tpu.memory_space<vmem>>) target_semaphore(%arg22 : memref<!tpu.dma_semaphore, #tpu.memory_space<semaphore_mem>>)
        %dma_start3A_429 = arith.constant 0 : i32
        %dma_start3A_430 = tpu.memref_slice %arg5[%dma_start3A_429, %multiple_of3A_424] : memref<32x1000000xf32, #tpu.memory_space<hbm>> -> memref<32x128xf32, #tpu.memory_space<hbm>>
        %dma_start3A_431 = arith.constant 0 : i32
        %dma_start3A_432 = tpu.memref_slice %arg5[%dma_start3A_431, %multiple_of3A_424] : memref<32x1000000xf32, #tpu.memory_space<hbm>> -> memref<32x128xf32, #tpu.memory_space<hbm>>
        tpu.enqueue_dma source(%dma_start3A_432 : memref<32x128xf32, #tpu.memory_space<hbm>>) target(%arg18 : memref<32x128xf32, #tpu.memory_space<vmem>>) target_semaphore(%arg23 : memref<!tpu.dma_semaphore, #tpu.memory_space<semaphore_mem>>)
      } else {
      }
      %mul3A_246 = arith.constant 4 : i32
      %mul3A_247 = arith.muli %scan3A_196, %mul3A_246 : i32
      %add3A_248 = arith.constant 384 : i32
      %add3A_249 = arith.addi %add3A_248, %mul3A_247 : i32
      %add3A_250 = arith.constant 1 : i32
      %add3A_251 = arith.addi %add3A_249, %add3A_250 : i32
      %dma_wait3A_252 = arith.constant 0 : i32
      %dma_wait3A_253 = arith.constant 0 : i32
      %dma_wait3A_254 = tpu.memref_slice %arg4[%dma_wait3A_252, %dma_wait3A_253] : memref<32x1000000xf32, #tpu.memory_space<hbm>> -> memref<32x128xf32, #tpu.memory_space<hbm>>
      %dma_wait3A_255 = arith.constant 0 : i32
      %dma_wait3A_256 = arith.constant 0 : i32
      %dma_wait3A_257 = tpu.memref_slice %arg4[%dma_wait3A_255, %dma_wait3A_256] : memref<32x1000000xf32, #tpu.memory_space<hbm>> -> memref<32x128xf32, #tpu.memory_space<hbm>>
      tpu.wait_dma2 semaphore(%arg22 : memref<!tpu.dma_semaphore, #tpu.memory_space<semaphore_mem>>) src(%dma_wait3A_257 : memref<32x128xf32, #tpu.memory_space<hbm>>) dst(%arg15 : memref<32x128xf32, #tpu.memory_space<vmem>>)
      %dma_wait3A_258 = arith.constant 0 : i32
      %dma_wait3A_259 = arith.constant 0 : i32
      %dma_wait3A_260 = tpu.memref_slice %arg5[%dma_wait3A_258, %dma_wait3A_259] : memref<32x1000000xf32, #tpu.memory_space<hbm>> -> memref<32x128xf32, #tpu.memory_space<hbm>>
      %dma_wait3A_261 = arith.constant 0 : i32
      %dma_wait3A_262 = arith.constant 0 : i32
      %dma_wait3A_263 = tpu.memref_slice %arg5[%dma_wait3A_261, %dma_wait3A_262] : memref<32x1000000xf32, #tpu.memory_space<hbm>> -> memref<32x128xf32, #tpu.memory_space<hbm>>
      tpu.wait_dma2 semaphore(%arg23 : memref<!tpu.dma_semaphore, #tpu.memory_space<semaphore_mem>>) src(%dma_wait3A_263 : memref<32x128xf32, #tpu.memory_space<hbm>>) dst(%arg19 : memref<32x128xf32, #tpu.memory_space<vmem>>)
      %get3A_264 = arith.index_cast %add3A_251 : i32 to index
      %get3A_265 = tpu.vector_load %arg9[%get3A_264] {strides = array<i32>} : memref<544xi32, #tpu.memory_space<vmem>>, vector<16xi32>,
      %slice3A_266 = vector.extract_strided_slice %get3A_265 {offsets = [0], sizes = [1], strides = [1]} : vector<16xi32> to vector<1xi32>
      %squeeze3A_267 = vector.extract %slice3A_266[0] : i32 from vector<1xi32>
      %and3A_268 = arith.constant 127 : i32
      %and3A_269 = arith.andi %squeeze3A_267, %and3A_268 : i32
      %broadcast_in_dim3A_270 = vector.broadcast %and3A_269 : i32 to vector<16xi32>
      %mul3A_271 = arith.constant 4 : i32
      %mul3A_272 = arith.muli %scan3A_196, %mul3A_271 : i32
      %add3A_273 = arith.constant 1 : i32
      %add3A_274 = arith.addi %mul3A_272, %add3A_273 : i32
      %broadcast_in_dim3A_275 = vector.broadcast %add3A_274 : i32 to vector<16xi32>
      %broadcast_in_dim3A_276 = vector.broadcast %add3A_251 : i32 to vector<16xi32>
      %gather3A_277 = tpu.vector_load_idx %arg15[%iota3A, %broadcast_in_dim3A_270] : memref<32x128xf32, #tpu.memory_space<vmem>>[vector<16xi32>, vector<16xi32>], vector<16xf32>,
      %gather3A_278 = tpu.vector_load_idx %arg15[%add3A_68, %broadcast_in_dim3A_270] : memref<32x128xf32, #tpu.memory_space<vmem>>[vector<16xi32>, vector<16xi32>], vector<16xf32>,
      %gather3A_279 = tpu.vector_load_idx %arg19[%iota3A, %broadcast_in_dim3A_270] : memref<32x128xf32, #tpu.memory_space<vmem>>[vector<16xi32>, vector<16xi32>], vector<16xf32>,
      %gather3A_280 = tpu.vector_load_idx %arg19[%add3A_68, %broadcast_in_dim3A_270] : memref<32x128xf32, #tpu.memory_space<vmem>>[vector<16xi32>, vector<16xi32>], vector<16xf32>,
      %gather3A_281 = tpu.vector_load_idx %arg10[%iota3A, %broadcast_in_dim3A_276] : memref<32x512xf32, #tpu.memory_space<vmem>>[vector<16xi32>, vector<16xi32>], vector<16xf32>,
      %gather3A_282 = tpu.vector_load_idx %arg10[%add3A_68, %broadcast_in_dim3A_276] : memref<32x512xf32, #tpu.memory_space<vmem>>[vector<16xi32>, vector<16xi32>], vector<16xf32>,
      %mul3A_283 = arith.constant 5.000000e-01 : f32
      %mul3A_284 = vector.broadcast %mul3A_283 : f32 to vector<16xf32>
      %mul3A_285 = arith.mulf %gather3A_279, %mul3A_284 : vector<16xf32>
      %exp3A_286 = math.exp %mul3A_285 : vector<16xf32>
      %mul3A_287 = arith.mulf %gather3A_281, %exp3A_286 : vector<16xf32>
      %add3A_288 = arith.addf %gather3A_277, %mul3A_287 : vector<16xf32>
      %mul3A_289 = arith.constant 5.000000e-01 : f32
      %mul3A_290 = vector.broadcast %mul3A_289 : f32 to vector<16xf32>
      %mul3A_291 = arith.mulf %gather3A_280, %mul3A_290 : vector<16xf32>
      %exp3A_292 = math.exp %mul3A_291 : vector<16xf32>
      %mul3A_293 = arith.mulf %gather3A_282, %exp3A_292 : vector<16xf32>
      %add3A_294 = arith.addf %gather3A_278, %mul3A_293 : vector<16xf32>
      tpu.vector_store_idx %arg11[%iota3A, %broadcast_in_dim3A_275], %gather3A_277 : memref<32x128xf32, #tpu.memory_space<vmem>>[vector<16xi32>, vector<16xi32>], vector<16xf32>,
      tpu.vector_store_idx %arg11[%add3A_68, %broadcast_in_dim3A_275], %gather3A_278 : memref<32x128xf32, #tpu.memory_space<vmem>>[vector<16xi32>, vector<16xi32>], vector<16xf32>,
      tpu.vector_store_idx %arg12[%iota3A, %broadcast_in_dim3A_275], %gather3A_279 : memref<32x128xf32, #tpu.memory_space<vmem>>[vector<16xi32>, vector<16xi32>], vector<16xf32>,
      tpu.vector_store_idx %arg12[%add3A_68, %broadcast_in_dim3A_275], %gather3A_280 : memref<32x128xf32, #tpu.memory_space<vmem>>[vector<16xi32>, vector<16xi32>], vector<16xf32>,
      tpu.vector_store_idx %arg13[%iota3A, %broadcast_in_dim3A_275], %add3A_288 : memref<32x128xf32, #tpu.memory_space<vmem>>[vector<16xi32>, vector<16xi32>], vector<16xf32>,
      tpu.vector_store_idx %arg13[%add3A_68, %broadcast_in_dim3A_275], %add3A_294 : memref<32x128xf32, #tpu.memory_space<vmem>>[vector<16xi32>, vector<16xi32>], vector<16xf32>,
      %add3A_295 = arith.constant 4 : i32
      %add3A_296 = arith.addi %add3A_251, %add3A_295 : i32
      %lt3A_297 = arith.constant 512 : i32
      %lt3A_298 = arith.cmpi slt, %add3A_296, %lt3A_297 : i32
      %convert_element_type3A_299 = arith.extui %lt3A_298 : i1 to i32
      %cond3A_300 = arith.constant 0 : i32
      %cond3A_301 = arith.cmpi ne, %convert_element_type3A_299, %cond3A_300 : i32
      scf.if %cond3A_301 {
        %add3A_414 = arith.constant 4 : i32
        %add3A_415 = arith.addi %add3A_251, %add3A_414 : i32
        %get3A_416 = arith.index_cast %add3A_415 : i32 to index
        %get3A_417 = tpu.vector_load %arg9[%get3A_416] {strides = array<i32>} : memref<544xi32, #tpu.memory_space<vmem>>, vector<16xi32>,
        %slice3A_418 = vector.extract_strided_slice %get3A_417 {offsets = [0], sizes = [1], strides = [1]} : vector<16xi32> to vector<1xi32>
        %squeeze3A_419 = vector.extract %slice3A_418[0] : i32 from vector<1xi32>
        %shift_right_logical3A_420 = arith.constant 7 : i32
        %shift_right_logical3A_421 = arith.shrui %squeeze3A_419, %shift_right_logical3A_420 : i32
        %mul3A_422 = arith.constant 128 : i32
        %mul3A_423 = arith.muli %shift_right_logical3A_421, %mul3A_422 : i32
        %multiple_of3A_424 = tpu.assume_multiple %mul3A_423, 128 : i32
        %dma_start3A_425 = arith.constant 0 : i32
        %dma_start3A_426 = tpu.memref_slice %arg4[%dma_start3A_425, %multiple_of3A_424] : memref<32x1000000xf32, #tpu.memory_space<hbm>> -> memref<32x128xf32, #tpu.memory_space<hbm>>
        %dma_start3A_427 = arith.constant 0 : i32
        %dma_start3A_428 = tpu.memref_slice %arg4[%dma_start3A_427, %multiple_of3A_424] : memref<32x1000000xf32, #tpu.memory_space<hbm>> -> memref<32x128xf32, #tpu.memory_space<hbm>>
        tpu.enqueue_dma source(%dma_start3A_428 : memref<32x128xf32, #tpu.memory_space<hbm>>) target(%arg15 : memref<32x128xf32, #tpu.memory_space<vmem>>) target_semaphore(%arg22 : memref<!tpu.dma_semaphore, #tpu.memory_space<semaphore_mem>>)
        %dma_start3A_429 = arith.constant 0 : i32
        %dma_start3A_430 = tpu.memref_slice %arg5[%dma_start3A_429, %multiple_of3A_424] : memref<32x1000000xf32, #tpu.memory_space<hbm>> -> memref<32x128xf32, #tpu.memory_space<hbm>>
        %dma_start3A_431 = arith.constant 0 : i32
        %dma_start3A_432 = tpu.memref_slice %arg5[%dma_start3A_431, %multiple_of3A_424] : memref<32x1000000xf32, #tpu.memory_space<hbm>> -> memref<32x128xf32, #tpu.memory_space<hbm>>
        tpu.enqueue_dma source(%dma_start3A_432 : memref<32x128xf32, #tpu.memory_space<hbm>>) target(%arg19 : memref<32x128xf32, #tpu.memory_space<vmem>>) target_semaphore(%arg23 : memref<!tpu.dma_semaphore, #tpu.memory_space<semaphore_mem>>)
      } else {
      }
      %mul3A_302 = arith.constant 4 : i32
      %mul3A_303 = arith.muli %scan3A_196, %mul3A_302 : i32
      %add3A_304 = arith.constant 384 : i32
      %add3A_305 = arith.addi %add3A_304, %mul3A_303 : i32
      %add3A_306 = arith.constant 2 : i32
      %add3A_307 = arith.addi %add3A_305, %add3A_306 : i32
      %dma_wait3A_308 = arith.constant 0 : i32
      %dma_wait3A_309 = arith.constant 0 : i32
      %dma_wait3A_310 = tpu.memref_slice %arg4[%dma_wait3A_308, %dma_wait3A_309] : memref<32x1000000xf32, #tpu.memory_space<hbm>> -> memref<32x128xf32, #tpu.memory_space<hbm>>
      %dma_wait3A_311 = arith.constant 0 : i32
      %dma_wait3A_312 = arith.constant 0 : i32
      %dma_wait3A_313 = tpu.memref_slice %arg4[%dma_wait3A_311, %dma_wait3A_312] : memref<32x1000000xf32, #tpu.memory_space<hbm>> -> memref<32x128xf32, #tpu.memory_space<hbm>>
      tpu.wait_dma2 semaphore(%arg22 : memref<!tpu.dma_semaphore, #tpu.memory_space<semaphore_mem>>) src(%dma_wait3A_313 : memref<32x128xf32, #tpu.memory_space<hbm>>) dst(%arg16 : memref<32x128xf32, #tpu.memory_space<vmem>>)
      %dma_wait3A_314 = arith.constant 0 : i32
      %dma_wait3A_315 = arith.constant 0 : i32
      %dma_wait3A_316 = tpu.memref_slice %arg5[%dma_wait3A_314, %dma_wait3A_315] : memref<32x1000000xf32, #tpu.memory_space<hbm>> -> memref<32x128xf32, #tpu.memory_space<hbm>>
      %dma_wait3A_317 = arith.constant 0 : i32
      %dma_wait3A_318 = arith.constant 0 : i32
      %dma_wait3A_319 = tpu.memref_slice %arg5[%dma_wait3A_317, %dma_wait3A_318] : memref<32x1000000xf32, #tpu.memory_space<hbm>> -> memref<32x128xf32, #tpu.memory_space<hbm>>
      tpu.wait_dma2 semaphore(%arg23 : memref<!tpu.dma_semaphore, #tpu.memory_space<semaphore_mem>>) src(%dma_wait3A_319 : memref<32x128xf32, #tpu.memory_space<hbm>>) dst(%arg20 : memref<32x128xf32, #tpu.memory_space<vmem>>)
      %get3A_320 = arith.index_cast %add3A_307 : i32 to index
      %get3A_321 = tpu.vector_load %arg9[%get3A_320] {strides = array<i32>} : memref<544xi32, #tpu.memory_space<vmem>>, vector<16xi32>,
      %slice3A_322 = vector.extract_strided_slice %get3A_321 {offsets = [0], sizes = [1], strides = [1]} : vector<16xi32> to vector<1xi32>
      %squeeze3A_323 = vector.extract %slice3A_322[0] : i32 from vector<1xi32>
      %and3A_324 = arith.constant 127 : i32
      %and3A_325 = arith.andi %squeeze3A_323, %and3A_324 : i32
      %broadcast_in_dim3A_326 = vector.broadcast %and3A_325 : i32 to vector<16xi32>
      %mul3A_327 = arith.constant 4 : i32
      %mul3A_328 = arith.muli %scan3A_196, %mul3A_327 : i32
      %add3A_329 = arith.constant 2 : i32
      %add3A_330 = arith.addi %mul3A_328, %add3A_329 : i32
      %broadcast_in_dim3A_331 = vector.broadcast %add3A_330 : i32 to vector<16xi32>
      %broadcast_in_dim3A_332 = vector.broadcast %add3A_307 : i32 to vector<16xi32>
      %gather3A_333 = tpu.vector_load_idx %arg16[%iota3A, %broadcast_in_dim3A_326] : memref<32x128xf32, #tpu.memory_space<vmem>>[vector<16xi32>, vector<16xi32>], vector<16xf32>,
      %gather3A_334 = tpu.vector_load_idx %arg16[%add3A_68, %broadcast_in_dim3A_326] : memref<32x128xf32, #tpu.memory_space<vmem>>[vector<16xi32>, vector<16xi32>], vector<16xf32>,
      %gather3A_335 = tpu.vector_load_idx %arg20[%iota3A, %broadcast_in_dim3A_326] : memref<32x128xf32, #tpu.memory_space<vmem>>[vector<16xi32>, vector<16xi32>], vector<16xf32>,
      %gather3A_336 = tpu.vector_load_idx %arg20[%add3A_68, %broadcast_in_dim3A_326] : memref<32x128xf32, #tpu.memory_space<vmem>>[vector<16xi32>, vector<16xi32>], vector<16xf32>,
      %gather3A_337 = tpu.vector_load_idx %arg10[%iota3A, %broadcast_in_dim3A_332] : memref<32x512xf32, #tpu.memory_space<vmem>>[vector<16xi32>, vector<16xi32>], vector<16xf32>,
      %gather3A_338 = tpu.vector_load_idx %arg10[%add3A_68, %broadcast_in_dim3A_332] : memref<32x512xf32, #tpu.memory_space<vmem>>[vector<16xi32>, vector<16xi32>], vector<16xf32>,
      %mul3A_339 = arith.constant 5.000000e-01 : f32
      %mul3A_340 = vector.broadcast %mul3A_339 : f32 to vector<16xf32>
      %mul3A_341 = arith.mulf %gather3A_335, %mul3A_340 : vector<16xf32>
      %exp3A_342 = math.exp %mul3A_341 : vector<16xf32>
      %mul3A_343 = arith.mulf %gather3A_337, %exp3A_342 : vector<16xf32>
      %add3A_344 = arith.addf %gather3A_333, %mul3A_343 : vector<16xf32>
      %mul3A_345 = arith.constant 5.000000e-01 : f32
      %mul3A_346 = vector.broadcast %mul3A_345 : f32 to vector<16xf32>
      %mul3A_347 = arith.mulf %gather3A_336, %mul3A_346 : vector<16xf32>
      %exp3A_348 = math.exp %mul3A_347 : vector<16xf32>
      %mul3A_349 = arith.mulf %gather3A_338, %exp3A_348 : vector<16xf32>
      %add3A_350 = arith.addf %gather3A_334, %mul3A_349 : vector<16xf32>
      tpu.vector_store_idx %arg11[%iota3A, %broadcast_in_dim3A_331], %gather3A_333 : memref<32x128xf32, #tpu.memory_space<vmem>>[vector<16xi32>, vector<16xi32>], vector<16xf32>,
      tpu.vector_store_idx %arg11[%add3A_68, %broadcast_in_dim3A_331], %gather3A_334 : memref<32x128xf32, #tpu.memory_space<vmem>>[vector<16xi32>, vector<16xi32>], vector<16xf32>,
      tpu.vector_store_idx %arg12[%iota3A, %broadcast_in_dim3A_331], %gather3A_335 : memref<32x128xf32, #tpu.memory_space<vmem>>[vector<16xi32>, vector<16xi32>], vector<16xf32>,
      tpu.vector_store_idx %arg12[%add3A_68, %broadcast_in_dim3A_331], %gather3A_336 : memref<32x128xf32, #tpu.memory_space<vmem>>[vector<16xi32>, vector<16xi32>], vector<16xf32>,
      tpu.vector_store_idx %arg13[%iota3A, %broadcast_in_dim3A_331], %add3A_344 : memref<32x128xf32, #tpu.memory_space<vmem>>[vector<16xi32>, vector<16xi32>], vector<16xf32>,
      tpu.vector_store_idx %arg13[%add3A_68, %broadcast_in_dim3A_331], %add3A_350 : memref<32x128xf32, #tpu.memory_space<vmem>>[vector<16xi32>, vector<16xi32>], vector<16xf32>,
      %add3A_351 = arith.constant 4 : i32
      %add3A_352 = arith.addi %add3A_307, %add3A_351 : i32
      %lt3A_353 = arith.constant 512 : i32
      %lt3A_354 = arith.cmpi slt, %add3A_352, %lt3A_353 : i32
      %convert_element_type3A_355 = arith.extui %lt3A_354 : i1 to i32
      %cond3A_356 = arith.constant 0 : i32
      %cond3A_357 = arith.cmpi ne, %convert_element_type3A_355, %cond3A_356 : i32
      scf.if %cond3A_357 {
        %add3A_414 = arith.constant 4 : i32
        %add3A_415 = arith.addi %add3A_307, %add3A_414 : i32
        %get3A_416 = arith.index_cast %add3A_415 : i32 to index
        %get3A_417 = tpu.vector_load %arg9[%get3A_416] {strides = array<i32>} : memref<544xi32, #tpu.memory_space<vmem>>, vector<16xi32>,
        %slice3A_418 = vector.extract_strided_slice %get3A_417 {offsets = [0], sizes = [1], strides = [1]} : vector<16xi32> to vector<1xi32>
        %squeeze3A_419 = vector.extract %slice3A_418[0] : i32 from vector<1xi32>
        %shift_right_logical3A_420 = arith.constant 7 : i32
        %shift_right_logical3A_421 = arith.shrui %squeeze3A_419, %shift_right_logical3A_420 : i32
        %mul3A_422 = arith.constant 128 : i32
        %mul3A_423 = arith.muli %shift_right_logical3A_421, %mul3A_422 : i32
        %multiple_of3A_424 = tpu.assume_multiple %mul3A_423, 128 : i32
        %dma_start3A_425 = arith.constant 0 : i32
        %dma_start3A_426 = tpu.memref_slice %arg4[%dma_start3A_425, %multiple_of3A_424] : memref<32x1000000xf32, #tpu.memory_space<hbm>> -> memref<32x128xf32, #tpu.memory_space<hbm>>
        %dma_start3A_427 = arith.constant 0 : i32
        %dma_start3A_428 = tpu.memref_slice %arg4[%dma_start3A_427, %multiple_of3A_424] : memref<32x1000000xf32, #tpu.memory_space<hbm>> -> memref<32x128xf32, #tpu.memory_space<hbm>>
        tpu.enqueue_dma source(%dma_start3A_428 : memref<32x128xf32, #tpu.memory_space<hbm>>) target(%arg16 : memref<32x128xf32, #tpu.memory_space<vmem>>) target_semaphore(%arg22 : memref<!tpu.dma_semaphore, #tpu.memory_space<semaphore_mem>>)
        %dma_start3A_429 = arith.constant 0 : i32
        %dma_start3A_430 = tpu.memref_slice %arg5[%dma_start3A_429, %multiple_of3A_424] : memref<32x1000000xf32, #tpu.memory_space<hbm>> -> memref<32x128xf32, #tpu.memory_space<hbm>>
        %dma_start3A_431 = arith.constant 0 : i32
        %dma_start3A_432 = tpu.memref_slice %arg5[%dma_start3A_431, %multiple_of3A_424] : memref<32x1000000xf32, #tpu.memory_space<hbm>> -> memref<32x128xf32, #tpu.memory_space<hbm>>
        tpu.enqueue_dma source(%dma_start3A_432 : memref<32x128xf32, #tpu.memory_space<hbm>>) target(%arg20 : memref<32x128xf32, #tpu.memory_space<vmem>>) target_semaphore(%arg23 : memref<!tpu.dma_semaphore, #tpu.memory_space<semaphore_mem>>)
      } else {
      }
      %mul3A_358 = arith.constant 4 : i32
      %mul3A_359 = arith.muli %scan3A_196, %mul3A_358 : i32
      %add3A_360 = arith.constant 384 : i32
      %add3A_361 = arith.addi %add3A_360, %mul3A_359 : i32
      %add3A_362 = arith.constant 3 : i32
      %add3A_363 = arith.addi %add3A_361, %add3A_362 : i32
      %dma_wait3A_364 = arith.constant 0 : i32
      %dma_wait3A_365 = arith.constant 0 : i32
      %dma_wait3A_366 = tpu.memref_slice %arg4[%dma_wait3A_364, %dma_wait3A_365] : memref<32x1000000xf32, #tpu.memory_space<hbm>> -> memref<32x128xf32, #tpu.memory_space<hbm>>
      %dma_wait3A_367 = arith.constant 0 : i32
      %dma_wait3A_368 = arith.constant 0 : i32
      %dma_wait3A_369 = tpu.memref_slice %arg4[%dma_wait3A_367, %dma_wait3A_368] : memref<32x1000000xf32, #tpu.memory_space<hbm>> -> memref<32x128xf32, #tpu.memory_space<hbm>>
      tpu.wait_dma2 semaphore(%arg22 : memref<!tpu.dma_semaphore, #tpu.memory_space<semaphore_mem>>) src(%dma_wait3A_369 : memref<32x128xf32, #tpu.memory_space<hbm>>) dst(%arg17 : memref<32x128xf32, #tpu.memory_space<vmem>>)
      %dma_wait3A_370 = arith.constant 0 : i32
      %dma_wait3A_371 = arith.constant 0 : i32
      %dma_wait3A_372 = tpu.memref_slice %arg5[%dma_wait3A_370, %dma_wait3A_371] : memref<32x1000000xf32, #tpu.memory_space<hbm>> -> memref<32x128xf32, #tpu.memory_space<hbm>>
      %dma_wait3A_373 = arith.constant 0 : i32
      %dma_wait3A_374 = arith.constant 0 : i32
      %dma_wait3A_375 = tpu.memref_slice %arg5[%dma_wait3A_373, %dma_wait3A_374] : memref<32x1000000xf32, #tpu.memory_space<hbm>> -> memref<32x128xf32, #tpu.memory_space<hbm>>
      tpu.wait_dma2 semaphore(%arg23 : memref<!tpu.dma_semaphore, #tpu.memory_space<semaphore_mem>>) src(%dma_wait3A_375 : memref<32x128xf32, #tpu.memory_space<hbm>>) dst(%arg21 : memref<32x128xf32, #tpu.memory_space<vmem>>)
      %get3A_376 = arith.index_cast %add3A_363 : i32 to index
      %get3A_377 = tpu.vector_load %arg9[%get3A_376] {strides = array<i32>} : memref<544xi32, #tpu.memory_space<vmem>>, vector<16xi32>,
      %slice3A_378 = vector.extract_strided_slice %get3A_377 {offsets = [0], sizes = [1], strides = [1]} : vector<16xi32> to vector<1xi32>
      %squeeze3A_379 = vector.extract %slice3A_378[0] : i32 from vector<1xi32>
      %and3A_380 = arith.constant 127 : i32
      %and3A_381 = arith.andi %squeeze3A_379, %and3A_380 : i32
      %broadcast_in_dim3A_382 = vector.broadcast %and3A_381 : i32 to vector<16xi32>
      %mul3A_383 = arith.constant 4 : i32
      %mul3A_384 = arith.muli %scan3A_196, %mul3A_383 : i32
      %add3A_385 = arith.constant 3 : i32
      %add3A_386 = arith.addi %mul3A_384, %add3A_385 : i32
      %broadcast_in_dim3A_387 = vector.broadcast %add3A_386 : i32 to vector<16xi32>
      %broadcast_in_dim3A_388 = vector.broadcast %add3A_363 : i32 to vector<16xi32>
      %gather3A_389 = tpu.vector_load_idx %arg17[%iota3A, %broadcast_in_dim3A_382] : memref<32x128xf32, #tpu.memory_space<vmem>>[vector<16xi32>, vector<16xi32>], vector<16xf32>,
      %gather3A_390 = tpu.vector_load_idx %arg17[%add3A_68, %broadcast_in_dim3A_382] : memref<32x128xf32, #tpu.memory_space<vmem>>[vector<16xi32>, vector<16xi32>], vector<16xf32>,
      %gather3A_391 = tpu.vector_load_idx %arg21[%iota3A, %broadcast_in_dim3A_382] : memref<32x128xf32, #tpu.memory_space<vmem>>[vector<16xi32>, vector<16xi32>], vector<16xf32>,
      %gather3A_392 = tpu.vector_load_idx %arg21[%add3A_68, %broadcast_in_dim3A_382] : memref<32x128xf32, #tpu.memory_space<vmem>>[vector<16xi32>, vector<16xi32>], vector<16xf32>,
      %gather3A_393 = tpu.vector_load_idx %arg10[%iota3A, %broadcast_in_dim3A_388] : memref<32x512xf32, #tpu.memory_space<vmem>>[vector<16xi32>, vector<16xi32>], vector<16xf32>,
      %gather3A_394 = tpu.vector_load_idx %arg10[%add3A_68, %broadcast_in_dim3A_388] : memref<32x512xf32, #tpu.memory_space<vmem>>[vector<16xi32>, vector<16xi32>], vector<16xf32>,
      %mul3A_395 = arith.constant 5.000000e-01 : f32
      %mul3A_396 = vector.broadcast %mul3A_395 : f32 to vector<16xf32>
      %mul3A_397 = arith.mulf %gather3A_391, %mul3A_396 : vector<16xf32>
      %exp3A_398 = math.exp %mul3A_397 : vector<16xf32>
      %mul3A_399 = arith.mulf %gather3A_393, %exp3A_398 : vector<16xf32>
      %add3A_400 = arith.addf %gather3A_389, %mul3A_399 : vector<16xf32>
      %mul3A_401 = arith.constant 5.000000e-01 : f32
      %mul3A_402 = vector.broadcast %mul3A_401 : f32 to vector<16xf32>
      %mul3A_403 = arith.mulf %gather3A_392, %mul3A_402 : vector<16xf32>
      %exp3A_404 = math.exp %mul3A_403 : vector<16xf32>
      %mul3A_405 = arith.mulf %gather3A_394, %exp3A_404 : vector<16xf32>
      %add3A_406 = arith.addf %gather3A_390, %mul3A_405 : vector<16xf32>
      tpu.vector_store_idx %arg11[%iota3A, %broadcast_in_dim3A_387], %gather3A_389 : memref<32x128xf32, #tpu.memory_space<vmem>>[vector<16xi32>, vector<16xi32>], vector<16xf32>,
      tpu.vector_store_idx %arg11[%add3A_68, %broadcast_in_dim3A_387], %gather3A_390 : memref<32x128xf32, #tpu.memory_space<vmem>>[vector<16xi32>, vector<16xi32>], vector<16xf32>,
      tpu.vector_store_idx %arg12[%iota3A, %broadcast_in_dim3A_387], %gather3A_391 : memref<32x128xf32, #tpu.memory_space<vmem>>[vector<16xi32>, vector<16xi32>], vector<16xf32>,
      tpu.vector_store_idx %arg12[%add3A_68, %broadcast_in_dim3A_387], %gather3A_392 : memref<32x128xf32, #tpu.memory_space<vmem>>[vector<16xi32>, vector<16xi32>], vector<16xf32>,
      tpu.vector_store_idx %arg13[%iota3A, %broadcast_in_dim3A_387], %add3A_400 : memref<32x128xf32, #tpu.memory_space<vmem>>[vector<16xi32>, vector<16xi32>], vector<16xf32>,
      tpu.vector_store_idx %arg13[%add3A_68, %broadcast_in_dim3A_387], %add3A_406 : memref<32x128xf32, #tpu.memory_space<vmem>>[vector<16xi32>, vector<16xi32>], vector<16xf32>,
      %add3A_407 = arith.constant 4 : i32
      %add3A_408 = arith.addi %add3A_363, %add3A_407 : i32
      %lt3A_409 = arith.constant 512 : i32
      %lt3A_410 = arith.cmpi slt, %add3A_408, %lt3A_409 : i32
      %convert_element_type3A_411 = arith.extui %lt3A_410 : i1 to i32
      %cond3A_412 = arith.constant 0 : i32
      %cond3A_413 = arith.cmpi ne, %convert_element_type3A_411, %cond3A_412 : i32
      scf.if %cond3A_413 {
        %add3A_414 = arith.constant 4 : i32
        %add3A_415 = arith.addi %add3A_363, %add3A_414 : i32
        %get3A_416 = arith.index_cast %add3A_415 : i32 to index
        %get3A_417 = tpu.vector_load %arg9[%get3A_416] {strides = array<i32>} : memref<544xi32, #tpu.memory_space<vmem>>, vector<16xi32>,
        %slice3A_418 = vector.extract_strided_slice %get3A_417 {offsets = [0], sizes = [1], strides = [1]} : vector<16xi32> to vector<1xi32>
        %squeeze3A_419 = vector.extract %slice3A_418[0] : i32 from vector<1xi32>
        %shift_right_logical3A_420 = arith.constant 7 : i32
        %shift_right_logical3A_421 = arith.shrui %squeeze3A_419, %shift_right_logical3A_420 : i32
        %mul3A_422 = arith.constant 128 : i32
        %mul3A_423 = arith.muli %shift_right_logical3A_421, %mul3A_422 : i32
        %multiple_of3A_424 = tpu.assume_multiple %mul3A_423, 128 : i32
        %dma_start3A_425 = arith.constant 0 : i32
        %dma_start3A_426 = tpu.memref_slice %arg4[%dma_start3A_425, %multiple_of3A_424] : memref<32x1000000xf32, #tpu.memory_space<hbm>> -> memref<32x128xf32, #tpu.memory_space<hbm>>
        %dma_start3A_427 = arith.constant 0 : i32
        %dma_start3A_428 = tpu.memref_slice %arg4[%dma_start3A_427, %multiple_of3A_424] : memref<32x1000000xf32, #tpu.memory_space<hbm>> -> memref<32x128xf32, #tpu.memory_space<hbm>>
        tpu.enqueue_dma source(%dma_start3A_428 : memref<32x128xf32, #tpu.memory_space<hbm>>) target(%arg17 : memref<32x128xf32, #tpu.memory_space<vmem>>) target_semaphore(%arg22 : memref<!tpu.dma_semaphore, #tpu.memory_space<semaphore_mem>>)
        %dma_start3A_429 = arith.constant 0 : i32
        %dma_start3A_430 = tpu.memref_slice %arg5[%dma_start3A_429, %multiple_of3A_424] : memref<32x1000000xf32, #tpu.memory_space<hbm>> -> memref<32x128xf32, #tpu.memory_space<hbm>>
        %dma_start3A_431 = arith.constant 0 : i32
        %dma_start3A_432 = tpu.memref_slice %arg5[%dma_start3A_431, %multiple_of3A_424] : memref<32x1000000xf32, #tpu.memory_space<hbm>> -> memref<32x128xf32, #tpu.memory_space<hbm>>
        tpu.enqueue_dma source(%dma_start3A_432 : memref<32x128xf32, #tpu.memory_space<hbm>>) target(%arg21 : memref<32x128xf32, #tpu.memory_space<vmem>>) target_semaphore(%arg23 : memref<!tpu.dma_semaphore, #tpu.memory_space<semaphore_mem>>)
      } else {
      }
    }
    %scan3A_169 = arith.constant 32 : i32
    %add3A_170 = arith.constant 384 : i32
    %add3A_171 = arith.addi %mul3A_2, %add3A_170 : i32
    %dma_start3A_172 = arith.constant 0 : i32
    %dma_start3A_173 = tpu.memref_slice %arg7[%dma_start3A_172, %add3A_171] : memref<32x16384xf32, #tpu.memory_space<hbm>> -> memref<32x128xf32, #tpu.memory_space<hbm>>
    %dma_start3A_174 = arith.constant 0 : i32
    %dma_start3A_175 = tpu.memref_slice %arg7[%dma_start3A_174, %add3A_171] : memref<32x16384xf32, #tpu.memory_space<hbm>> -> memref<32x128xf32, #tpu.memory_space<hbm>>
    tpu.enqueue_dma source(%arg11 : memref<32x128xf32, #tpu.memory_space<vmem>>) target(%dma_start3A_175 : memref<32x128xf32, #tpu.memory_space<hbm>>) target_semaphore(%arg25 : memref<!tpu.dma_semaphore, #tpu.memory_space<semaphore_mem>>)
    %dma_start3A_176 = arith.constant 0 : i32
    %dma_start3A_177 = tpu.memref_slice %arg8[%dma_start3A_176, %add3A_171] : memref<32x16384xf32, #tpu.memory_space<hbm>> -> memref<32x128xf32, #tpu.memory_space<hbm>>
    %dma_start3A_178 = arith.constant 0 : i32
    %dma_start3A_179 = tpu.memref_slice %arg8[%dma_start3A_178, %add3A_171] : memref<32x16384xf32, #tpu.memory_space<hbm>> -> memref<32x128xf32, #tpu.memory_space<hbm>>
    tpu.enqueue_dma source(%arg12 : memref<32x128xf32, #tpu.memory_space<vmem>>) target(%dma_start3A_179 : memref<32x128xf32, #tpu.memory_space<hbm>>) target_semaphore(%arg25 : memref<!tpu.dma_semaphore, #tpu.memory_space<semaphore_mem>>)
    %dma_start3A_180 = arith.constant 0 : i32
    %dma_start3A_181 = tpu.memref_slice %arg6[%dma_start3A_180, %add3A_171] : memref<32x16384xf32, #tpu.memory_space<hbm>> -> memref<32x128xf32, #tpu.memory_space<hbm>>
    %dma_start3A_182 = arith.constant 0 : i32
    %dma_start3A_183 = tpu.memref_slice %arg6[%dma_start3A_182, %add3A_171] : memref<32x16384xf32, #tpu.memory_space<hbm>> -> memref<32x128xf32, #tpu.memory_space<hbm>>
    tpu.enqueue_dma source(%arg13 : memref<32x128xf32, #tpu.memory_space<vmem>>) target(%dma_start3A_183 : memref<32x128xf32, #tpu.memory_space<hbm>>) target_semaphore(%arg25 : memref<!tpu.dma_semaphore, #tpu.memory_space<semaphore_mem>>)
    %dma_wait3A_184 = arith.constant 0 : i32
    %dma_wait3A_185 = tpu.memref_slice %arg7[%dma_wait3A_184, %add3A_171] : memref<32x16384xf32, #tpu.memory_space<hbm>> -> memref<32x128xf32, #tpu.memory_space<hbm>>
    %dma_wait3A_186 = arith.constant 0 : i32
    %dma_wait3A_187 = tpu.memref_slice %arg7[%dma_wait3A_186, %add3A_171] : memref<32x16384xf32, #tpu.memory_space<hbm>> -> memref<32x128xf32, #tpu.memory_space<hbm>>
    tpu.wait_dma2 semaphore(%arg25 : memref<!tpu.dma_semaphore, #tpu.memory_space<semaphore_mem>>) src(%arg11 : memref<32x128xf32, #tpu.memory_space<vmem>>) dst(%dma_wait3A_187 : memref<32x128xf32, #tpu.memory_space<hbm>>)
    %dma_wait3A_188 = arith.constant 0 : i32
    %dma_wait3A_189 = tpu.memref_slice %arg8[%dma_wait3A_188, %add3A_171] : memref<32x16384xf32, #tpu.memory_space<hbm>> -> memref<32x128xf32, #tpu.memory_space<hbm>>
    %dma_wait3A_190 = arith.constant 0 : i32
    %dma_wait3A_191 = tpu.memref_slice %arg8[%dma_wait3A_190, %add3A_171] : memref<32x16384xf32, #tpu.memory_space<hbm>> -> memref<32x128xf32, #tpu.memory_space<hbm>>
    tpu.wait_dma2 semaphore(%arg25 : memref<!tpu.dma_semaphore, #tpu.memory_space<semaphore_mem>>) src(%arg12 : memref<32x128xf32, #tpu.memory_space<vmem>>) dst(%dma_wait3A_191 : memref<32x128xf32, #tpu.memory_space<hbm>>)
    %dma_wait3A_192 = arith.constant 0 : i32
    %dma_wait3A_193 = tpu.memref_slice %arg6[%dma_wait3A_192, %add3A_171] : memref<32x16384xf32, #tpu.memory_space<hbm>> -> memref<32x128xf32, #tpu.memory_space<hbm>>
    %dma_wait3A_194 = arith.constant 0 : i32
    %dma_wait3A_195 = tpu.memref_slice %arg6[%dma_wait3A_194, %add3A_171] : memref<32x16384xf32, #tpu.memory_space<hbm>> -> memref<32x128xf32, #tpu.memory_space<hbm>>
    tpu.wait_dma2 semaphore(%arg25 : memref<!tpu.dma_semaphore, #tpu.memory_space<semaphore_mem>>) src(%arg13 : memref<32x128xf32, #tpu.memory_space<vmem>>) dst(%dma_wait3A_195 : memref<32x128xf32, #tpu.memory_space<hbm>>)
    return
  }
}

</mosaic_0001>

<sc_bundles>
// kernel: kernel.3.cloned.1.call-start
scs
__scs_entry_jumppad:
0x0: {  	(pc) =	sbr.rel $0x88, $3  }
0x1: {  	(tag) =	ssettag $0x0;
	lr =	simm.s32 $0x1  }
0x2: {  	[smem:$0x3F9D] =	sst lr;
	_ =	strace $0xD0000000  }
0x3: {  	_ = 	snop  }
0x4: {  	_ = 	snop  }
0x5: {  	_ = 	snop  }
0x6: {  	_ = 	snop  }
0x7: {  	_ = 	snop  }
__scs_overlays_trampoline_lowered:
0x8: {  	[smem:$0x3FAC] =	sst s0  }
0x9: {  	[smem:$0x3FAD] =	sst s1  }
0xa: {  	[smem:$0x3FAE] =	sst s2  }
0xb: {  	[smem:$0x3FAF] =	sst s3  }
0xc: {  	[smem:$0x3FB0] =	sst s4  }
0xd: {  	[smem:$0x3FB1] =	sst s5  }
0xe: {  	[smem:$0x3FB2] =	sst s6  }
0xf: {  	[smem:$0x3FB3] =	sst s7  }
0x10: {  	[smem:$0x3FB4] =	sst s8  }
0x11: {  	[smem:$0x3FB5] =	sst s9;
	s0 =	simm.s32 @!p0 $0x0  }
0x12: {  	s1 =	sld [smem:$0x3F9B];
	s0 =	simm.s32 @p0 $0x1  }
0x13: {  	[smem:$0x3FB6] =	sst s0;
	s0 =	simm.s32 @!p1 $0x0  }
0x14: {  	s2 =	sld [smem:$0x3F9A];
	s0 =	simm.s32 @p1 $0x1  }
0x15: {  	[smem:$0x3FB7] =	sst s0;
	s0 =	simm.s32 @!p2 $0x0  }
0x16: {  	s3 =	sld [smem:$0x3FDB];
	s0 =	simm.s32 @p2 $0x1  }
0x17: {  	s4 =	simm.s32 $0x1BF5;
	[smem:$0x3FB9] =	sst s0  }
0x18: {  	s0 =	sld [smem:$0x3F9C];
	_ =	swait.ge [sflag:s4], $0x0  }
0x19: {  	s7 =	sld [smem:$0x3F9D]  }
0x1a: {  	s8 =	sadd.s32 $0xFFFFE003, lr  }
0x1b: {  	s9 =	sadd.s32 $0xFFFFFEF7, lr;
	s5 =	simm.s32 $0xFFFFFFFF;
	p2 =	slt.u32 s8, $0xFFFFF086  }
0x1c: {  	p1 =	slt.u32 s9, $0xF7A;
	s5 =	simm.s32 @!p2 $0x0  }
0x1d: {  	s5 =	simm.s32 @p1 $0x1;
	p0 =	seq.s32 s7, s2  }
0x1e: {  	s7 =	smul.u32 @!p0 $0xF7A, s2;
	p2 =	seq.s32 @!p0 s5, $0x0  }
0x1f: {  	s9 =	smul.u32 $0xF7A, s1;
	s8 =	simm.s32 @!p0 $0x1BF5;
	p2 =	por !p2, p0  }
0x20: {  	[sflag:s8] =	ssyncset.s32 @!p0 $0xFFFFF086;
	s6 =	sadd.s32 @!p0 s3, s7;
	s7 =	simm.s32 @!p0 $0x108  }
0x21: {  	s3 =	sadd.s32 s3, s9;
	s6 =	sadd.s32 @!p0 $0x88, s6;
	s7 =	simm.s32 @p2 $0x1082  }
0x22: {  	[simem:s7], [sflag:s8] =	dma.local @!p0 [hbm:s6], $0xF7A  }
0x23: {  	s9 =	sor.u32 $0xD0000000, s2;
	s6 =	simm.s32 $0x108;
	_ =	swait.ge @!p0 [sflag:s8], $0x0  }
0x24: {  	s3 =	sadd.s32 $0x88, s3;
	s6 =	simm.s32 @!p1 $0x1082;
	[sflag:s4] =	ssyncset.s32 $0xFFFFF086  }
0x25: {  	[simem:s6], [sflag:s4] =	dma.local [hbm:s3], $0xF7A  }
0x26: {  	[smem:$0x3F9D] =	sst s1;
	(tag) =	ssettag s2;
	_ =	strace s9  }
0x27: {  	s1 =	sld [smem:$0x3FAD]  }
0x28: {  	s2 =	sld [smem:$0x3FAE]  }
0x29: {  	s4 =	sld [smem:$0x3FB0]  }
0x2a: {  	p0 =	seq.s32 s5, $0x0;
	s5 =	sld [smem:$0x3FB1]  }
0x2b: {  	s6 =	sld [smem:$0x3FB2]  }
0x2c: {  	s7 =	sld [smem:$0x3FB3]  }
0x2d: {  	s3 =	simm.s32 $0x108;
	s8 =	sld [smem:$0x3FB4]  }
0x2e: {  	s3 =	simm.s32 @!p0 $0x1082;
	s9 =	sld [smem:$0x3FB5]  }
0x2f: {  	lr =	sadd.s32 s0, s3;
	s0 =	sld [smem:$0x3FAC]  }
0x30: {  	s3 =	sld [smem:$0x3FAF]  }
0x31: {  	[smem:$0x3FB8] =	sst s10  }
0x32: {  	s10 =	sld [smem:$0x3FB6];
	_ =	sdelay $0x3  }
0x33: {  	p0 =	seq.s32 s10, $0x1;
	s10 =	sld [smem:$0x3FB8];
	_ =	sdelay $0x3  }
0x34: {  	[smem:$0x3FB8] =	sst s10  }
0x35: {  	s10 =	sld [smem:$0x3FB7];
	_ =	sdelay $0x3  }
0x36: {  	p1 =	seq.s32 s10, $0x1;
	s10 =	sld [smem:$0x3FB8];
	_ =	sdelay $0x3  }
0x37: {  	[smem:$0x3FB8] =	sst s10  }
0x38: {  	s10 =	sld [smem:$0x3FB9]  }
0x39: {  	_ = 	snop;
	(pc) =	sbr.ind lr, $3  }
0x3a: {  	_ = 	snop  }
0x3b: {  	_ = 	snop  }
0x3c: {  	p2 =	seq.s32 s10, $0x1;
	s10 =	sld [smem:$0x3FB8]  }
0x3d: {  	_ =	shalt  }
0x3e: {  	_ =	shalt  }
0x3f: {  	_ =	shalt  }
0x40: {  	_ =	shalt  }
0x41: {  	_ =	shalt  }
0x42: {  	_ =	shalt  }
0x43: {  	_ =	shalt  }
0x44: {  	_ =	shalt  }
0x45: {  	_ =	shalt  }
0x46: {  	_ =	shalt  }
0x47: {  	_ =	shalt  }
0x48: {  	_ =	shalt  }
0x49: {  	_ =	shalt  }
0x4a: {  	_ =	shalt  }
0x4b: {  	_ =	shalt  }
0x4c: {  	_ =	shalt  }
0x4d: {  	_ =	shalt  }
0x4e: {  	_ =	shalt  }
0x4f: {  	_ =	shalt  }
0x50: {  	_ =	shalt  }
0x51: {  	_ =	shalt  }
0x52: {  	_ =	shalt  }
0x53: {  	_ =	shalt  }
0x54: {  	_ =	shalt  }
0x55: {  	_ =	shalt  }
0x56: {  	_ =	shalt  }
0x57: {  	_ =	shalt  }
0x58: {  	_ =	shalt  }
0x59: {  	_ =	shalt  }
0x5a: {  	_ =	shalt  }
0x5b: {  	_ =	shalt  }
0x5c: {  	_ =	shalt  }
0x5d: {  	_ =	shalt  }
0x5e: {  	_ =	shalt  }
0x5f: {  	_ =	shalt  }
0x60: {  	_ =	shalt  }
0x61: {  	_ =	shalt  }
0x62: {  	_ =	shalt  }
0x63: {  	_ =	shalt  }
0x64: {  	_ =	shalt  }
0x65: {  	_ =	shalt  }
0x66: {  	_ =	shalt  }
0x67: {  	_ =	shalt  }
0x68: {  	_ =	shalt  }
0x69: {  	_ =	shalt  }
0x6a: {  	_ =	shalt  }
0x6b: {  	_ =	shalt  }
0x6c: {  	_ =	shalt  }
0x6d: {  	_ =	shalt  }
0x6e: {  	_ =	shalt  }
0x6f: {  	_ =	shalt  }
0x70: {  	_ =	shalt  }
0x71: {  	_ =	shalt  }
0x72: {  	_ =	shalt  }
0x73: {  	_ =	shalt  }
0x74: {  	_ =	shalt  }
0x75: {  	_ =	shalt  }
0x76: {  	_ =	shalt  }
0x77: {  	_ =	shalt  }
0x78: {  	_ =	shalt  }
0x79: {  	_ =	shalt  }
0x7a: {  	_ =	shalt  }
0x7b: {  	_ =	shalt  }
0x7c: {  	_ =	shalt  }
0x7d: {  	_ =	shalt  }
0x7e: {  	_ =	shalt  }
0x7f: {  	_ =	shalt  }
0x80: {  	_ =	shalt  }
0x81: {  	_ =	shalt  }
0x82: {  	_ =	shalt  }
0x83: {  	_ =	shalt  }
0x84: {  	_ =	shalt  }
0x85: {  	_ =	shalt  }
0x86: {  	_ =	shalt  }
0x87: {  	_ =	shalt  }
.Lfunc_end0:
.L_simem_size_0:
called_computation_lowered:
.L_overlay_start_0:
0x88: {  	s2 =	sld [smem:$0x3FD9]  }
0x89: {  	s3 =	sld [smem:$0x3FFE];
	_ =	sdelay $0x1  }
0x8a: {  	s1 =	srdreg.scid  }
0x8b: {  	s0 =	sand.u32 $0x1, s1  }
0x8c: {  	s15 =	sshll.u32 s0, $0xA;
	s2 =	sadd.s32 s3, s2  }
0x8d: {  	s2 =	sadd.s32 s2, s15  }
0x8e: {  	[smem:$0x3FC4] =	sst s2  }
0x8f: {  	_ = 	snop  }
0x90: {  	s2 =	sld [smem:$0x3FC9]  }
0x91: {  	s16 =	sld [smem:$0x3FD0]  }
0x92: {  	s4 =	sld [smem:$0x3FC8]  }
0x93: {  	s5 =	sld [smem:$0x3FC7]  }
0x94: {  	s7 =	simm.s32 $0xA;
	s8 =	simm.s32 $0x10;
	s6 =	sld [smem:$0x3FC6]  }
0x95: {  	[smem:s8], [sflag:s7] =	dma.local [hbm:s16], $0x1  }
0x96: {  	_ =	swait.eq [sflag:s7], $0x1  }
0x97: {  	s17 =	sld [smem:$0x10];
	[sflag:s7] =	ssyncset.done $0x0  }
0x98: {  	s18 =	sld [smem:$0x11];
	[sflag:s7] =	ssyncadd.s32 $0xFFFFFFFF  }
0x99: {  	s19 =	sld [smem:$0x12];
	(tm) =	ssettm $0x1  }
0x9a: {  	s9 =	sld [smem:$0x3FFB];
	_ =	sdelay $0x3  }
0x9b: {  	_ =	strace s9  }
0x9c: {  	s9 =	sld [smem:$0x3FFC];
	_ =	sdelay $0x3  }
0x9d: {  	_ =	strace s9  }
0x9e: {  	s9 =	sld [smem:$0x3FFD];
	_ =	sdelay $0x3  }
0x9f: {  	_ =	strace s9  }
0xa0: {  	_ =	strace $0x8FFFFFFF  }
0xa1: {  	s20 =	sld [smem:$0x3FDB];
	_ =	sdelay $0x1  }
0xa2: {  	s10 =	simm.s32 $_scs_section_size  }
0xa3: {  	s11 =	simm.s32 $_size__tile_overlayer_lowered;
	s12 =	simm.s32 $_tile_overlayer_lowered  }
0xa4: {  	s23 =	simm.s32 $0x1BFF;
	s22 =	sshll.u32 s12, $0x1;
	s9 =	sadd.s32 s10, s20  }
0xa5: {  	s13 =	simm.s32 $0x0;
	s21 =	sshll.u32 s11, $0x1;
	s11 =	sadd.s32 s22, s9  }
0xa6: {  	[timem:s13], [sflag:s23] =	dma.local [hbm:s11], s21  }
0xa7: {  	_ =	swait.ge [sflag:s23], s21  }
0xa8: {  	s10 =	ssub.s32 $0x0, s21;
	[sflag:s23] =	ssyncset.done $0x0  }
0xa9: {  	[sflag:s23] =	ssyncadd.s32 s10;
	_ =	sdelay $0x1  }
0xaa: {  	s24 =	simm.s32 $0x1B8B  }
0xab: {  	_ =	swait.ge [sflag:s24], $0x1  }
0xac: {  	[sflag:s24] =	ssyncset.done $0x0  }
0xad: {  	s25 =	simm.s32 $0x1B8E;
	[sflag:s24] =	ssyncadd.s32 $0xFFFFFFFF  }
0xae: {  	s26 =	simm.s32 $execute0_lowered;
	[smem:$0x3FD2] =	sst s25  }
0xaf: {  	s10 =	sshll.u32 s26, $0x1;
	_ =	strace $0x80000046;
	[dreg:$0x1] =	wrdreg $0xFFFFFFFF  }
0xb0: {  	s28 =	simm.s32 $_size_execute0_lowered;
	s9 =	sadd.s32 s9, s10;
	[dreg:$0x0] =	wrdreg $0x0  }
0xb1: {  	s10 =	sshll.u32 s28, $0x1;
	[dreg:$0x2] =	wrdreg s9  }
0xb2: {  	[dreg:$0x3] =	wrdreg s10  }
0xb3: {  	[dreg:$0x4] =	wrdreg $0xC0  }
0xb4: {  	_ =	task [dreg:s13], $0x5FFFF  }
0xb5: {  	[dreg:$0x1] =	wrdreg $0xFFFFFFFF  }
0xb6: {  	[dreg:$0x0] =	wrdreg $0x60  }
0xb7: {  	[dreg:$0x2] =	wrdreg s2  }
0xb8: {  	[dreg:$0x3] =	wrdreg s4  }
0xb9: {  	[dreg:$0x4] =	wrdreg s5  }
0xba: {  	[dreg:$0x5] =	wrdreg s6  }
0xbb: {  	[dreg:$0x6] =	wrdreg s17  }
0xbc: {  	[dreg:$0x7] =	wrdreg s18  }
0xbd: {  	[dreg:$0x8] =	wrdreg s19  }
0xbe: {  	[dreg:$0x9] =	wrdreg $0x9  }
0xbf: {  	_ =	task.clear_ibuf [dreg:s13], $0xAFFFF;
	_ =	strace $0x90000046  }
0xc0: {  	s29 =	simm.s32 $0x9;
	_ =	strace $0x80000048  }
0xc1: {  	_ =	swait.ge [sflag:s29], $0x1  }
0xc2: {  	[sflag:s29] =	ssyncadd.s32 $0xFFFFFFFF  }
0xc3: {  	_ =	strace $0x90000048  }
0xc4: {  	_ =	sfence  }
0xc5: {  	s30 =	sld [smem:$0x0];
	_ =	sdelay $0x2  }
0xc6: {  	s31 =	sshll.u32 s1, $0xD;
	s1 =	sshrl.u32 s1, $0x2  }
0xc7: {  	s3 =	sand.u32 $0x4000, s31;
	s1 =	sadd.s32 s1, s30  }
0xc8: {  	s0 =	sor.u32 s3, s0;
	s1 =	sshll.u32 s1, $0x11  }
0xc9: {  	s0 =	sor.u32 s1, s0  }
0xca: {  	s0 =	sadd.s32 $0x8F2B, s0  }
0xcb: {  	[sflag:s0] =	ssyncadd.remote.s32 $0x1  }
0xcc: {  	_ =	sfence.sel $0xFFFF  }
0xcd: {  	[dreg:$0x0] =	wrdreg $0xFFFFFFFF;
	(pc) =	sbr.abs _section_cstart, $3  }
0xce: {  	[dreg:$0x1] =	wrdreg $0xFFFFFFFF  }
0xcf: {  	_ =	task.clear_ibuf [dreg:s13], $0x2FFFF;
	_ =	strace $0x9FFFFFFF  }
0xd0: {  	(tm) =	ssettm $0x7FFFFFFF  }
0xd1: {  	_ =	shalt  }
tec
execute0_lowered:
.L_overlay_start_1:
0x0: {  	(tag) =	ssettag $0x1  }
0x1: {  	v0 =	vlaneseq.u32;
	v1 =	vimm.s32 $0x1380  }
0x2: {  	vm14 =	vcmask $0x300;
	v2 =	vimm.s32 $0x3380;
	vm13 =	vcmask $0x704  }
0x3: {  	vm12 =	vcmask $0xB08;
	vm11 =	vcmask $0xF0C;
	vm10 =	vcmask $0x1310  }
0x4: {  	vm9 =	vcmask $0x1714;
	vm8 =	vcmask $0x1B18;
	vm7 =	vcmask $0x1F1C  }
0x5: {  	vm6 =	vcmask $0x2320;
	vm5 =	vcmask $0x2724;
	vm4 =	vcmask $0x2B28  }
0x6: {  	vm3 =	vcmask $0x2F2C;
	vm2 =	vcmask $0x3330;
	vm1 =	vcmask $0x3734  }
0x7: {  	vm0 =	vcmask $0x3B38;
	v5 =	vimm.s32 $0x3780;
	v6 =	vimm.s32 $0x1B80  }
0x8: {  	v7 =	vimm.s32 $0x3B80;
	v8 =	vimm.s32 $0x1F80;
	v9 =	vimm.s32 $0x3F80  }
0x9: {  	v0 =	vmul.u32 $0x80, v0;
	v1 =	vsel vm14, $0x0, v1;
	v2 =	vsel vm14, $0x2000, v2  }
0xa: {  	v5 =	vsel vm14, $0x2400, v5;
	v6 =	vsel vm14, $0x800, v6;
	v7 =	vsel vm14, $0x2800, v7  }
0xb: {  	v8 =	vsel vm14, $0xC00, v8;
	v9 =	vsel vm14, $0x2C00, v9;
	v1 =	vsel vm13, $0x80, v1  }
0xc: {  	v2 =	vsel vm13, $0x2080, v2;
	v5 =	vsel vm13, $0x2480, v5;
	v6 =	vsel vm13, $0x880, v6  }
0xd: {  	v7 =	vsel vm13, $0x2880, v7;
	v8 =	vsel vm13, $0xC80, v8;
	v9 =	vsel vm13, $0x2C80, v9  }
0xe: {  	v1 =	vsel vm12, $0x100, v1;
	v2 =	vsel vm12, $0x2100, v2;
	v5 =	vsel vm12, $0x2500, v5  }
0xf: {  	v6 =	vsel vm12, $0x900, v6;
	v7 =	vsel vm12, $0x2900, v7;
	v8 =	vsel vm12, $0xD00, v8  }
0x10: {  	v9 =	vsel vm12, $0x2D00, v9;
	v1 =	vsel vm11, $0x180, v1;
	v2 =	vsel vm11, $0x2180, v2  }
0x11: {  	v5 =	vsel vm11, $0x2580, v5;
	v6 =	vsel vm11, $0x980, v6;
	v7 =	vsel vm11, $0x2980, v7  }
0x12: {  	v8 =	vsel vm11, $0xD80, v8;
	v9 =	vsel vm11, $0x2D80, v9;
	v1 =	vsel vm10, $0x200, v1  }
0x13: {  	v2 =	vsel vm10, $0x2200, v2;
	v5 =	vsel vm10, $0x2600, v5;
	v6 =	vsel vm10, $0xA00, v6  }
0x14: {  	v7 =	vsel vm10, $0x2A00, v7;
	v8 =	vsel vm10, $0xE00, v8;
	v9 =	vsel vm10, $0x2E00, v9  }
0x15: {  	s3 =	rddreg [dreg:$0x0];
	v1 =	vsel vm9, $0x280, v1;
	v2 =	vsel vm9, $0x2280, v2;
	v5 =	vsel vm9, $0x2680, v5  }
0x16: {  	s4 =	rddreg [dreg:$0x1];
	v6 =	vsel vm9, $0xA80, v6;
	v7 =	vsel vm9, $0x2A80, v7;
	v8 =	vsel vm9, $0xE80, v8  }
0x17: {  	s0 =	rddreg [dreg:$0x2];
	v9 =	vsel vm9, $0x2E80, v9;
	v1 =	vsel vm8, $0x300, v1;
	v2 =	vsel vm8, $0x2300, v2  }
0x18: {  	s1 =	rddreg [dreg:$0x3];
	v5 =	vsel vm8, $0x2700, v5;
	v6 =	vsel vm8, $0xB00, v6;
	v7 =	vsel vm8, $0x2B00, v7  }
0x19: {  	s2 =	rddreg [dreg:$0x4];
	v8 =	vsel vm8, $0xF00, v8;
	v9 =	vsel vm8, $0x2F00, v9;
	v1 =	vsel vm7, $0x380, v1  }
0x1a: {  	s5 =	rddreg [dreg:$0x5];
	v2 =	vsel vm7, $0x2380, v2;
	v5 =	vsel vm7, $0x2780, v5;
	v6 =	vsel vm7, $0xB80, v6  }
0x1b: {  	s6 =	srdreg.scid;
	s7 =	rddreg [dreg:$0x6];
	v7 =	vsel vm7, $0x2B80, v7;
	v8 =	vsel vm7, $0xF80, v8;
	v9 =	vsel vm7, $0x2F80, v9  }
0x1c: {  	s8 =	stileid.u32;
	s10 =	simm.s32 $0x0;
	s28 =	simm.s32 $0xB280;
	v1 =	vsel vm6, $0x1000, v1;
	v2 =	vsel vm6, $0x3000, v2;
	v5 =	vsel vm6, $0x3400, v5  }
0x1d: {  	s29 =	simm.s32 $0x8280;
	s30 =	simm.s32 $0xC280;
	s31 =	simm.s32 $0x9280;
	v6 =	vsel vm6, $0x1800, v6;
	v1 =	vsel vm5, $0x1080, v1;
	v2 =	vsel vm5, $0x3080, v2  }
0x1e: {  	s11 =	simm.s32 $0x0;
	s6 =	sand.u32 $0x1, s6;
	s8 =	sshll.u32 s8, $0xA;
	v7 =	vsel vm6, $0x3800, v7;
	v1 =	vsel vm4, $0x1100, v1;
	v2 =	vsel vm4, $0x3100, v2  }
0x1f: {  	[smem:$0x7FF] =	sst s10;
	s10 =	simm.s32 $0x4;
	s9 =	sshll.u32 s6, $0x9;
	v8 =	vsel vm6, $0x1C00, v8;
	v1 =	vsel vm3, $0x1180, v1;
	v2 =	vsel vm3, $0x3180, v2  }
0x20: {  	s6 =	ssub.s32 $0x2, s6;
	_ =	strace $0x80000047;
	s8 =	sor.u32 s9, s8;
	v9 =	vsel vm6, $0x3C00, v9;
	v1 =	vsel vm2, $0x1200, v1;
	v2 =	vsel vm2, $0x3200, v2  }
0x21: {  	s12 =	sshrl.u32 s6, $0x1;
	s9 =	simm.s32 $0x6280;
	s14 =	sadd.s32 s4, s8;
	v5 =	vsel vm5, $0x3480, v5;
	v3 =	vsel vm1, $0x1280, v1;
	v4 =	vsel vm1, $0x3280, v2  }
0x22: {  	s13 =	sshrl.u32 s8, $0x3;
	s15 =	sadd.s32 s5, s8;
	[dreg:$0x9] =	wrdreg s14;
	v2 =	vsel vm0, $0x1300, v3;
	v3 =	vsel vm0, $0x3300, v4;
	v4 =	vimm.s32 $0x1780  }
0x23: {  	s6 =	ssub.s32 s6, s12;
	s17 =	sadd.s32 s7, s8;
	[dreg:$0xa] =	wrdreg s15;
	v6 =	vsel vm5, $0x1880, v6;
	v7 =	vsel vm5, $0x3880, v7;
	v4 =	vsel vm14, $0x400, v4  }
0x24: {  	s16 =	sor.u32 $0x80, s8;
	s18 =	sadd.s32 s2, s8;
	[dreg:$0xb] =	wrdreg s17;
	v8 =	vsel vm5, $0x1C80, v8;
	v9 =	vsel vm5, $0x3C80, v9;
	v4 =	vsel vm13, $0x480, v4  }
0x25: {  	s21 =	sor.u32 $0x100, s8;
	s3 =	sadd.s32 s3, s13;
	[dreg:$0xc] =	wrdreg s18;
	v5 =	vsel vm4, $0x3500, v5;
	v6 =	vsel vm4, $0x1900, v6;
	v4 =	vsel vm12, $0x500, v4  }
0x26: {  	s24 =	sor.u32 $0x180, s8;
	s19 =	sadd.s32 s5, s16;
	[dreg:$0x8] =	wrdreg s3;
	v7 =	vsel vm4, $0x3900, v7;
	v8 =	vsel vm4, $0x1D00, v8;
	v4 =	vsel vm11, $0x580, v4  }
0x27: {  	s4 =	simm.s32 $0xE280;
	s20 =	sadd.s32 s7, s16;
	[dreg:$0xd] =	wrdreg s19;
	v9 =	vsel vm4, $0x3D00, v9;
	v5 =	vsel vm3, $0x3580, v5;
	v4 =	vsel vm10, $0x600, v4  }
0x28: {  	s8 =	simm.s32 $0x5280;
	s22 =	sadd.s32 s5, s21;
	[dreg:$0xe] =	wrdreg s20;
	v6 =	vsel vm3, $0x1980, v6;
	v7 =	vsel vm3, $0x3980, v7;
	v4 =	vsel vm9, $0x680, v4  }
0x29: {  	s23 =	sadd.s32 s7, s21;
	s25 =	sadd.s32 s5, s24;
	[dreg:$0x10] =	wrdreg s22;
	v8 =	vsel vm3, $0x1D80, v8;
	v9 =	vsel vm3, $0x3D80, v9;
	v4 =	vsel vm8, $0x700, v4  }
0x2a: {  	s26 =	sadd.s32 s7, s24;
	s5 =	simm.s32 $0x1;
	[dreg:$0x11] =	wrdreg s23;
	v5 =	vsel vm2, $0x3600, v5;
	v6 =	vsel vm2, $0x1A00, v6;
	v4 =	vsel vm7, $0x780, v4  }
0x2b: {  	s7 =	simm.s32 $0x4280;
	s3 =	sadd.s32 s2, s16;
	[dreg:$0x13] =	wrdreg s25;
	v7 =	vsel vm2, $0x3A00, v7;
	v8 =	vsel vm2, $0x1E00, v8;
	v4 =	vsel vm6, $0x1400, v4  }
0x2c: {  	[dreg:$0x14] =	wrdreg s26;
	s22 =	simm.s32 $0x280;
	s23 =	simm.s32 $0x400;
	v9 =	vsel vm2, $0x3E00, v9;
	v1 =	vor.u32 $0x800, v0;
	v4 =	vsel vm5, $0x1480, v4  }
.Ltmp0:
0x2d: {  	s19 =	smax.u32 s6, $0x1;
	s25 =	simm.s32 $0x7A1400;
	v5 =	vsel vm1, $0x3680, v5;
	v6 =	vsel vm1, $0x1A80, v6;
	v4 =	vsel vm4, $0x1500, v4;
	(pc) =	sbr.rel .LBB2_1-.Ltmp0, $4  }
0x2e: {  	s26 =	simm.s32 $0x7280;
	s20 =	simm.s32 $0x3;
	s6 =	simm.s32 $0x2;
	v7 =	vsel vm1, $0x3A80, v7;
	v8 =	vsel vm1, $0x1E80, v8;
	v4 =	vsel vm3, $0x1580, v4  }
0x2f: {  	[dreg:$0xf] =	wrdreg s3;
	s3 =	sadd.s32 s2, s21;
	s2 =	sadd.s32 s2, s24;
	v9 =	vsel vm1, $0x3E80, v9;
	v5 =	vsel vm0, $0x3700, v5;
	v4 =	vsel vm2, $0x1600, v4  }
0x30: {  	s21 =	simm.s32 $0x20000;
	s24 =	simm.s32 $0x5;
	[dreg:$0x12] =	wrdreg s3;
	v6 =	vsel vm0, $0x1B00, v6;
	v7 =	vsel vm0, $0x3B00, v7;
	v4 =	vsel vm1, $0x1680, v4  }
0x31: {  	[dreg:$0x15] =	wrdreg s2;
	s3 =	simm.s32 $0xD280;
	s2 =	simm.s32 $0xA280;
	v8 =	vsel vm0, $0x1F00, v8;
	v9 =	vsel vm0, $0x3F00, v9;
	v4 =	vsel vm0, $0x1700, v4  }
.LBB2_10:
0x32: {  	s12 =	rddreg [dreg:$0x13]  }
0x33: {  	[hbm4b:s12+s23] =	stream.strided.scatter [tilespmem:s7], [sflag:$0x4], $0x1000, s21, s23, $0x38;
	[tilespmem:$0xF280] =	vst v63  }
0x34: {  	s17 =	rddreg [dreg:$0x14]  }
0x35: {  	[hbm4b:s17+s23] =	stream.strided.scatter [tilespmem:s8], [sflag:$0x4], $0x1000, s21, s23, $0x38;
	[tilespmem:$0xF280] =	vst v63  }
0x36: {  	s18 =	rddreg [dreg:$0x15]  }
0x37: {  	[hbm4b:s18+s23] =	stream.strided.scatter [tilespmem:s9], [sflag:$0x4], $0x1000, s21, s23, $0x38;
	[tilespmem:$0xF280] =	vst v63  }
0x38: {  	_ =	swait.ge [sflag:s10], $0x1000  }
0x39: {  	[sflag:s10] =	ssyncset.done $0x0  }
0x3a: {  	s11 =	sadd.s32 $0x1, s11;
	[sflag:s10] =	ssyncadd.s32 $0xFFFFF000  }
0x3b: {  	p0 =	sne.s32 s11, s19;
	_ =	swait.ge [sflag:s10], $0x1000  }
.Ltmp1:
0x3c: {  	[sflag:s10] =	ssyncset.done $0x0;
	(pc) =	sbr.rel @!p0 .LBB2_11-.Ltmp1, $4  }
0x3d: {  	[sflag:s10] =	ssyncadd.s32 $0xFFFFF000  }
0x3e: {  	_ =	swait.ge [sflag:s10], $0x1000  }
0x3f: {  	[sflag:s10] =	ssyncset.done $0x0  }
0x40: {  	[sflag:s10] =	ssyncadd.s32 $0xFFFFF000  }
.LBB2_1:
0x41: {  	s12 =	simm.s32 $0x0;
	s13 =	rddreg [dreg:$0x8]  }
0x42: {  	[tilespmem:s12], [sflag:$0x5] =	stream.linear.gather [hbm4b:s13+s12], $0x200, $0x38;
	[tilespmem:$0xF280] =	vst v63  }
0x43: {  	_ =	swait.ge [sflag:s24], $0x200  }
0x44: {  	[sflag:s24] =	ssyncset.done $0x0  }
0x45: {  	s15 =	simm.s32 $0x1000;
	s14 =	rddreg [dreg:$0x9];
	[sflag:s24] =	ssyncadd.s32 $0xFFFFFE00  }
0x46: {  	[tilespmem:s22], [sflag:$0x3] =	stream.strided.gather [hbm4b:s14+s15], $0x4000, s21, s15, $0x38;
	[tilespmem:$0xF280] =	vst v63  }
0x47: {  	v10 =	vld [tilespmem:$0x0];
	_ =	sdelay $0x4  }
0x48: {  	(v2sf) =	vpush v10, $0x0;
	_ =	sdelay $0x2  }
0x49: {  	(v2sf) =	vpush v10, $0x1;
	_ =	sdelay $0x3  }
0x4a: {  	(v2sf) =	vpush v10, $0x2;
	_ =	sdelay $0x7  }
0x4b: {  	s16 =	spop (v2sf);
	(v2sf) =	vpush v10, $0x3;
	_ =	sdelay $0x1  }
0x4c: {  	s12 =	sand.u32 $0xFFFFF80, s16  }
0x4d: {  	s18 =	spop (v2sf);
	s17 =	sadd.s32 s0, s12  }
0x4e: {  	[tilespmem:s26], [sflag:$0x1] =	stream.strided.gather [hbm4b:s17+s23], $0x1000, s25, s23, $0x38;
	[tilespmem:$0xF280] =	vst v63  }
0x4f: {  	s12 =	sadd.s32 s1, s12;
	s14 =	sand.u32 $0xFFFFF80, s18  }
0x50: {  	[tilespmem:s28], [sflag:$0x2] =	stream.strided.gather [hbm4b:s12+s23], $0x1000, s25, s23, $0x38;
	[tilespmem:$0xF280] =	vst v63  }
0x51: {  	s15 =	spop (v2sf);
	s13 =	sadd.s32 s0, s14  }
0x52: {  	[tilespmem:s29], [sflag:$0x1] =	stream.strided.gather [hbm4b:s13+s23], $0x1000, s25, s23, $0x38;
	[tilespmem:$0xF280] =	vst v63  }
0x53: {  	s16 =	sand.u32 $0xFFFFF80, s15;
	s12 =	sadd.s32 s1, s14  }
0x54: {  	[tilespmem:s30], [sflag:$0x2] =	stream.strided.gather [hbm4b:s12+s23], $0x1000, s25, s23, $0x38;
	[tilespmem:$0xF280] =	vst v63  }
0x55: {  	s13 =	sadd.s32 s0, s16  }
0x56: {  	[tilespmem:s31], [sflag:$0x1] =	stream.strided.gather [hbm4b:s13+s23], $0x1000, s25, s23, $0x38;
	[tilespmem:$0xF280] =	vst v63  }
0x57: {  	s12 =	sadd.s32 s1, s16  }
0x58: {  	[tilespmem:s3], [sflag:$0x2] =	stream.strided.gather [hbm4b:s12+s23], $0x1000, s25, s23, $0x38;
	[tilespmem:$0xF280] =	vst v63  }
0x59: {  	s17 =	spop (v2sf)  }
0x5a: {  	s12 =	sand.u32 $0xFFFFF80, s17  }
0x5b: {  	s18 =	sadd.s32 s0, s12  }
0x5c: {  	[tilespmem:s2], [sflag:$0x1] =	stream.strided.gather [hbm4b:s18+s23], $0x1000, s25, s23, $0x38;
	[tilespmem:$0xF280] =	vst v63  }
0x5d: {  	s12 =	sadd.s32 s1, s12  }
0x5e: {  	[tilespmem:s4], [sflag:$0x2] =	stream.strided.gather [hbm4b:s12+s23], $0x1000, s25, s23, $0x38;
	[tilespmem:$0xF280] =	vst v63  }
0x5f: {  	_ =	swait.ge [sflag:s20], $0x4000  }
0x60: {  	[sflag:s20] =	ssyncset.done $0x0  }
0x61: {  	s13 =	simm.s32 $0x0;
	s12 =	simm.s32 $0x4;
	[sflag:s20] =	ssyncadd.s32 $0xFFFFC000  }
.LBB2_2:
0x62: {  	_ =	swait.ge [sflag:s5], $0x1000  }
0x63: {  	[sflag:s5] =	ssyncset.done $0x0  }
0x64: {  	[sflag:s5] =	ssyncadd.s32 $0xFFFFF000  }
0x65: {  	_ =	swait.ge [sflag:s6], $0x1000  }
0x66: {  	[sflag:s6] =	ssyncset.done $0x0  }
0x67: {  	[sflag:s6] =	ssyncadd.s32 $0xFFFFF000  }
0x68: {  	v10 =	vld [tilespmem:s12+$0xFFFFFFFC];
	_ =	sdelay $0x4  }
0x69: {  	(v2sf) =	vpush v10, $0x0;
	_ =	sdelay $0xe  }
0x6a: {  	s14 =	spop (v2sf)  }
0x6b: {  	s14 =	sand.u32 $0x7F, s14  }
0x6c: {  	v10 =	vor.u32 s14, v0  }
0x6d: {  	v11 =	vor.u32 s14, v1;
	_ =	sdelay $0x3  }
0x6e: {  	v12 =	vld.idx.msk [tilespmem:v10+s28+$0x0], $0xffff  }
0x6f: {  	v13 =	vld.idx.msk [tilespmem:v11+s28+$0x0], $0xffff;
	_ =	sdelay $0x3  }
0x70: {  	v14 =	vmul.f32 $5.000000000e-01, v12  }
0x71: {  	v15 =	vmul.f32 $5.000000000e-01, v13  }
0x72: {  	v16 =	vor.u32 s13, v2;
	v14 =	vmul.f32 $1.442695020e+00, v14  }
0x73: {  	v15 =	vmul.f32 $1.442695020e+00, v15  }
0x74: {  	(erf) = vpow2.f32 v14  }
0x75: {  	v27 =	vor.u32 s13, v3;
	(erf) = vpow2.f32 v15;
	_ =	sdelay $0x1  }
0x76: {  	v28 =	vld.idx.msk [tilespmem:v16+s22+$0x0], $0xffff  }
0x77: {  	v10 =	vld.idx.msk [tilespmem:v10+s26+$0x0], $0xffff  }
0x78: {  	v29 =	vor.u32 s13, v0;
	v11 =	vld.idx.msk [tilespmem:v11+s26+$0x0], $0xffff  }
0x79: {  	v17 =	vor.u32 s13, v1;
	v14 =	vld.idx.msk [tilespmem:v27+s22+$0x0], $0xffff;
	_ =	sdelay $0x2  }
0x7a: {  	v18 =	vpop (erf)  }
0x7b: {  	[tilespmem:v29+s7+$0x0] =	vst.idx.msk $0xffff, v10;
	v15 =	vmul.f32 v18, v28;
	v30 =	vpop (erf)  }
0x7c: {  	[tilespmem:v17+s7+$0x0] =	vst.idx.msk $0xffff, v11;
	v14 =	vmul.f32 v30, v14  }
0x7d: {  	[tilespmem:v29+s8+$0x0] =	vst.idx.msk $0xffff, v12;
	v10 =	vadd.f32 v15, v10  }
0x7e: {  	[tilespmem:v17+s8+$0x0] =	vst.idx.msk $0xffff, v13;
	v11 =	vadd.f32 v14, v11  }
0x7f: {  	[tilespmem:v29+s9+$0x0] =	vst.idx.msk $0xffff, v10  }
0x80: {  	[tilespmem:v17+s9+$0x0] =	vst.idx.msk $0xffff, v11  }
0x81: {  	v10 =	vld [tilespmem:s12+$0x0];
	_ =	sdelay $0x4  }
0x82: {  	(v2sf) =	vpush v10, $0x0;
	_ =	sdelay $0xe  }
0x83: {  	s18 =	spop (v2sf)  }
0x84: {  	s14 =	sand.u32 $0xFFFFF80, s18  }
0x85: {  	s15 =	sadd.s32 s0, s14  }
0x86: {  	[tilespmem:s26], [sflag:$0x1] =	stream.strided.gather [hbm4b:s15+s23], $0x1000, s25, s23, $0x38;
	[tilespmem:$0xF280] =	vst v63  }
0x87: {  	s14 =	sadd.s32 s1, s14  }
0x88: {  	[tilespmem:s28], [sflag:$0x2] =	stream.strided.gather [hbm4b:s14+s23], $0x1000, s25, s23, $0x38;
	[tilespmem:$0xF280] =	vst v63  }
0x89: {  	_ =	swait.ge [sflag:s5], $0x1000  }
0x8a: {  	[sflag:s5] =	ssyncset.done $0x0  }
0x8b: {  	[sflag:s5] =	ssyncadd.s32 $0xFFFFF000  }
0x8c: {  	_ =	swait.ge [sflag:s6], $0x1000  }
0x8d: {  	[sflag:s6] =	ssyncset.done $0x0  }
0x8e: {  	[sflag:s6] =	ssyncadd.s32 $0xFFFFF000  }
0x8f: {  	v10 =	vld [tilespmem:s12+$0xFFFFFFFD];
	_ =	sdelay $0x4  }
0x90: {  	(v2sf) =	vpush v10, $0x0;
	_ =	sdelay $0xe  }
0x91: {  	s15 =	spop (v2sf)  }
0x92: {  	s14 =	sand.u32 $0x7F, s15  }
0x93: {  	v10 =	vor.u32 s14, v0  }
0x94: {  	v11 =	vor.u32 s14, v1;
	_ =	sdelay $0x3  }
0x95: {  	v31 =	vld.idx.msk [tilespmem:v10+s30+$0x0], $0xffff  }
0x96: {  	v32 =	vld.idx.msk [tilespmem:v11+s30+$0x0], $0xffff;
	_ =	sdelay $0x3  }
0x97: {  	v33 =	vmul.f32 $5.000000000e-01, v31  }
0x98: {  	s16 =	sadd.s32 $0x1, s13;
	v34 =	vmul.f32 $5.000000000e-01, v32  }
0x99: {  	v35 =	vor.u32 s16, v2;
	v14 =	vmul.f32 $1.442695020e+00, v33  }
0x9a: {  	v15 =	vmul.f32 $1.442695020e+00, v34  }
0x9b: {  	(erf) = vpow2.f32 v14  }
0x9c: {  	v36 =	vor.u32 s16, v3;
	(erf) = vpow2.f32 v15;
	_ =	sdelay $0x1  }
0x9d: {  	v37 =	vld.idx.msk [tilespmem:v35+s22+$0x0], $0xffff  }
0x9e: {  	v10 =	vld.idx.msk [tilespmem:v10+s29+$0x0], $0xffff  }
0x9f: {  	v38 =	vor.u32 s16, v0;
	v11 =	vld.idx.msk [tilespmem:v11+s29+$0x0], $0xffff  }
0xa0: {  	v39 =	vor.u32 s16, v1;
	v14 =	vld.idx.msk [tilespmem:v36+s22+$0x0], $0xffff;
	_ =	sdelay $0x2  }
0xa1: {  	v40 =	vpop (erf)  }
0xa2: {  	[tilespmem:v38+s7+$0x0] =	vst.idx.msk $0xffff, v10;
	v15 =	vmul.f32 v40, v37;
	v41 =	vpop (erf)  }
0xa3: {  	[tilespmem:v39+s7+$0x0] =	vst.idx.msk $0xffff, v11;
	v14 =	vmul.f32 v41, v14  }
0xa4: {  	[tilespmem:v38+s8+$0x0] =	vst.idx.msk $0xffff, v31;
	v10 =	vadd.f32 v15, v10  }
0xa5: {  	[tilespmem:v39+s8+$0x0] =	vst.idx.msk $0xffff, v32;
	v11 =	vadd.f32 v14, v11  }
0xa6: {  	[tilespmem:v38+s9+$0x0] =	vst.idx.msk $0xffff, v10  }
0xa7: {  	[tilespmem:v39+s9+$0x0] =	vst.idx.msk $0xffff, v11  }
0xa8: {  	v10 =	vld [tilespmem:s12+$0x1];
	_ =	sdelay $0x4  }
0xa9: {  	(v2sf) =	vpush v10, $0x0;
	_ =	sdelay $0xe  }
0xaa: {  	s17 =	spop (v2sf)  }
0xab: {  	s14 =	sand.u32 $0xFFFFF80, s17  }
0xac: {  	s18 =	sadd.s32 s0, s14  }
0xad: {  	[tilespmem:s29], [sflag:$0x1] =	stream.strided.gather [hbm4b:s18+s23], $0x1000, s25, s23, $0x38;
	[tilespmem:$0xF280] =	vst v63  }
0xae: {  	s14 =	sadd.s32 s1, s14  }
0xaf: {  	[tilespmem:s30], [sflag:$0x2] =	stream.strided.gather [hbm4b:s14+s23], $0x1000, s25, s23, $0x38;
	[tilespmem:$0xF280] =	vst v63  }
0xb0: {  	_ =	swait.ge [sflag:s5], $0x1000  }
0xb1: {  	[sflag:s5] =	ssyncset.done $0x0  }
0xb2: {  	[sflag:s5] =	ssyncadd.s32 $0xFFFFF000  }
0xb3: {  	_ =	swait.ge [sflag:s6], $0x1000  }
0xb4: {  	[sflag:s6] =	ssyncset.done $0x0  }
0xb5: {  	[sflag:s6] =	ssyncadd.s32 $0xFFFFF000  }
0xb6: {  	v10 =	vld [tilespmem:s12+$0xFFFFFFFE];
	_ =	sdelay $0x4  }
0xb7: {  	(v2sf) =	vpush v10, $0x0;
	_ =	sdelay $0xe  }
0xb8: {  	s15 =	spop (v2sf)  }
0xb9: {  	s14 =	sand.u32 $0x7F, s15  }
0xba: {  	v10 =	vor.u32 s14, v0  }
0xbb: {  	v11 =	vor.u32 s14, v1;
	_ =	sdelay $0x3  }
0xbc: {  	v42 =	vld.idx.msk [tilespmem:v10+s3+$0x0], $0xffff  }
0xbd: {  	v43 =	vld.idx.msk [tilespmem:v11+s3+$0x0], $0xffff;
	_ =	sdelay $0x3  }
0xbe: {  	v44 =	vmul.f32 $5.000000000e-01, v42  }
0xbf: {  	s16 =	sadd.s32 $0x2, s13;
	v45 =	vmul.f32 $5.000000000e-01, v43  }
0xc0: {  	v46 =	vor.u32 s16, v2;
	v14 =	vmul.f32 $1.442695020e+00, v44  }
0xc1: {  	v15 =	vmul.f32 $1.442695020e+00, v45  }
0xc2: {  	(erf) = vpow2.f32 v14  }
0xc3: {  	v47 =	vor.u32 s16, v3;
	(erf) = vpow2.f32 v15;
	_ =	sdelay $0x1  }
0xc4: {  	v48 =	vld.idx.msk [tilespmem:v46+s22+$0x0], $0xffff  }
0xc5: {  	v10 =	vld.idx.msk [tilespmem:v10+s31+$0x0], $0xffff  }
0xc6: {  	v49 =	vor.u32 s16, v0;
	v11 =	vld.idx.msk [tilespmem:v11+s31+$0x0], $0xffff  }
0xc7: {  	v50 =	vor.u32 s16, v1;
	v14 =	vld.idx.msk [tilespmem:v47+s22+$0x0], $0xffff;
	_ =	sdelay $0x2  }
0xc8: {  	v51 =	vpop (erf)  }
0xc9: {  	[tilespmem:v49+s7+$0x0] =	vst.idx.msk $0xffff, v10;
	v15 =	vmul.f32 v51, v48;
	v52 =	vpop (erf)  }
0xca: {  	[tilespmem:v50+s7+$0x0] =	vst.idx.msk $0xffff, v11;
	v14 =	vmul.f32 v52, v14  }
0xcb: {  	[tilespmem:v49+s8+$0x0] =	vst.idx.msk $0xffff, v42;
	v10 =	vadd.f32 v15, v10  }
0xcc: {  	[tilespmem:v50+s8+$0x0] =	vst.idx.msk $0xffff, v43;
	v11 =	vadd.f32 v14, v11  }
0xcd: {  	[tilespmem:v49+s9+$0x0] =	vst.idx.msk $0xffff, v10  }
0xce: {  	[tilespmem:v50+s9+$0x0] =	vst.idx.msk $0xffff, v11  }
0xcf: {  	v10 =	vld [tilespmem:s12+$0x2];
	_ =	sdelay $0x4  }
0xd0: {  	(v2sf) =	vpush v10, $0x0;
	_ =	sdelay $0xe  }
0xd1: {  	s17 =	spop (v2sf)  }
0xd2: {  	s14 =	sand.u32 $0xFFFFF80, s17  }
0xd3: {  	s18 =	sadd.s32 s0, s14  }
0xd4: {  	[tilespmem:s31], [sflag:$0x1] =	stream.strided.gather [hbm4b:s18+s23], $0x1000, s25, s23, $0x38;
	[tilespmem:$0xF280] =	vst v63  }
0xd5: {  	s14 =	sadd.s32 s1, s14  }
0xd6: {  	[tilespmem:s3], [sflag:$0x2] =	stream.strided.gather [hbm4b:s14+s23], $0x1000, s25, s23, $0x38;
	[tilespmem:$0xF280] =	vst v63  }
0xd7: {  	_ =	swait.ge [sflag:s5], $0x1000  }
0xd8: {  	[sflag:s5] =	ssyncset.done $0x0  }
0xd9: {  	[sflag:s5] =	ssyncadd.s32 $0xFFFFF000  }
0xda: {  	_ =	swait.ge [sflag:s6], $0x1000  }
0xdb: {  	[sflag:s6] =	ssyncset.done $0x0  }
0xdc: {  	[sflag:s6] =	ssyncadd.s32 $0xFFFFF000  }
0xdd: {  	v10 =	vld [tilespmem:s12+$0xFFFFFFFF];
	_ =	sdelay $0x4  }
0xde: {  	(v2sf) =	vpush v10, $0x0;
	_ =	sdelay $0xe  }
0xdf: {  	s15 =	spop (v2sf)  }
0xe0: {  	s14 =	sand.u32 $0x7F, s15  }
0xe1: {  	v10 =	vor.u32 s14, v0  }
0xe2: {  	v11 =	vor.u32 s14, v1;
	_ =	sdelay $0x3  }
0xe3: {  	v53 =	vld.idx.msk [tilespmem:v10+s4+$0x0], $0xffff  }
0xe4: {  	v54 =	vld.idx.msk [tilespmem:v11+s4+$0x0], $0xffff;
	_ =	sdelay $0x3  }
0xe5: {  	v55 =	vmul.f32 $5.000000000e-01, v53  }
0xe6: {  	s16 =	sadd.s32 $0x3, s13;
	v56 =	vmul.f32 $5.000000000e-01, v54  }
0xe7: {  	v57 =	vor.u32 s16, v2;
	v14 =	vmul.f32 $1.442695020e+00, v55  }
0xe8: {  	v15 =	vmul.f32 $1.442695020e+00, v56  }
0xe9: {  	(erf) = vpow2.f32 v14  }
0xea: {  	v58 =	vor.u32 s16, v3;
	(erf) = vpow2.f32 v15;
	_ =	sdelay $0x1  }
0xeb: {  	v59 =	vld.idx.msk [tilespmem:v57+s22+$0x0], $0xffff  }
0xec: {  	v10 =	vld.idx.msk [tilespmem:v10+s2+$0x0], $0xffff  }
0xed: {  	v60 =	vor.u32 s16, v0;
	v11 =	vld.idx.msk [tilespmem:v11+s2+$0x0], $0xffff  }
0xee: {  	v61 =	vor.u32 s16, v1;
	v14 =	vld.idx.msk [tilespmem:v58+s22+$0x0], $0xffff;
	_ =	sdelay $0x2  }
0xef: {  	v62 =	vpop (erf)  }
0xf0: {  	[tilespmem:v60+s7+$0x0] =	vst.idx.msk $0xffff, v10;
	v15 =	vmul.f32 v62, v59;
	v63 =	vpop (erf)  }
0xf1: {  	[tilespmem:v61+s7+$0x0] =	vst.idx.msk $0xffff, v11;
	v14 =	vmul.f32 v63, v14  }
0xf2: {  	[tilespmem:v60+s8+$0x0] =	vst.idx.msk $0xffff, v53;
	v10 =	vadd.f32 v15, v10  }
0xf3: {  	[tilespmem:v61+s8+$0x0] =	vst.idx.msk $0xffff, v54;
	v11 =	vadd.f32 v14, v11  }
0xf4: {  	[tilespmem:v60+s9+$0x0] =	vst.idx.msk $0xffff, v10  }
0xf5: {  	[tilespmem:v61+s9+$0x0] =	vst.idx.msk $0xffff, v11  }
0xf6: {  	v10 =	vld [tilespmem:s12+$0x3];
	_ =	sdelay $0x4  }
0xf7: {  	(v2sf) =	vpush v10, $0x0;
	_ =	sdelay $0xe  }
0xf8: {  	p0 =	sne.s32 s13, $0x7C;
	s17 =	spop (v2sf)  }
.Ltmp2:
0xf9: {  	s14 =	sand.u32 $0xFFFFF80, s17;
	(pc) =	sbr.rel @p0 .LBB2_2-.Ltmp2, $4  }
0xfa: {  	s18 =	sadd.s32 s0, s14  }
0xfb: {  	[tilespmem:s2], [sflag:$0x1] =	stream.strided.gather [hbm4b:s18+s23], $0x1000, s25, s23, $0x38;
	[tilespmem:$0xF280] =	vst v63  }
0xfc: {  	s13 =	sadd.s32 $0x4, s13;
	s12 =	sadd.s32 $0x4, s12;
	s14 =	sadd.s32 s1, s14  }
0xfd: {  	[tilespmem:s4], [sflag:$0x2] =	stream.strided.gather [hbm4b:s14+s23], $0x1000, s25, s23, $0x38;
	[tilespmem:$0xF280] =	vst v63  }
0xfe: {  	s12 =	rddreg [dreg:$0xa]  }
0xff: {  	[hbm4b:s12+s23] =	stream.strided.scatter [tilespmem:s7], [sflag:$0x4], $0x1000, s21, s23, $0x38;
	[tilespmem:$0xF280] =	vst v63  }
0x100: {  	s17 =	rddreg [dreg:$0xb]  }
0x101: {  	[hbm4b:s17+s23] =	stream.strided.scatter [tilespmem:s8], [sflag:$0x4], $0x1000, s21, s23, $0x38;
	[tilespmem:$0xF280] =	vst v63  }
0x102: {  	s18 =	rddreg [dreg:$0xc]  }
0x103: {  	[hbm4b:s18+s23] =	stream.strided.scatter [tilespmem:s9], [sflag:$0x4], $0x1000, s21, s23, $0x38;
	[tilespmem:$0xF280] =	vst v63  }
0x104: {  	_ =	swait.ge [sflag:s10], $0x1000  }
0x105: {  	[sflag:s10] =	ssyncset.done $0x0  }
0x106: {  	[sflag:s10] =	ssyncadd.s32 $0xFFFFF000  }
0x107: {  	_ =	swait.ge [sflag:s10], $0x1000  }
0x108: {  	[sflag:s10] =	ssyncset.done $0x0  }
0x109: {  	[sflag:s10] =	ssyncadd.s32 $0xFFFFF000  }
0x10a: {  	_ =	swait.ge [sflag:s10], $0x1000  }
0x10b: {  	[sflag:s10] =	ssyncset.done $0x0  }
0x10c: {  	s13 =	simm.s32 $0x87;
	s12 =	simm.s32 $0x83;
	[sflag:s10] =	ssyncadd.s32 $0xFFFFF000  }
.LBB2_4:
0x10d: {  	_ =	swait.ge [sflag:s5], $0x1000  }
0x10e: {  	[sflag:s5] =	ssyncset.done $0x0  }
0x10f: {  	[sflag:s5] =	ssyncadd.s32 $0xFFFFF000  }
0x110: {  	_ =	swait.ge [sflag:s6], $0x1000  }
0x111: {  	[sflag:s6] =	ssyncset.done $0x0  }
0x112: {  	[sflag:s6] =	ssyncadd.s32 $0xFFFFF000  }
0x113: {  	v10 =	vld [tilespmem:s13+$0xFFFFFFF9];
	_ =	sdelay $0x4  }
0x114: {  	(v2sf) =	vpush v10, $0x0;
	_ =	sdelay $0xe  }
0x115: {  	s14 =	spop (v2sf)  }
0x116: {  	s14 =	sand.u32 $0x7F, s14  }
0x117: {  	v10 =	vor.u32 s14, v0  }
0x118: {  	v11 =	vor.u32 s14, v1;
	_ =	sdelay $0x3  }
0x119: {  	v12 =	vld.idx.msk [tilespmem:v10+s28+$0x0], $0xffff  }
0x11a: {  	v13 =	vld.idx.msk [tilespmem:v11+s28+$0x0], $0xffff  }
0x11b: {  	s16 =	sadd.s32 $0xFFFFFF7D, s12  }
0x11c: {  	v14 =	vmov s16  }
0x11d: {  	v14 =	vand.u32 $0x7C, v14  }
0x11e: {  	v14 =	vbroadcast v14, $0x0;
	v15 =	vmul.f32 $5.000000000e-01, v12  }
0x11f: {  	v16 =	vmul.f32 $5.000000000e-01, v13  }
0x120: {  	v17 =	vor.u32 v4, v14;
	v15 =	vmul.f32 $1.442695020e+00, v15  }
0x121: {  	v16 =	vmul.f32 $1.442695020e+00, v16  }
0x122: {  	(erf) = vpow2.f32 v15  }
0x123: {  	v27 =	vor.u32 v5, v14;
	(erf) = vpow2.f32 v16;
	_ =	sdelay $0x1  }
0x124: {  	v28 =	vld.idx.msk [tilespmem:v17+s22+$0x0], $0xffff  }
0x125: {  	v10 =	vld.idx.msk [tilespmem:v10+s26+$0x0], $0xffff  }
0x126: {  	v29 =	vor.u32 v0, v14;
	v11 =	vld.idx.msk [tilespmem:v11+s26+$0x0], $0xffff  }
0x127: {  	v14 =	vor.u32 v1, v14;
	v15 =	vld.idx.msk [tilespmem:v27+s22+$0x0], $0xffff;
	_ =	sdelay $0x2  }
0x128: {  	v18 =	vpop (erf)  }
0x129: {  	[tilespmem:v29+s7+$0x0] =	vst.idx.msk $0xffff, v10;
	v16 =	vmul.f32 v18, v28;
	v30 =	vpop (erf)  }
0x12a: {  	[tilespmem:v14+s7+$0x0] =	vst.idx.msk $0xffff, v11;
	v15 =	vmul.f32 v30, v15  }
0x12b: {  	[tilespmem:v29+s8+$0x0] =	vst.idx.msk $0xffff, v12;
	v10 =	vadd.f32 v16, v10  }
0x12c: {  	[tilespmem:v14+s8+$0x0] =	vst.idx.msk $0xffff, v13;
	v11 =	vadd.f32 v15, v11  }
0x12d: {  	[tilespmem:v29+s9+$0x0] =	vst.idx.msk $0xffff, v10  }
0x12e: {  	[tilespmem:v14+s9+$0x0] =	vst.idx.msk $0xffff, v11  }
0x12f: {  	v10 =	vld [tilespmem:s13+$0xFFFFFFFD];
	_ =	sdelay $0x4  }
0x130: {  	(v2sf) =	vpush v10, $0x0;
	_ =	sdelay $0xe  }
0x131: {  	s17 =	spop (v2sf)  }
0x132: {  	s14 =	sand.u32 $0xFFFFF80, s17  }
0x133: {  	s15 =	sadd.s32 s0, s14  }
0x134: {  	[tilespmem:s26], [sflag:$0x1] =	stream.strided.gather [hbm4b:s15+s23], $0x1000, s25, s23, $0x38;
	[tilespmem:$0xF280] =	vst v63  }
0x135: {  	s14 =	sadd.s32 s1, s14  }
0x136: {  	[tilespmem:s28], [sflag:$0x2] =	stream.strided.gather [hbm4b:s14+s23], $0x1000, s25, s23, $0x38;
	[tilespmem:$0xF280] =	vst v63  }
0x137: {  	_ =	swait.ge [sflag:s5], $0x1000  }
0x138: {  	[sflag:s5] =	ssyncset.done $0x0  }
0x139: {  	[sflag:s5] =	ssyncadd.s32 $0xFFFFF000  }
0x13a: {  	_ =	swait.ge [sflag:s6], $0x1000  }
0x13b: {  	[sflag:s6] =	ssyncset.done $0x0  }
0x13c: {  	[sflag:s6] =	ssyncadd.s32 $0xFFFFF000  }
0x13d: {  	v10 =	vld [tilespmem:s13+$0xFFFFFFFA];
	_ =	sdelay $0x4  }
0x13e: {  	(v2sf) =	vpush v10, $0x0;
	_ =	sdelay $0xe  }
0x13f: {  	s18 =	spop (v2sf)  }
0x140: {  	s14 =	sand.u32 $0x7F, s18  }
0x141: {  	v10 =	vor.u32 s14, v0  }
0x142: {  	v11 =	vor.u32 s14, v1;
	_ =	sdelay $0x3  }
0x143: {  	v31 =	vld.idx.msk [tilespmem:v10+s30+$0x0], $0xffff  }
0x144: {  	v32 =	vld.idx.msk [tilespmem:v11+s30+$0x0], $0xffff  }
0x145: {  	s15 =	sadd.s32 $0xFFFFFFFE, s12  }
0x146: {  	v33 =	vmov s15  }
0x147: {  	v14 =	vand.u32 $0x7D, v33  }
0x148: {  	v14 =	vbroadcast v14, $0x0;
	v34 =	vmul.f32 $5.000000000e-01, v31  }
0x149: {  	v35 =	vmul.f32 $5.000000000e-01, v32  }
0x14a: {  	v36 =	vor.u32 v4, v14;
	v15 =	vmul.f32 $1.442695020e+00, v34  }
0x14b: {  	v14 =	vor.u32 v5, v14;
	v16 =	vmul.f32 $1.442695020e+00, v35  }
0x14c: {  	s16 =	sadd.s32 $0xFFFFFF7E, s12;
	(erf) = vpow2.f32 v15  }
0x14d: {  	v37 =	vmov s16;
	(erf) = vpow2.f32 v16  }
0x14e: {  	v15 =	vand.u32 $0x7D, v37  }
0x14f: {  	v38 =	vld.idx.msk [tilespmem:v36+s22+$0x0], $0xffff;
	v15 =	vbroadcast v15, $0x0  }
0x150: {  	v14 =	vld.idx.msk [tilespmem:v14+s22+$0x0], $0xffff  }
0x151: {  	v10 =	vld.idx.msk [tilespmem:v10+s29+$0x0], $0xffff;
	v39 =	vor.u32 v0, v15  }
0x152: {  	v11 =	vld.idx.msk [tilespmem:v11+s29+$0x0], $0xffff;
	v15 =	vor.u32 v1, v15;
	_ =	sdelay $0x2  }
0x153: {  	v40 =	vpop (erf)  }
0x154: {  	[tilespmem:v39+s7+$0x0] =	vst.idx.msk $0xffff, v10;
	v16 =	vmul.f32 v40, v38;
	v41 =	vpop (erf)  }
0x155: {  	[tilespmem:v15+s7+$0x0] =	vst.idx.msk $0xffff, v11;
	v14 =	vmul.f32 v41, v14  }
0x156: {  	[tilespmem:v39+s8+$0x0] =	vst.idx.msk $0xffff, v31;
	v10 =	vadd.f32 v16, v10  }
0x157: {  	[tilespmem:v15+s8+$0x0] =	vst.idx.msk $0xffff, v32;
	v11 =	vadd.f32 v14, v11  }
0x158: {  	[tilespmem:v39+s9+$0x0] =	vst.idx.msk $0xffff, v10  }
0x159: {  	[tilespmem:v15+s9+$0x0] =	vst.idx.msk $0xffff, v11  }
0x15a: {  	v10 =	vld [tilespmem:s13+$0xFFFFFFFE];
	_ =	sdelay $0x4  }
0x15b: {  	(v2sf) =	vpush v10, $0x0;
	_ =	sdelay $0xe  }
0x15c: {  	s17 =	spop (v2sf)  }
0x15d: {  	s14 =	sand.u32 $0xFFFFF80, s17  }
0x15e: {  	s18 =	sadd.s32 s0, s14  }
0x15f: {  	[tilespmem:s29], [sflag:$0x1] =	stream.strided.gather [hbm4b:s18+s23], $0x1000, s25, s23, $0x38;
	[tilespmem:$0xF280] =	vst v63  }
0x160: {  	s14 =	sadd.s32 s1, s14  }
0x161: {  	[tilespmem:s30], [sflag:$0x2] =	stream.strided.gather [hbm4b:s14+s23], $0x1000, s25, s23, $0x38;
	[tilespmem:$0xF280] =	vst v63  }
0x162: {  	_ =	swait.ge [sflag:s5], $0x1000  }
0x163: {  	[sflag:s5] =	ssyncset.done $0x0  }
0x164: {  	[sflag:s5] =	ssyncadd.s32 $0xFFFFF000  }
0x165: {  	_ =	swait.ge [sflag:s6], $0x1000  }
0x166: {  	[sflag:s6] =	ssyncset.done $0x0  }
0x167: {  	[sflag:s6] =	ssyncadd.s32 $0xFFFFF000  }
0x168: {  	v10 =	vld [tilespmem:s13+$0xFFFFFFFB];
	_ =	sdelay $0x4  }
0x169: {  	(v2sf) =	vpush v10, $0x0;
	_ =	sdelay $0xe  }
0x16a: {  	s15 =	spop (v2sf)  }
0x16b: {  	s14 =	sand.u32 $0x7F, s15  }
0x16c: {  	v10 =	vor.u32 s14, v0  }
0x16d: {  	v11 =	vor.u32 s14, v1;
	_ =	sdelay $0x3  }
0x16e: {  	v42 =	vld.idx.msk [tilespmem:v10+s3+$0x0], $0xffff  }
0x16f: {  	v43 =	vld.idx.msk [tilespmem:v11+s3+$0x0], $0xffff  }
0x170: {  	s16 =	sadd.s32 $0xFFFFFFFF, s12  }
0x171: {  	v44 =	vmov s16  }
0x172: {  	v14 =	vand.u32 $0x7E, v44  }
0x173: {  	v14 =	vbroadcast v14, $0x0;
	v45 =	vmul.f32 $5.000000000e-01, v42  }
0x174: {  	v46 =	vmul.f32 $5.000000000e-01, v43  }
0x175: {  	v47 =	vor.u32 v4, v14;
	v15 =	vmul.f32 $1.442695020e+00, v45  }
0x176: {  	v16 =	vmul.f32 $1.442695020e+00, v46  }
0x177: {  	(erf) = vpow2.f32 v15  }
0x178: {  	v48 =	vor.u32 v5, v14;
	(erf) = vpow2.f32 v16;
	_ =	sdelay $0x1  }
0x179: {  	v49 =	vld.idx.msk [tilespmem:v47+s22+$0x0], $0xffff  }
0x17a: {  	v10 =	vld.idx.msk [tilespmem:v10+s31+$0x0], $0xffff  }
0x17b: {  	v50 =	vor.u32 v0, v14;
	v11 =	vld.idx.msk [tilespmem:v11+s31+$0x0], $0xffff  }
0x17c: {  	v14 =	vor.u32 v1, v14;
	v15 =	vld.idx.msk [tilespmem:v48+s22+$0x0], $0xffff;
	_ =	sdelay $0x2  }
0x17d: {  	v51 =	vpop (erf)  }
0x17e: {  	[tilespmem:v50+s7+$0x0] =	vst.idx.msk $0xffff, v10;
	v16 =	vmul.f32 v51, v49;
	v52 =	vpop (erf)  }
0x17f: {  	[tilespmem:v14+s7+$0x0] =	vst.idx.msk $0xffff, v11;
	v15 =	vmul.f32 v52, v15  }
0x180: {  	[tilespmem:v50+s8+$0x0] =	vst.idx.msk $0xffff, v42;
	v10 =	vadd.f32 v16, v10  }
0x181: {  	[tilespmem:v14+s8+$0x0] =	vst.idx.msk $0xffff, v43;
	v11 =	vadd.f32 v15, v11  }
0x182: {  	[tilespmem:v50+s9+$0x0] =	vst.idx.msk $0xffff, v10  }
0x183: {  	[tilespmem:v14+s9+$0x0] =	vst.idx.msk $0xffff, v11  }
0x184: {  	v10 =	vld [tilespmem:s13+$0xFFFFFFFF];
	_ =	sdelay $0x4  }
0x185: {  	(v2sf) =	vpush v10, $0x0;
	_ =	sdelay $0xe  }
0x186: {  	s17 =	spop (v2sf)  }
0x187: {  	s14 =	sand.u32 $0xFFFFF80, s17  }
0x188: {  	s18 =	sadd.s32 s0, s14  }
0x189: {  	[tilespmem:s31], [sflag:$0x1] =	stream.strided.gather [hbm4b:s18+s23], $0x1000, s25, s23, $0x38;
	[tilespmem:$0xF280] =	vst v63  }
0x18a: {  	s14 =	sadd.s32 s1, s14  }
0x18b: {  	[tilespmem:s3], [sflag:$0x2] =	stream.strided.gather [hbm4b:s14+s23], $0x1000, s25, s23, $0x38;
	[tilespmem:$0xF280] =	vst v63  }
0x18c: {  	_ =	swait.ge [sflag:s5], $0x1000  }
0x18d: {  	[sflag:s5] =	ssyncset.done $0x0  }
0x18e: {  	[sflag:s5] =	ssyncadd.s32 $0xFFFFF000  }
0x18f: {  	_ =	swait.ge [sflag:s6], $0x1000  }
0x190: {  	[sflag:s6] =	ssyncset.done $0x0  }
0x191: {  	[sflag:s6] =	ssyncadd.s32 $0xFFFFF000  }
0x192: {  	v10 =	vld [tilespmem:s13+$0xFFFFFFFC];
	_ =	sdelay $0x4  }
0x193: {  	(v2sf) =	vpush v10, $0x0;
	_ =	sdelay $0xe  }
0x194: {  	s15 =	spop (v2sf)  }
0x195: {  	s14 =	sand.u32 $0x7F, s15  }
0x196: {  	v10 =	vor.u32 s14, v0  }
0x197: {  	v11 =	vor.u32 s14, v1;
	_ =	sdelay $0x3  }
0x198: {  	v53 =	vld.idx.msk [tilespmem:v10+s4+$0x0], $0xffff  }
0x199: {  	v54 =	vld.idx.msk [tilespmem:v11+s4+$0x0], $0xffff;
	_ =	sdelay $0x1  }
0x19a: {  	v55 =	vmov s12  }
0x19b: {  	v14 =	vand.u32 $0x7F, v55  }
0x19c: {  	v14 =	vbroadcast v14, $0x0;
	v56 =	vmul.f32 $5.000000000e-01, v53  }
0x19d: {  	v57 =	vmul.f32 $5.000000000e-01, v54  }
0x19e: {  	v58 =	vor.u32 v4, v14;
	v15 =	vmul.f32 $1.442695020e+00, v56  }
0x19f: {  	v14 =	vor.u32 v5, v14;
	v16 =	vmul.f32 $1.442695020e+00, v57  }
0x1a0: {  	s16 =	sadd.s32 $0xFFFFFF80, s12;
	(erf) = vpow2.f32 v15  }
0x1a1: {  	v59 =	vmov s16;
	(erf) = vpow2.f32 v16  }
0x1a2: {  	v15 =	vand.u32 $0x7F, v59  }
0x1a3: {  	v60 =	vld.idx.msk [tilespmem:v58+s22+$0x0], $0xffff;
	v15 =	vbroadcast v15, $0x0  }
0x1a4: {  	v14 =	vld.idx.msk [tilespmem:v14+s22+$0x0], $0xffff  }
0x1a5: {  	v10 =	vld.idx.msk [tilespmem:v10+s2+$0x0], $0xffff;
	v61 =	vor.u32 v0, v15  }
0x1a6: {  	v11 =	vld.idx.msk [tilespmem:v11+s2+$0x0], $0xffff;
	v15 =	vor.u32 v1, v15;
	_ =	sdelay $0x2  }
0x1a7: {  	v62 =	vpop (erf)  }
0x1a8: {  	[tilespmem:v61+s7+$0x0] =	vst.idx.msk $0xffff, v10;
	v16 =	vmul.f32 v62, v60;
	v63 =	vpop (erf)  }
0x1a9: {  	[tilespmem:v15+s7+$0x0] =	vst.idx.msk $0xffff, v11;
	v14 =	vmul.f32 v63, v14  }
0x1aa: {  	[tilespmem:v61+s8+$0x0] =	vst.idx.msk $0xffff, v53;
	v10 =	vadd.f32 v16, v10  }
0x1ab: {  	[tilespmem:v15+s8+$0x0] =	vst.idx.msk $0xffff, v54;
	v11 =	vadd.f32 v14, v11  }
0x1ac: {  	[tilespmem:v61+s9+$0x0] =	vst.idx.msk $0xffff, v10  }
0x1ad: {  	[tilespmem:v15+s9+$0x0] =	vst.idx.msk $0xffff, v11  }
0x1ae: {  	v10 =	vld [tilespmem:s13+$0x0];
	_ =	sdelay $0x4  }
0x1af: {  	(v2sf) =	vpush v10, $0x0;
	_ =	sdelay $0xe  }
0x1b0: {  	p0 =	sne.s32 s12, $0xFF;
	s17 =	spop (v2sf)  }
.Ltmp3:
0x1b1: {  	s14 =	sand.u32 $0xFFFFF80, s17;
	(pc) =	sbr.rel @p0 .LBB2_4-.Ltmp3, $4  }
0x1b2: {  	s18 =	sadd.s32 s0, s14  }
0x1b3: {  	[tilespmem:s2], [sflag:$0x1] =	stream.strided.gather [hbm4b:s18+s23], $0x1000, s25, s23, $0x38;
	[tilespmem:$0xF280] =	vst v63  }
0x1b4: {  	s12 =	sadd.s32 $0x4, s12;
	s13 =	sadd.s32 $0x4, s13;
	s14 =	sadd.s32 s1, s14  }
0x1b5: {  	[tilespmem:s4], [sflag:$0x2] =	stream.strided.gather [hbm4b:s14+s23], $0x1000, s25, s23, $0x38;
	[tilespmem:$0xF280] =	vst v63  }
0x1b6: {  	s12 =	rddreg [dreg:$0xd]  }
0x1b7: {  	[hbm4b:s12+s23] =	stream.strided.scatter [tilespmem:s7], [sflag:$0x4], $0x1000, s21, s23, $0x38;
	[tilespmem:$0xF280] =	vst v63  }
0x1b8: {  	s17 =	rddreg [dreg:$0xe]  }
0x1b9: {  	[hbm4b:s17+s23] =	stream.strided.scatter [tilespmem:s8], [sflag:$0x4], $0x1000, s21, s23, $0x38;
	[tilespmem:$0xF280] =	vst v63  }
0x1ba: {  	s18 =	rddreg [dreg:$0xf]  }
0x1bb: {  	[hbm4b:s18+s23] =	stream.strided.scatter [tilespmem:s9], [sflag:$0x4], $0x1000, s21, s23, $0x38;
	[tilespmem:$0xF280] =	vst v63  }
0x1bc: {  	_ =	swait.ge [sflag:s10], $0x1000  }
0x1bd: {  	[sflag:s10] =	ssyncset.done $0x0  }
0x1be: {  	[sflag:s10] =	ssyncadd.s32 $0xFFFFF000  }
0x1bf: {  	_ =	swait.ge [sflag:s10], $0x1000  }
0x1c0: {  	[sflag:s10] =	ssyncset.done $0x0  }
0x1c1: {  	[sflag:s10] =	ssyncadd.s32 $0xFFFFF000  }
0x1c2: {  	_ =	swait.ge [sflag:s10], $0x1000  }
0x1c3: {  	[sflag:s10] =	ssyncset.done $0x0  }
0x1c4: {  	s13 =	simm.s32 $0x107;
	s12 =	simm.s32 $0x103;
	[sflag:s10] =	ssyncadd.s32 $0xFFFFF000  }
.LBB2_6:
0x1c5: {  	_ =	swait.ge [sflag:s5], $0x1000  }
0x1c6: {  	[sflag:s5] =	ssyncset.done $0x0  }
0x1c7: {  	[sflag:s5] =	ssyncadd.s32 $0xFFFFF000  }
0x1c8: {  	_ =	swait.ge [sflag:s6], $0x1000  }
0x1c9: {  	[sflag:s6] =	ssyncset.done $0x0  }
0x1ca: {  	[sflag:s6] =	ssyncadd.s32 $0xFFFFF000  }
0x1cb: {  	v10 =	vld [tilespmem:s13+$0xFFFFFFF9];
	_ =	sdelay $0x4  }
0x1cc: {  	(v2sf) =	vpush v10, $0x0;
	_ =	sdelay $0xe  }
0x1cd: {  	s14 =	spop (v2sf)  }
0x1ce: {  	s14 =	sand.u32 $0x7F, s14  }
0x1cf: {  	v10 =	vor.u32 s14, v0  }
0x1d0: {  	v11 =	vor.u32 s14, v1;
	_ =	sdelay $0x3  }
0x1d1: {  	v12 =	vld.idx.msk [tilespmem:v10+s28+$0x0], $0xffff  }
0x1d2: {  	v13 =	vld.idx.msk [tilespmem:v11+s28+$0x0], $0xffff  }
0x1d3: {  	s16 =	sadd.s32 $0xFFFFFEFD, s12  }
0x1d4: {  	v14 =	vmov s16  }
0x1d5: {  	v14 =	vand.u32 $0x7C, v14  }
0x1d6: {  	v14 =	vbroadcast v14, $0x0;
	v15 =	vmul.f32 $5.000000000e-01, v12  }
0x1d7: {  	v16 =	vmul.f32 $5.000000000e-01, v13  }
0x1d8: {  	v17 =	vor.u32 v6, v14;
	v15 =	vmul.f32 $1.442695020e+00, v15  }
0x1d9: {  	v16 =	vmul.f32 $1.442695020e+00, v16  }
0x1da: {  	(erf) = vpow2.f32 v15  }
0x1db: {  	v27 =	vor.u32 v7, v14;
	(erf) = vpow2.f32 v16;
	_ =	sdelay $0x1  }
0x1dc: {  	v28 =	vld.idx.msk [tilespmem:v17+s22+$0x0], $0xffff  }
0x1dd: {  	v10 =	vld.idx.msk [tilespmem:v10+s26+$0x0], $0xffff  }
0x1de: {  	v29 =	vor.u32 v0, v14;
	v11 =	vld.idx.msk [tilespmem:v11+s26+$0x0], $0xffff  }
0x1df: {  	v14 =	vor.u32 v1, v14;
	v15 =	vld.idx.msk [tilespmem:v27+s22+$0x0], $0xffff;
	_ =	sdelay $0x2  }
0x1e0: {  	v18 =	vpop (erf)  }
0x1e1: {  	[tilespmem:v29+s7+$0x0] =	vst.idx.msk $0xffff, v10;
	v16 =	vmul.f32 v18, v28;
	v30 =	vpop (erf)  }
0x1e2: {  	[tilespmem:v14+s7+$0x0] =	vst.idx.msk $0xffff, v11;
	v15 =	vmul.f32 v30, v15  }
0x1e3: {  	[tilespmem:v29+s8+$0x0] =	vst.idx.msk $0xffff, v12;
	v10 =	vadd.f32 v16, v10  }
0x1e4: {  	[tilespmem:v14+s8+$0x0] =	vst.idx.msk $0xffff, v13;
	v11 =	vadd.f32 v15, v11  }
0x1e5: {  	[tilespmem:v29+s9+$0x0] =	vst.idx.msk $0xffff, v10  }
0x1e6: {  	[tilespmem:v14+s9+$0x0] =	vst.idx.msk $0xffff, v11  }
0x1e7: {  	v10 =	vld [tilespmem:s13+$0xFFFFFFFD];
	_ =	sdelay $0x4  }
0x1e8: {  	(v2sf) =	vpush v10, $0x0;
	_ =	sdelay $0xe  }
0x1e9: {  	s17 =	spop (v2sf)  }
0x1ea: {  	s14 =	sand.u32 $0xFFFFF80, s17  }
0x1eb: {  	s15 =	sadd.s32 s0, s14  }
0x1ec: {  	[tilespmem:s26], [sflag:$0x1] =	stream.strided.gather [hbm4b:s15+s23], $0x1000, s25, s23, $0x38;
	[tilespmem:$0xF280] =	vst v63  }
0x1ed: {  	s14 =	sadd.s32 s1, s14  }
0x1ee: {  	[tilespmem:s28], [sflag:$0x2] =	stream.strided.gather [hbm4b:s14+s23], $0x1000, s25, s23, $0x38;
	[tilespmem:$0xF280] =	vst v63  }
0x1ef: {  	_ =	swait.ge [sflag:s5], $0x1000  }
0x1f0: {  	[sflag:s5] =	ssyncset.done $0x0  }
0x1f1: {  	[sflag:s5] =	ssyncadd.s32 $0xFFFFF000  }
0x1f2: {  	_ =	swait.ge [sflag:s6], $0x1000  }
0x1f3: {  	[sflag:s6] =	ssyncset.done $0x0  }
0x1f4: {  	[sflag:s6] =	ssyncadd.s32 $0xFFFFF000  }
0x1f5: {  	v10 =	vld [tilespmem:s13+$0xFFFFFFFA];
	_ =	sdelay $0x4  }
0x1f6: {  	(v2sf) =	vpush v10, $0x0;
	_ =	sdelay $0xe  }
0x1f7: {  	s18 =	spop (v2sf)  }
0x1f8: {  	s14 =	sand.u32 $0x7F, s18  }
0x1f9: {  	v10 =	vor.u32 s14, v0  }
0x1fa: {  	v11 =	vor.u32 s14, v1;
	_ =	sdelay $0x3  }
0x1fb: {  	v31 =	vld.idx.msk [tilespmem:v10+s30+$0x0], $0xffff  }
0x1fc: {  	v32 =	vld.idx.msk [tilespmem:v11+s30+$0x0], $0xffff  }
0x1fd: {  	s15 =	sadd.s32 $0xFFFFFFFE, s12  }
0x1fe: {  	v33 =	vmov s15  }
0x1ff: {  	v14 =	vand.u32 $0x7D, v33  }
0x200: {  	v14 =	vbroadcast v14, $0x0;
	v34 =	vmul.f32 $5.000000000e-01, v31  }
0x201: {  	v35 =	vmul.f32 $5.000000000e-01, v32  }
0x202: {  	v36 =	vor.u32 v6, v14;
	v15 =	vmul.f32 $1.442695020e+00, v34  }
0x203: {  	v14 =	vor.u32 v7, v14;
	v16 =	vmul.f32 $1.442695020e+00, v35  }
0x204: {  	s16 =	sadd.s32 $0xFFFFFEFE, s12;
	(erf) = vpow2.f32 v15  }
0x205: {  	v37 =	vmov s16;
	(erf) = vpow2.f32 v16  }
0x206: {  	v15 =	vand.u32 $0x7D, v37  }
0x207: {  	v38 =	vld.idx.msk [tilespmem:v36+s22+$0x0], $0xffff;
	v15 =	vbroadcast v15, $0x0  }
0x208: {  	v14 =	vld.idx.msk [tilespmem:v14+s22+$0x0], $0xffff  }
0x209: {  	v10 =	vld.idx.msk [tilespmem:v10+s29+$0x0], $0xffff;
	v39 =	vor.u32 v0, v15  }
0x20a: {  	v11 =	vld.idx.msk [tilespmem:v11+s29+$0x0], $0xffff;
	v15 =	vor.u32 v1, v15;
	_ =	sdelay $0x2  }
0x20b: {  	v40 =	vpop (erf)  }
0x20c: {  	[tilespmem:v39+s7+$0x0] =	vst.idx.msk $0xffff, v10;
	v16 =	vmul.f32 v40, v38;
	v41 =	vpop (erf)  }
0x20d: {  	[tilespmem:v15+s7+$0x0] =	vst.idx.msk $0xffff, v11;
	v14 =	vmul.f32 v41, v14  }
0x20e: {  	[tilespmem:v39+s8+$0x0] =	vst.idx.msk $0xffff, v31;
	v10 =	vadd.f32 v16, v10  }
0x20f: {  	[tilespmem:v15+s8+$0x0] =	vst.idx.msk $0xffff, v32;
	v11 =	vadd.f32 v14, v11  }
0x210: {  	[tilespmem:v39+s9+$0x0] =	vst.idx.msk $0xffff, v10  }
0x211: {  	[tilespmem:v15+s9+$0x0] =	vst.idx.msk $0xffff, v11  }
0x212: {  	v10 =	vld [tilespmem:s13+$0xFFFFFFFE];
	_ =	sdelay $0x4  }
0x213: {  	(v2sf) =	vpush v10, $0x0;
	_ =	sdelay $0xe  }
0x214: {  	s17 =	spop (v2sf)  }
0x215: {  	s14 =	sand.u32 $0xFFFFF80, s17  }
0x216: {  	s18 =	sadd.s32 s0, s14  }
0x217: {  	[tilespmem:s29], [sflag:$0x1] =	stream.strided.gather [hbm4b:s18+s23], $0x1000, s25, s23, $0x38;
	[tilespmem:$0xF280] =	vst v63  }
0x218: {  	s14 =	sadd.s32 s1, s14  }
0x219: {  	[tilespmem:s30], [sflag:$0x2] =	stream.strided.gather [hbm4b:s14+s23], $0x1000, s25, s23, $0x38;
	[tilespmem:$0xF280] =	vst v63  }
0x21a: {  	_ =	swait.ge [sflag:s5], $0x1000  }
0x21b: {  	[sflag:s5] =	ssyncset.done $0x0  }
0x21c: {  	[sflag:s5] =	ssyncadd.s32 $0xFFFFF000  }
0x21d: {  	_ =	swait.ge [sflag:s6], $0x1000  }
0x21e: {  	[sflag:s6] =	ssyncset.done $0x0  }
0x21f: {  	[sflag:s6] =	ssyncadd.s32 $0xFFFFF000  }
0x220: {  	v10 =	vld [tilespmem:s13+$0xFFFFFFFB];
	_ =	sdelay $0x4  }
0x221: {  	(v2sf) =	vpush v10, $0x0;
	_ =	sdelay $0xe  }
0x222: {  	s15 =	spop (v2sf)  }
0x223: {  	s14 =	sand.u32 $0x7F, s15  }
0x224: {  	v10 =	vor.u32 s14, v0  }
0x225: {  	v11 =	vor.u32 s14, v1;
	_ =	sdelay $0x3  }
0x226: {  	v42 =	vld.idx.msk [tilespmem:v10+s3+$0x0], $0xffff  }
0x227: {  	v43 =	vld.idx.msk [tilespmem:v11+s3+$0x0], $0xffff  }
0x228: {  	s16 =	sadd.s32 $0xFFFFFFFF, s12  }
0x229: {  	v44 =	vmov s16  }
0x22a: {  	v14 =	vand.u32 $0x7E, v44  }
0x22b: {  	v14 =	vbroadcast v14, $0x0;
	v45 =	vmul.f32 $5.000000000e-01, v42  }
0x22c: {  	v46 =	vmul.f32 $5.000000000e-01, v43  }
0x22d: {  	v47 =	vor.u32 v6, v14;
	v15 =	vmul.f32 $1.442695020e+00, v45  }
0x22e: {  	v16 =	vmul.f32 $1.442695020e+00, v46  }
0x22f: {  	(erf) = vpow2.f32 v15  }
0x230: {  	v48 =	vor.u32 v7, v14;
	(erf) = vpow2.f32 v16;
	_ =	sdelay $0x1  }
0x231: {  	v49 =	vld.idx.msk [tilespmem:v47+s22+$0x0], $0xffff  }
0x232: {  	v10 =	vld.idx.msk [tilespmem:v10+s31+$0x0], $0xffff  }
0x233: {  	v50 =	vor.u32 v0, v14;
	v11 =	vld.idx.msk [tilespmem:v11+s31+$0x0], $0xffff  }
0x234: {  	v14 =	vor.u32 v1, v14;
	v15 =	vld.idx.msk [tilespmem:v48+s22+$0x0], $0xffff;
	_ =	sdelay $0x2  }
0x235: {  	v51 =	vpop (erf)  }
0x236: {  	[tilespmem:v50+s7+$0x0] =	vst.idx.msk $0xffff, v10;
	v16 =	vmul.f32 v51, v49;
	v52 =	vpop (erf)  }
0x237: {  	[tilespmem:v14+s7+$0x0] =	vst.idx.msk $0xffff, v11;
	v15 =	vmul.f32 v52, v15  }
0x238: {  	[tilespmem:v50+s8+$0x0] =	vst.idx.msk $0xffff, v42;
	v10 =	vadd.f32 v16, v10  }
0x239: {  	[tilespmem:v14+s8+$0x0] =	vst.idx.msk $0xffff, v43;
	v11 =	vadd.f32 v15, v11  }
0x23a: {  	[tilespmem:v50+s9+$0x0] =	vst.idx.msk $0xffff, v10  }
0x23b: {  	[tilespmem:v14+s9+$0x0] =	vst.idx.msk $0xffff, v11  }
0x23c: {  	v10 =	vld [tilespmem:s13+$0xFFFFFFFF];
	_ =	sdelay $0x4  }
0x23d: {  	(v2sf) =	vpush v10, $0x0;
	_ =	sdelay $0xe  }
0x23e: {  	s17 =	spop (v2sf)  }
0x23f: {  	s14 =	sand.u32 $0xFFFFF80, s17  }
0x240: {  	s18 =	sadd.s32 s0, s14  }
0x241: {  	[tilespmem:s31], [sflag:$0x1] =	stream.strided.gather [hbm4b:s18+s23], $0x1000, s25, s23, $0x38;
	[tilespmem:$0xF280] =	vst v63  }
0x242: {  	s14 =	sadd.s32 s1, s14  }
0x243: {  	[tilespmem:s3], [sflag:$0x2] =	stream.strided.gather [hbm4b:s14+s23], $0x1000, s25, s23, $0x38;
	[tilespmem:$0xF280] =	vst v63  }
0x244: {  	_ =	swait.ge [sflag:s5], $0x1000  }
0x245: {  	[sflag:s5] =	ssyncset.done $0x0  }
0x246: {  	[sflag:s5] =	ssyncadd.s32 $0xFFFFF000  }
0x247: {  	_ =	swait.ge [sflag:s6], $0x1000  }
0x248: {  	[sflag:s6] =	ssyncset.done $0x0  }
0x249: {  	[sflag:s6] =	ssyncadd.s32 $0xFFFFF000  }
0x24a: {  	v10 =	vld [tilespmem:s13+$0xFFFFFFFC];
	_ =	sdelay $0x4  }
0x24b: {  	(v2sf) =	vpush v10, $0x0;
	_ =	sdelay $0xe  }
0x24c: {  	s15 =	spop (v2sf)  }
0x24d: {  	s14 =	sand.u32 $0x7F, s15  }
0x24e: {  	v10 =	vor.u32 s14, v0  }
0x24f: {  	v11 =	vor.u32 s14, v1;
	_ =	sdelay $0x3  }
0x250: {  	v53 =	vld.idx.msk [tilespmem:v10+s4+$0x0], $0xffff  }
0x251: {  	v54 =	vld.idx.msk [tilespmem:v11+s4+$0x0], $0xffff;
	_ =	sdelay $0x1  }
0x252: {  	v55 =	vmov s12  }
0x253: {  	v14 =	vand.u32 $0x7F, v55  }
0x254: {  	v14 =	vbroadcast v14, $0x0;
	v56 =	vmul.f32 $5.000000000e-01, v53  }
0x255: {  	v57 =	vmul.f32 $5.000000000e-01, v54  }
0x256: {  	v58 =	vor.u32 v6, v14;
	v15 =	vmul.f32 $1.442695020e+00, v56  }
0x257: {  	v14 =	vor.u32 v7, v14;
	v16 =	vmul.f32 $1.442695020e+00, v57  }
0x258: {  	s16 =	sadd.s32 $0xFFFFFF00, s12;
	(erf) = vpow2.f32 v15  }
0x259: {  	v59 =	vmov s16;
	(erf) = vpow2.f32 v16  }
0x25a: {  	v15 =	vand.u32 $0x7F, v59  }
0x25b: {  	v60 =	vld.idx.msk [tilespmem:v58+s22+$0x0], $0xffff;
	v15 =	vbroadcast v15, $0x0  }
0x25c: {  	v14 =	vld.idx.msk [tilespmem:v14+s22+$0x0], $0xffff  }
0x25d: {  	v10 =	vld.idx.msk [tilespmem:v10+s2+$0x0], $0xffff;
	v61 =	vor.u32 v0, v15  }
0x25e: {  	v11 =	vld.idx.msk [tilespmem:v11+s2+$0x0], $0xffff;
	v15 =	vor.u32 v1, v15;
	_ =	sdelay $0x2  }
0x25f: {  	v62 =	vpop (erf)  }
0x260: {  	[tilespmem:v61+s7+$0x0] =	vst.idx.msk $0xffff, v10;
	v16 =	vmul.f32 v62, v60;
	v63 =	vpop (erf)  }
0x261: {  	[tilespmem:v15+s7+$0x0] =	vst.idx.msk $0xffff, v11;
	v14 =	vmul.f32 v63, v14  }
0x262: {  	[tilespmem:v61+s8+$0x0] =	vst.idx.msk $0xffff, v53;
	v10 =	vadd.f32 v16, v10  }
0x263: {  	[tilespmem:v15+s8+$0x0] =	vst.idx.msk $0xffff, v54;
	v11 =	vadd.f32 v14, v11  }
0x264: {  	[tilespmem:v61+s9+$0x0] =	vst.idx.msk $0xffff, v10  }
0x265: {  	[tilespmem:v15+s9+$0x0] =	vst.idx.msk $0xffff, v11  }
0x266: {  	v10 =	vld [tilespmem:s13+$0x0];
	_ =	sdelay $0x4  }
0x267: {  	(v2sf) =	vpush v10, $0x0;
	_ =	sdelay $0xe  }
0x268: {  	p0 =	sne.s32 s12, $0x17F;
	s17 =	spop (v2sf)  }
.Ltmp4:
0x269: {  	s14 =	sand.u32 $0xFFFFF80, s17;
	(pc) =	sbr.rel @p0 .LBB2_6-.Ltmp4, $4  }
0x26a: {  	s18 =	sadd.s32 s0, s14  }
0x26b: {  	[tilespmem:s2], [sflag:$0x1] =	stream.strided.gather [hbm4b:s18+s23], $0x1000, s25, s23, $0x38;
	[tilespmem:$0xF280] =	vst v63  }
0x26c: {  	s12 =	sadd.s32 $0x4, s12;
	s13 =	sadd.s32 $0x4, s13;
	s14 =	sadd.s32 s1, s14  }
0x26d: {  	[tilespmem:s4], [sflag:$0x2] =	stream.strided.gather [hbm4b:s14+s23], $0x1000, s25, s23, $0x38;
	[tilespmem:$0xF280] =	vst v63  }
0x26e: {  	s12 =	rddreg [dreg:$0x10]  }
0x26f: {  	[hbm4b:s12+s23] =	stream.strided.scatter [tilespmem:s7], [sflag:$0x4], $0x1000, s21, s23, $0x38;
	[tilespmem:$0xF280] =	vst v63  }
0x270: {  	s17 =	rddreg [dreg:$0x11]  }
0x271: {  	[hbm4b:s17+s23] =	stream.strided.scatter [tilespmem:s8], [sflag:$0x4], $0x1000, s21, s23, $0x38;
	[tilespmem:$0xF280] =	vst v63  }
0x272: {  	s18 =	rddreg [dreg:$0x12]  }
0x273: {  	[hbm4b:s18+s23] =	stream.strided.scatter [tilespmem:s9], [sflag:$0x4], $0x1000, s21, s23, $0x38;
	[tilespmem:$0xF280] =	vst v63  }
0x274: {  	_ =	swait.ge [sflag:s10], $0x1000  }
0x275: {  	[sflag:s10] =	ssyncset.done $0x0  }
0x276: {  	[sflag:s10] =	ssyncadd.s32 $0xFFFFF000  }
0x277: {  	_ =	swait.ge [sflag:s10], $0x1000  }
0x278: {  	[sflag:s10] =	ssyncset.done $0x0  }
0x279: {  	[sflag:s10] =	ssyncadd.s32 $0xFFFFF000  }
0x27a: {  	_ =	swait.ge [sflag:s10], $0x1000  }
0x27b: {  	[sflag:s10] =	ssyncset.done $0x0  }
0x27c: {  	s13 =	simm.s32 $0x187;
	s12 =	simm.s32 $0x183;
	[sflag:s10] =	ssyncadd.s32 $0xFFFFF000  }
.LBB2_8:
0x27d: {  	_ =	swait.ge [sflag:s5], $0x1000  }
0x27e: {  	[sflag:s5] =	ssyncset.done $0x0  }
0x27f: {  	[sflag:s5] =	ssyncadd.s32 $0xFFFFF000  }
0x280: {  	_ =	swait.ge [sflag:s6], $0x1000  }
0x281: {  	[sflag:s6] =	ssyncset.done $0x0  }
0x282: {  	[sflag:s6] =	ssyncadd.s32 $0xFFFFF000  }
0x283: {  	v10 =	vld [tilespmem:s13+$0xFFFFFFF9];
	_ =	sdelay $0x4  }
0x284: {  	(v2sf) =	vpush v10, $0x0;
	_ =	sdelay $0xe  }
0x285: {  	s14 =	spop (v2sf)  }
0x286: {  	s14 =	sand.u32 $0x7F, s14  }
0x287: {  	v10 =	vor.u32 s14, v0  }
0x288: {  	v11 =	vor.u32 s14, v1;
	_ =	sdelay $0x3  }
0x289: {  	v12 =	vld.idx.msk [tilespmem:v10+s28+$0x0], $0xffff  }
0x28a: {  	v13 =	vld.idx.msk [tilespmem:v11+s28+$0x0], $0xffff  }
0x28b: {  	s17 =	sadd.s32 $0xFFFFFE7D, s12  }
0x28c: {  	v14 =	vmov s17  }
0x28d: {  	v14 =	vand.u32 $0x7C, v14  }
0x28e: {  	v14 =	vbroadcast v14, $0x0;
	v15 =	vmul.f32 $5.000000000e-01, v12  }
0x28f: {  	v16 =	vmul.f32 $5.000000000e-01, v13  }
0x290: {  	v17 =	vor.u32 v8, v14;
	v15 =	vmul.f32 $1.442695020e+00, v15  }
0x291: {  	v16 =	vmul.f32 $1.442695020e+00, v16  }
0x292: {  	(erf) = vpow2.f32 v15  }
0x293: {  	v27 =	vor.u32 v9, v14;
	(erf) = vpow2.f32 v16;
	_ =	sdelay $0x1  }
0x294: {  	v28 =	vld.idx.msk [tilespmem:v17+s22+$0x0], $0xffff  }
0x295: {  	v10 =	vld.idx.msk [tilespmem:v10+s26+$0x0], $0xffff  }
0x296: {  	v29 =	vor.u32 v0, v14;
	v11 =	vld.idx.msk [tilespmem:v11+s26+$0x0], $0xffff  }
0x297: {  	v14 =	vor.u32 v1, v14;
	v15 =	vld.idx.msk [tilespmem:v27+s22+$0x0], $0xffff;
	_ =	sdelay $0x2  }
0x298: {  	v18 =	vpop (erf)  }
0x299: {  	[tilespmem:v29+s7+$0x0] =	vst.idx.msk $0xffff, v10;
	v16 =	vmul.f32 v18, v28;
	v30 =	vpop (erf)  }
0x29a: {  	[tilespmem:v14+s7+$0x0] =	vst.idx.msk $0xffff, v11;
	v15 =	vmul.f32 v30, v15  }
0x29b: {  	[tilespmem:v29+s8+$0x0] =	vst.idx.msk $0xffff, v12;
	v10 =	vadd.f32 v16, v10  }
0x29c: {  	[tilespmem:v14+s8+$0x0] =	vst.idx.msk $0xffff, v13;
	v11 =	vadd.f32 v15, v11  }
0x29d: {  	[tilespmem:v29+s9+$0x0] =	vst.idx.msk $0xffff, v10  }
0x29e: {  	p0 =	seq.s32 s12, $0x1FF;
	[tilespmem:v14+s9+$0x0] =	vst.idx.msk $0xffff, v11  }
0x29f: {  	v10 =	vld @!p0 [tilespmem:s13+$0xFFFFFFFD];
	_ =	sdelay $0x4  }
0x2a0: {  	(v2sf) =	vpush @!p0 v10, $0x0;
	_ =	sdelay $0xe  }
0x2a1: {  	s14 =	spop @!p0 (v2sf)  }
0x2a2: {  	s15 =	simm.s32 @!p0 $0x7A1400;
	s16 =	sand.u32 @!p0 $0xFFFFF80, s14  }
0x2a3: {  	s18 =	simm.s32 @!p0 $0x7280;
	s14 =	simm.s32 @!p0 $0x400;
	s17 =	sadd.s32 @!p0 s0, s16  }
0x2a4: {  	[tilespmem:s18], [sflag:$0x1] =	stream.strided.gather @!p0 [hbm4b:s17+s14], $0x1000, s15, s14, $0x38;
	[tilespmem:$0xF280] =	vst v63  }
0x2a5: {  	s16 =	sadd.s32 @!p0 s1, s16;
	s17 =	simm.s32 @!p0 $0xB280  }
0x2a6: {  	[tilespmem:s17], [sflag:$0x2] =	stream.strided.gather @!p0 [hbm4b:s16+s14], $0x1000, s15, s14, $0x38;
	[tilespmem:$0xF280] =	vst v63  }
0x2a7: {  	_ =	swait.ge [sflag:s5], $0x1000  }
0x2a8: {  	[sflag:s5] =	ssyncset.done $0x0  }
0x2a9: {  	[sflag:s5] =	ssyncadd.s32 $0xFFFFF000  }
0x2aa: {  	_ =	swait.ge [sflag:s6], $0x1000  }
0x2ab: {  	[sflag:s6] =	ssyncset.done $0x0  }
0x2ac: {  	[sflag:s6] =	ssyncadd.s32 $0xFFFFF000  }
0x2ad: {  	v10 =	vld [tilespmem:s13+$0xFFFFFFFA];
	_ =	sdelay $0x4  }
0x2ae: {  	(v2sf) =	vpush v10, $0x0;
	_ =	sdelay $0xe  }
0x2af: {  	s18 =	spop (v2sf)  }
0x2b0: {  	s16 =	sand.u32 $0x7F, s18  }
0x2b1: {  	v10 =	vor.u32 s16, v0  }
0x2b2: {  	v11 =	vor.u32 s16, v1;
	_ =	sdelay $0x3  }
0x2b3: {  	v31 =	vld.idx.msk [tilespmem:v10+s30+$0x0], $0xffff  }
0x2b4: {  	v32 =	vld.idx.msk [tilespmem:v11+s30+$0x0], $0xffff  }
0x2b5: {  	s17 =	sadd.s32 $0xFFFFFFFE, s12  }
0x2b6: {  	v33 =	vmov s17  }
0x2b7: {  	v14 =	vand.u32 $0x7D, v33  }
0x2b8: {  	v14 =	vbroadcast v14, $0x0;
	v34 =	vmul.f32 $5.000000000e-01, v31  }
0x2b9: {  	v35 =	vmul.f32 $5.000000000e-01, v32  }
0x2ba: {  	v36 =	vor.u32 v8, v14;
	v15 =	vmul.f32 $1.442695020e+00, v34  }
0x2bb: {  	v14 =	vor.u32 v9, v14;
	v16 =	vmul.f32 $1.442695020e+00, v35  }
0x2bc: {  	s18 =	sadd.s32 $0xFFFFFE7E, s12;
	(erf) = vpow2.f32 v15  }
0x2bd: {  	v37 =	vmov s18;
	(erf) = vpow2.f32 v16  }
0x2be: {  	v15 =	vand.u32 $0x7D, v37  }
0x2bf: {  	v38 =	vld.idx.msk [tilespmem:v36+s22+$0x0], $0xffff;
	v15 =	vbroadcast v15, $0x0  }
0x2c0: {  	v14 =	vld.idx.msk [tilespmem:v14+s22+$0x0], $0xffff  }
0x2c1: {  	v10 =	vld.idx.msk [tilespmem:v10+s29+$0x0], $0xffff;
	v39 =	vor.u32 v0, v15  }
0x2c2: {  	v11 =	vld.idx.msk [tilespmem:v11+s29+$0x0], $0xffff;
	v15 =	vor.u32 v1, v15;
	_ =	sdelay $0x2  }
0x2c3: {  	v40 =	vpop (erf)  }
0x2c4: {  	[tilespmem:v39+s7+$0x0] =	vst.idx.msk $0xffff, v10;
	v16 =	vmul.f32 v40, v38;
	v41 =	vpop (erf)  }
0x2c5: {  	[tilespmem:v15+s7+$0x0] =	vst.idx.msk $0xffff, v11;
	v14 =	vmul.f32 v41, v14  }
0x2c6: {  	[tilespmem:v39+s8+$0x0] =	vst.idx.msk $0xffff, v31;
	v10 =	vadd.f32 v16, v10  }
0x2c7: {  	[tilespmem:v15+s8+$0x0] =	vst.idx.msk $0xffff, v32;
	v11 =	vadd.f32 v14, v11  }
0x2c8: {  	[tilespmem:v39+s9+$0x0] =	vst.idx.msk $0xffff, v10  }
0x2c9: {  	[tilespmem:v15+s9+$0x0] =	vst.idx.msk $0xffff, v11  }
0x2ca: {  	v10 =	vld @!p0 [tilespmem:s13+$0xFFFFFFFE];
	_ =	sdelay $0x4  }
0x2cb: {  	(v2sf) =	vpush @!p0 v10, $0x0;
	_ =	sdelay $0xe  }
0x2cc: {  	s16 =	spop @!p0 (v2sf)  }
0x2cd: {  	s16 =	sand.u32 @!p0 $0xFFFFF80, s16  }
0x2ce: {  	s18 =	simm.s32 @!p0 $0x8280;
	s17 =	sadd.s32 @!p0 s0, s16  }
0x2cf: {  	[tilespmem:s18], [sflag:$0x1] =	stream.strided.gather @!p0 [hbm4b:s17+s14], $0x1000, s15, s14, $0x38;
	[tilespmem:$0xF280] =	vst v63  }
0x2d0: {  	s16 =	sadd.s32 @!p0 s1, s16;
	s17 =	simm.s32 @!p0 $0xC280  }
0x2d1: {  	[tilespmem:s17], [sflag:$0x2] =	stream.strided.gather @!p0 [hbm4b:s16+s14], $0x1000, s15, s14, $0x38;
	[tilespmem:$0xF280] =	vst v63  }
0x2d2: {  	_ =	swait.ge [sflag:s5], $0x1000  }
0x2d3: {  	[sflag:s5] =	ssyncset.done $0x0  }
0x2d4: {  	[sflag:s5] =	ssyncadd.s32 $0xFFFFF000  }
0x2d5: {  	_ =	swait.ge [sflag:s6], $0x1000  }
0x2d6: {  	[sflag:s6] =	ssyncset.done $0x0  }
0x2d7: {  	[sflag:s6] =	ssyncadd.s32 $0xFFFFF000  }
0x2d8: {  	v10 =	vld [tilespmem:s13+$0xFFFFFFFB];
	_ =	sdelay $0x4  }
0x2d9: {  	(v2sf) =	vpush v10, $0x0;
	_ =	sdelay $0xe  }
0x2da: {  	s17 =	spop (v2sf)  }
0x2db: {  	s16 =	sand.u32 $0x7F, s17  }
0x2dc: {  	v10 =	vor.u32 s16, v0  }
0x2dd: {  	v11 =	vor.u32 s16, v1;
	_ =	sdelay $0x3  }
0x2de: {  	v42 =	vld.idx.msk [tilespmem:v10+s3+$0x0], $0xffff  }
0x2df: {  	v43 =	vld.idx.msk [tilespmem:v11+s3+$0x0], $0xffff  }
0x2e0: {  	s18 =	sadd.s32 $0xFFFFFFFF, s12  }
0x2e1: {  	v44 =	vmov s18  }
0x2e2: {  	v14 =	vand.u32 $0x7E, v44  }
0x2e3: {  	v14 =	vbroadcast v14, $0x0;
	v45 =	vmul.f32 $5.000000000e-01, v42  }
0x2e4: {  	v46 =	vmul.f32 $5.000000000e-01, v43  }
0x2e5: {  	v47 =	vor.u32 v8, v14;
	v15 =	vmul.f32 $1.442695020e+00, v45  }
0x2e6: {  	v16 =	vmul.f32 $1.442695020e+00, v46  }
0x2e7: {  	(erf) = vpow2.f32 v15  }
0x2e8: {  	v48 =	vor.u32 v9, v14;
	(erf) = vpow2.f32 v16;
	_ =	sdelay $0x1  }
0x2e9: {  	v49 =	vld.idx.msk [tilespmem:v47+s22+$0x0], $0xffff  }
0x2ea: {  	v10 =	vld.idx.msk [tilespmem:v10+s31+$0x0], $0xffff  }
0x2eb: {  	v50 =	vor.u32 v0, v14;
	v11 =	vld.idx.msk [tilespmem:v11+s31+$0x0], $0xffff  }
0x2ec: {  	v14 =	vor.u32 v1, v14;
	v15 =	vld.idx.msk [tilespmem:v48+s22+$0x0], $0xffff;
	_ =	sdelay $0x2  }
0x2ed: {  	v51 =	vpop (erf)  }
0x2ee: {  	[tilespmem:v50+s7+$0x0] =	vst.idx.msk $0xffff, v10;
	v16 =	vmul.f32 v51, v49;
	v52 =	vpop (erf)  }
0x2ef: {  	[tilespmem:v14+s7+$0x0] =	vst.idx.msk $0xffff, v11;
	v15 =	vmul.f32 v52, v15  }
0x2f0: {  	[tilespmem:v50+s8+$0x0] =	vst.idx.msk $0xffff, v42;
	v10 =	vadd.f32 v16, v10  }
0x2f1: {  	[tilespmem:v14+s8+$0x0] =	vst.idx.msk $0xffff, v43;
	v11 =	vadd.f32 v15, v11  }
0x2f2: {  	[tilespmem:v50+s9+$0x0] =	vst.idx.msk $0xffff, v10  }
0x2f3: {  	[tilespmem:v14+s9+$0x0] =	vst.idx.msk $0xffff, v11  }
0x2f4: {  	v10 =	vld @!p0 [tilespmem:s13+$0xFFFFFFFF];
	_ =	sdelay $0x4  }
0x2f5: {  	(v2sf) =	vpush @!p0 v10, $0x0;
	_ =	sdelay $0xe  }
0x2f6: {  	s16 =	spop @!p0 (v2sf)  }
0x2f7: {  	s16 =	sand.u32 @!p0 $0xFFFFF80, s16  }
0x2f8: {  	s18 =	simm.s32 @!p0 $0x9280;
	s17 =	sadd.s32 @!p0 s0, s16  }
0x2f9: {  	[tilespmem:s18], [sflag:$0x1] =	stream.strided.gather @!p0 [hbm4b:s17+s14], $0x1000, s15, s14, $0x38;
	[tilespmem:$0xF280] =	vst v63  }
0x2fa: {  	s16 =	sadd.s32 @!p0 s1, s16;
	s17 =	simm.s32 @!p0 $0xD280  }
0x2fb: {  	[tilespmem:s17], [sflag:$0x2] =	stream.strided.gather @!p0 [hbm4b:s16+s14], $0x1000, s15, s14, $0x38;
	[tilespmem:$0xF280] =	vst v63  }
0x2fc: {  	_ =	swait.ge [sflag:s5], $0x1000  }
0x2fd: {  	[sflag:s5] =	ssyncset.done $0x0  }
0x2fe: {  	[sflag:s5] =	ssyncadd.s32 $0xFFFFF000  }
0x2ff: {  	_ =	swait.ge [sflag:s6], $0x1000  }
0x300: {  	[sflag:s6] =	ssyncset.done $0x0  }
0x301: {  	[sflag:s6] =	ssyncadd.s32 $0xFFFFF000  }
0x302: {  	v10 =	vld [tilespmem:s13+$0xFFFFFFFC];
	_ =	sdelay $0x4  }
0x303: {  	(v2sf) =	vpush v10, $0x0;
	_ =	sdelay $0xe  }
0x304: {  	s17 =	spop (v2sf)  }
0x305: {  	s14 =	sand.u32 $0x7F, s17  }
0x306: {  	v10 =	vor.u32 s14, v0  }
0x307: {  	v11 =	vor.u32 s14, v1;
	_ =	sdelay $0x3  }
0x308: {  	v53 =	vld.idx.msk [tilespmem:v10+s4+$0x0], $0xffff  }
0x309: {  	v54 =	vld.idx.msk [tilespmem:v11+s4+$0x0], $0xffff;
	_ =	sdelay $0x1  }
0x30a: {  	v55 =	vmov s12  }
0x30b: {  	v14 =	vand.u32 $0x7F, v55  }
0x30c: {  	v14 =	vbroadcast v14, $0x0;
	v56 =	vmul.f32 $5.000000000e-01, v53  }
0x30d: {  	v57 =	vmul.f32 $5.000000000e-01, v54  }
0x30e: {  	v58 =	vor.u32 v8, v14;
	v15 =	vmul.f32 $1.442695020e+00, v56  }
0x30f: {  	v14 =	vor.u32 v9, v14;
	v16 =	vmul.f32 $1.442695020e+00, v57  }
0x310: {  	s18 =	sadd.s32 $0xFFFFFE80, s12;
	(erf) = vpow2.f32 v15  }
0x311: {  	v59 =	vmov s18;
	(erf) = vpow2.f32 v16  }
0x312: {  	v15 =	vand.u32 $0x7F, v59  }
0x313: {  	v60 =	vld.idx.msk [tilespmem:v58+s22+$0x0], $0xffff;
	v15 =	vbroadcast v15, $0x0  }
0x314: {  	v14 =	vld.idx.msk [tilespmem:v14+s22+$0x0], $0xffff  }
0x315: {  	v10 =	vld.idx.msk [tilespmem:v10+s2+$0x0], $0xffff;
	v61 =	vor.u32 v0, v15  }
0x316: {  	v11 =	vld.idx.msk [tilespmem:v11+s2+$0x0], $0xffff;
	v15 =	vor.u32 v1, v15;
	_ =	sdelay $0x2  }
0x317: {  	v62 =	vpop (erf)  }
0x318: {  	[tilespmem:v61+s7+$0x0] =	vst.idx.msk $0xffff, v10;
	v16 =	vmul.f32 v62, v60;
	v63 =	vpop (erf)  }
.Ltmp5:
0x319: {  	[tilespmem:v15+s7+$0x0] =	vst.idx.msk $0xffff, v11;
	v14 =	vmul.f32 v63, v14;
	(pc) =	sbr.rel @p0 .LBB2_10-.Ltmp5, $4  }
0x31a: {  	[tilespmem:v61+s8+$0x0] =	vst.idx.msk $0xffff, v53;
	v10 =	vadd.f32 v16, v10  }
0x31b: {  	[tilespmem:v15+s8+$0x0] =	vst.idx.msk $0xffff, v54;
	v11 =	vadd.f32 v14, v11  }
0x31c: {  	[tilespmem:v61+s9+$0x0] =	vst.idx.msk $0xffff, v10  }
0x31d: {  	[tilespmem:v15+s9+$0x0] =	vst.idx.msk $0xffff, v11  }
0x31e: {  	v10 =	vld [tilespmem:s13+$0x0];
	_ =	sdelay $0x4  }
0x31f: {  	(v2sf) =	vpush v10, $0x0;
	_ =	sdelay $0xe  }
0x320: {  	s14 =	spop (v2sf)  }
.Ltmp6:
0x321: {  	s14 =	sand.u32 $0xFFFFF80, s14;
	(pc) =	sbr.rel .LBB2_8-.Ltmp6, $4  }
0x322: {  	s15 =	sadd.s32 s0, s14  }
0x323: {  	[tilespmem:s2], [sflag:$0x1] =	stream.strided.gather [hbm4b:s15+s23], $0x1000, s25, s23, $0x38;
	[tilespmem:$0xF280] =	vst v63  }
0x324: {  	s12 =	sadd.s32 $0x4, s12;
	s13 =	sadd.s32 $0x4, s13;
	s14 =	sadd.s32 s1, s14  }
0x325: {  	[tilespmem:s4], [sflag:$0x2] =	stream.strided.gather [hbm4b:s14+s23], $0x1000, s25, s23, $0x38;
	[tilespmem:$0xF280] =	vst v63  }
.LBB2_11:
0x326: {  	_ =	sfence.sel $0x180000  }
0x327: {  	[bflag:$0x0] =	sbarrier.arrive $0xFFFF  }
0x328: {  	_ =	strace $0x90000047  }
0x329: {  	s0 =	stileid.u32;
	[bflag:$0x2] =	sbarrier.arrive $0xFFFF  }
0x32a: {  	p0 =	sne.s32 s0, $0x0;
	s0 =	rddreg [dreg:$0x7]  }
0x32b: {  	s0 =	sadd.s32 @!p0 $0x100000, s0  }
0x32c: {  	[sflag:s0] =	ssyncadd.tile.s32 @!p0 $0x1;
	_ =	shalt  }
.Lfunc_end2:
_tile_overlayer_lowered:
.L_overlay_start_2:
0x32d: {  	(tag) =	ssettag $0x2  }
0x32e: {  	s0 =	rddreg [dreg:$0x0];
	s2 =	stileid.u32  }
0x32f: {  	s1 =	rddreg [dreg:$0x1];
	p0 =	sne.s32 s2, $0x0  }
0x330: {  	s3 =	rddreg [dreg:$0x2];
	[bflag:$0x3] =	sbarrier.arrive $0xFFFF;
	s2 =	simm.s32 @!p0 $0x1C05  }
0x331: {  	[timem:s3], [sflag:s2] =	dma.local @!p0 [hbm:s0], s1  }
0x332: {  	s0 =	simm.s32 @!p0 $0x5  }
0x333: {  	_ =	swait.ge @!p0 [sflag:s0], s1  }
0x334: {  	s1 =	ssub.s32 @!p0 $0x0, s1;
	[sflag:s0] =	ssyncset.done @!p0 $0x0  }
0x335: {  	[sflag:s0] =	ssyncadd.s32 @!p0 s1  }
0x336: {  	[bflag:$0x3] =	sbarrier.arrive $0xFFFF  }
0x337: {  	_ =	shalt  }

</sc_bundles>
